<compile_context>
chip_gen: v7x
topology: tpu7x:2x2x1
jax: 0.10.2.dev20260603
libtpu: 0.0.44.dev20260713+nightly
codegen_flags: <defaults>
</compile_context>

<pallas_src>
import functools

import jax
import jax.numpy as jnp
from jax import lax
from jax.experimental import pallas as pl
from jax.experimental.pallas import tpu as pltpu
from jax.experimental.pallas import tpu_sc as plsc

NC = 2
NS = 16
NW = NC * NS
CHUNK = 128


def _sc_mesh():
    return plsc.VectorSubcoreMesh(core_axis_name="c", subcore_axis_name="s")


def _make_sc_fused(E, N, H):
    nch = E // CHUNK
    bc = nch // NW
    gextra = nch - bc * NW
    bs = nch // NS
    sextra = nch - bs * NS
    HP = H // 2
    rps = (N // NS) & ~7
    rrem = N - NS * rps

    NBG = 3
    NBS = 2
    NIX = 4

    out_ga = jax.ShapeDtypeStruct((E, HP), jnp.int32)
    out_gb = jax.ShapeDtypeStruct((E, HP), jnp.int32)
    out_agg = jax.ShapeDtypeStruct((NC, N, HP), jnp.float32)

    @functools.partial(
        pl.kernel,
        mesh=_sc_mesh(),
        out_type=(out_ga, out_gb, out_agg),
        compiler_params=pltpu.CompilerParams(use_tc_tiling_on_sc=False),
        scratch_types=[
            pltpu.VMEM((NIX, CHUNK), jnp.int32),
            pltpu.VMEM((NIX, CHUNK), jnp.int32),
            pltpu.VMEM((NIX, CHUNK), jnp.int32),
            pltpu.VMEM((NBG * CHUNK, HP), jnp.int32),
            pltpu.VMEM((NBG * CHUNK, HP), jnp.int32),
            pltpu.VMEM((NBS * CHUNK, HP), jnp.float32),
            pltpu.VMEM_SHARED((N, HP), jnp.float32),
            pltpu.SemaphoreType.DMA((NIX,)),
            pltpu.SemaphoreType.DMA((NIX,)),
            pltpu.SemaphoreType.DMA((NIX,)),
            pltpu.SemaphoreType.DMA((NBG,)),
            pltpu.SemaphoreType.DMA((NBG,)),
            pltpu.SemaphoreType.DMA((NBG,)),
            pltpu.SemaphoreType.DMA((NBG,)),
            pltpu.SemaphoreType.DMA((NBS,)),
            pltpu.SemaphoreType.DMA((NBS,)),
        ],
    )
    def fused_kernel(ta, tb, row, col, e_h, zeros_h,
                     outa, outb, agg_out,
                     idxgr, idxgc, idxs, bufa, bufb, ebuf, agg,
                     sixr, sixc, sixs, sga, sgb, swa, swb, sel, ssc):
        cid = lax.axis_index("c")
        sid = lax.axis_index("s")
        wid = sid * NC + cid
        gs = wid * bc + jnp.minimum(wid, gextra)
        gcnt = bc + jnp.where(wid < gextra, 1, 0)
        ss = sid * bs + jnp.minimum(sid, sextra)
        scnt = bs + jnp.where(sid < sextra, 1, 0)
        fb = cid * HP
        rbase = sid * rps

        def gidx_ops(u):
            off = (gs + u) * CHUNK
            s = u % NIX
            return (
                pltpu.make_async_copy(row.at[pl.ds(off, CHUNK)],
                                      idxgr.at[s], sixr.at[s]),
                pltpu.make_async_copy(col.at[pl.ds(off, CHUNK)],
                                      idxgc.at[s], sixc.at[s]),
            )

        def gather_ops(u):
            s = u % NBG
            return (
                pltpu.make_async_copy(ta.at[idxgr.at[u % NIX]],
                                      bufa.at[pl.ds(s * CHUNK, CHUNK)],
                                      sga.at[s]),
                pltpu.make_async_copy(tb.at[idxgc.at[u % NIX]],
                                      bufb.at[pl.ds(s * CHUNK, CHUNK)],
                                      sgb.at[s]),
            )

        def write_ops(u):
            off = (gs + u) * CHUNK
            s = u % NBG
            return (
                pltpu.make_async_copy(bufa.at[pl.ds(s * CHUNK, CHUNK)],
                                      outa.at[pl.ds(off, CHUNK)], swa.at[s]),
                pltpu.make_async_copy(bufb.at[pl.ds(s * CHUNK, CHUNK)],
                                      outb.at[pl.ds(off, CHUNK)], swb.at[s]),
            )

        def sidx_op(u):
            off = (ss + u) * CHUNK
            s = u % NIX
            return pltpu.make_async_copy(row.at[pl.ds(off, CHUNK)],
                                         idxs.at[s], sixs.at[s])

        def eload_op(u):
            off = (ss + u) * CHUNK
            s = u % NBS
            return pltpu.make_async_copy(
                e_h.at[pl.ds(off, CHUNK), pl.ds(fb, HP)],
                ebuf.at[pl.ds(s * CHUNK, CHUNK)], sel.at[s])

        def scat_op(u):
            s = u % NBS
            return pltpu.make_async_copy(ebuf.at[pl.ds(s * CHUNK, CHUNK)],
                                         agg.at[idxs.at[u % NIX]], ssc.at[s])

        def start(ops):
            for op in ops:
                op.start()

        def wait(ops):
            for op in ops:
                op.wait()

        start(gidx_ops(0))
        sidx_op(0).start()
        pltpu.sync_copy(zeros_h.at[pl.ds(rbase, rps)], agg.at[pl.ds(rbase, rps)])
        if rrem:
            @pl.when(sid == 0)
            def _():
                pltpu.sync_copy(zeros_h.at[pl.ds(NS * rps, rrem)],
                                agg.at[pl.ds(NS * rps, rrem)])
        plsc.subcore_barrier()

        tmax = jnp.maximum(gcnt, scnt)

        @pl.loop(0, tmax)
        def _(t):
            @pl.when(t < gcnt)
            def _():
                @pl.when(t + 1 < gcnt)
                def _():
                    start(gidx_ops(t + 1))

                @pl.when(t >= NBG)
                def _():
                    wait(write_ops(t - NBG))

                wait(gidx_ops(t))
                start(gather_ops(t))

                @pl.when(t >= 1)
                def _():
                    wait(gather_ops(t - 1))
                    start(write_ops(t - 1))

            @pl.when(t < scnt)
            def _():
                @pl.when(t + 1 < scnt)
                def _():
                    sidx_op(t + 1).start()

                @pl.when(t >= NBS)
                def _():
                    scat_op(t - NBS).wait()

                eload_op(t).start()

                @pl.when(t >= 1)
                def _():
                    eload_op(t - 1).wait()
                    sidx_op(t - 1).wait()
                    scat_op(t - 1).start(add=True)

        wait(gather_ops(gcnt - 1))
        start(write_ops(gcnt - 1))

        @pl.loop(jnp.maximum(gcnt - NBG, 0), gcnt)
        def _(t):
            wait(write_ops(t))

        eload_op(scnt - 1).wait()
        sidx_op(scnt - 1).wait()
        scat_op(scnt - 1).start(add=True)

        @pl.loop(jnp.maximum(scnt - NBS, 0), scnt)
        def _(t):
            scat_op(t).wait()

        plsc.subcore_barrier()
        pltpu.sync_copy(agg.at[pl.ds(rbase, rps)],
                        agg_out.at[cid, pl.ds(rbase, rps)])
        if rrem:
            @pl.when(sid == 0)
            def _():
                pltpu.sync_copy(agg.at[pl.ds(NS * rps, rrem)],
                                agg_out.at[cid, pl.ds(NS * rps, rrem)])

    return fused_kernel


def _unpack_pair(w):
    lo = jax.lax.bitcast_convert_type(jnp.left_shift(w, 16), jnp.float32)
    hi = jax.lax.bitcast_convert_type(
        jnp.bitwise_and(w, jnp.int32(-65536)), jnp.float32)
    return lo, hi


def _pack_pair(lo, hi):
    def rn(x):
        b = jax.lax.bitcast_convert_type(x, jnp.int32)
        return jax.lax.shift_right_logical(
            b + 0x7FFF + jnp.bitwise_and(jax.lax.shift_right_logical(b, 16), 1),
            16)
    return jnp.bitwise_or(rn(lo), jnp.left_shift(rn(hi), 16))


def _edge_body(ga_ref, gb_ref, e_ref, w1c_ref, w2l_ref, w2h_ref, b2_ref,
               out_ref):
    ev = e_ref[...]
    HP = ev.shape[1] // 2
    ga_lo, ga_hi = _unpack_pair(ga_ref[...])
    gb_lo, gb_hi = _unpack_pair(gb_ref[...])
    m = jnp.dot(ev.astype(jnp.bfloat16), w1c_ref[...],
                preferred_element_type=jnp.float32)
    xl = jnp.maximum(ga_lo + gb_lo + m[:, :HP], 0.0)
    xh = jnp.maximum(ga_hi + gb_hi + m[:, HP:], 0.0)
    out_ref[...] = (
        jnp.dot(xl.astype(jnp.bfloat16), w2l_ref[...],
                preferred_element_type=jnp.float32)
        + jnp.dot(xh.astype(jnp.bfloat16), w2h_ref[...],
                  preferred_element_type=jnp.float32)
        + ev + b2_ref[...])


def _proj_body(h_ref, w1a_ref, w1b_ref, b1_ref, oa_ref, ob_ref):
    hv = h_ref[...]
    HP = hv.shape[1] // 2
    oa = jnp.dot(
        hv, w1a_ref[...], preferred_element_type=jnp.float32) + b1_ref[...]
    ob = jnp.dot(hv, w1b_ref[...], preferred_element_type=jnp.float32)
    oa_ref[...] = _pack_pair(oa[:, :HP], oa[:, HP:])
    ob_ref[...] = _pack_pair(ob[:, :HP], ob[:, HP:])


def _node_body(h_ref, a0_ref, a1_ref, w1a_ref, w1b_ref, b1_ref, w2_ref, b2_ref,
               out_ref):
    agg = jnp.concatenate([a0_ref[...], a1_ref[...]], axis=1)
    x = (jnp.dot(h_ref[...], w1a_ref[...], preferred_element_type=jnp.float32)
         + jnp.dot(agg, w1b_ref[...], preferred_element_type=jnp.float32)
         + b1_ref[...])
    x = jnp.maximum(x, 0.0)
    out_ref[...] = jnp.dot(
        x, w2_ref[...], preferred_element_type=jnp.float32) + b2_ref[...] + h_ref[...]


def kernel(h, e, edge_index, edge_w1, edge_b1, edge_w2, edge_b2,
           gate_w1, gate_b1, gate_w2, gate_b2,
           node_w1, node_b1, node_w2, node_b2):
    N, H = h.shape
    E = e.shape[0]
    assert E % CHUNK == 0 and N % 8 == 0

    row = edge_index[0]
    col = edge_index[1]
    w1a, w1b, w1c = edge_w1[:H], edge_w1[H:2 * H], edge_w1[2 * H:]
    b1 = edge_b1.reshape(1, H)
    b2 = edge_b2.reshape(1, H)

    PT = 1000
    proj = pl.pallas_call(
        _proj_body,
        grid=(N // PT,),
        in_specs=[
            pl.BlockSpec((PT, H), lambda i: (i, 0)),
            pl.BlockSpec((H, H), lambda i: (0, 0)),
            pl.BlockSpec((H, H), lambda i: (0, 0)),
            pl.BlockSpec((1, H), lambda i: (0, 0)),
        ],
        out_specs=[
            pl.BlockSpec((PT, H // 2), lambda i: (i, 0)),
            pl.BlockSpec((PT, H // 2), lambda i: (i, 0)),
        ],
        out_shape=[
            jax.ShapeDtypeStruct((N, H // 2), jnp.int32),
            jax.ShapeDtypeStruct((N, H // 2), jnp.int32),
        ],
    )
    ha, hb = proj(h, w1a, w1b, b1)

    ga, gb, aggp = _make_sc_fused(E, N, H)(
        ha, hb, row, col, e, jnp.zeros((N, H // 2), jnp.float32))

    ET = 2000
    edge_feat = pl.pallas_call(
        _edge_body,
        grid=(E // ET,),
        in_specs=[
            pl.BlockSpec((ET, H // 2), lambda i: (i, 0)),
            pl.BlockSpec((ET, H // 2), lambda i: (i, 0)),
            pl.BlockSpec((ET, H), lambda i: (i, 0)),
            pl.BlockSpec((H, H), lambda i: (0, 0)),
            pl.BlockSpec((H // 2, H), lambda i: (0, 0)),
            pl.BlockSpec((H // 2, H), lambda i: (0, 0)),
            pl.BlockSpec((1, H), lambda i: (0, 0)),
        ],
        out_specs=pl.BlockSpec((ET, H), lambda i: (i, 0)),
        out_shape=jax.ShapeDtypeStruct((E, H), jnp.float32),
    )(ga, gb, e, w1c.astype(jnp.bfloat16),
      edge_w2[:H // 2].astype(jnp.bfloat16),
      edge_w2[H // 2:].astype(jnp.bfloat16), b2)

    nw1a, nw1b = node_w1[:H], node_w1[H:]
    NT = 1000
    h_out = pl.pallas_call(
        _node_body,
        grid=(N // NT,),
        in_specs=[
            pl.BlockSpec((NT, H), lambda i: (i, 0)),
            pl.BlockSpec((NT, H // 2), lambda i: (i, 0)),
            pl.BlockSpec((NT, H // 2), lambda i: (i, 0)),
            pl.BlockSpec((H, H), lambda i: (0, 0)),
            pl.BlockSpec((H, H), lambda i: (0, 0)),
            pl.BlockSpec((1, H), lambda i: (0, 0)),
            pl.BlockSpec((H, H), lambda i: (0, 0)),
            pl.BlockSpec((1, H), lambda i: (0, 0)),
        ],
        out_specs=pl.BlockSpec((NT, H), lambda i: (i, 0)),
        out_shape=jax.ShapeDtypeStruct((N, H), jnp.float32),
    )(h, aggp[0], aggp[1], nw1a, nw1b, node_b1.reshape(1, H), node_w2,
      node_b2.reshape(1, H))

    return (h_out, edge_feat)

# --- scband reference (transcript-rebuilt; emitter-appended) ---
"""Pipeline reference for scband-gnslayer-54657753809037 (READ-ONLY COPY).

The authoritative reference and input builder live on the scoring server;
editing this copy changes nothing except your own understanding.
"""

import jax, jax.numpy as jnp
import numpy as np

N = 10000
E = 320000
HID = 128

def _lin(key, fin, fout):
    k1, k2 = jax.random.split(key)
    s = 1.0 / np.sqrt(fin)
    w = jax.random.uniform(k1, (fin, fout), minval=-s, maxval=s, dtype=jnp.float32)
    b = jax.random.uniform(k2, (fout,), minval=-s, maxval=s, dtype=jnp.float32)
    return w, b

def setup_inputs(seed: int = 0):
    key = jax.random.key(seed)
    ks = jax.random.split(key, 9)
    h = jax.random.normal(ks[0], (N, HID), dtype=jnp.float32)
    e = jax.random.normal(ks[1], (E, HID), dtype=jnp.float32)
    edge_index = jax.random.randint(ks[2], (2, E), 0, N, dtype=jnp.int32)
    edge_w1, edge_b1 = _lin(ks[3], 3 * HID, HID)
    edge_w2, edge_b2 = _lin(ks[4], HID, HID)
    gate_w1, gate_b1 = _lin(ks[5], 3 * HID, HID)
    gate_w2, gate_b2 = _lin(ks[6], HID, 1)
    node_w1, node_b1 = _lin(ks[7], 2 * HID, HID)
    node_w2, node_b2 = _lin(ks[8], HID, HID)
    return {"h": h, "e": e, "edge_index": edge_index,
            "edge_w1": edge_w1, "edge_b1": edge_b1, "edge_w2": edge_w2, "edge_b2": edge_b2,
            "gate_w1": gate_w1, "gate_b1": gate_b1, "gate_w2": gate_w2, "gate_b2": gate_b2,
            "node_w1": node_w1, "node_b1": node_b1, "node_w2": node_w2, "node_b2": node_b2}

def reference(h, e, edge_index, edge_w1, edge_b1, edge_w2, edge_b2,
              gate_w1, gate_b1, gate_w2, gate_b2,
              node_w1, node_b1, node_w2, node_b2):
    row = edge_index[0]
    col = edge_index[1]
    # edge_model
    inp = jnp.concatenate([h[row], h[col], e], axis=1)
    _gate = jax.nn.sigmoid(jnp.dot(jax.nn.relu(jnp.dot(inp, gate_w1) + gate_b1), gate_w2) + gate_b2)  # computed but unused, as in torch forward
    edge_feat = jnp.dot(jax.nn.relu(jnp.dot(inp, edge_w1) + edge_b1), edge_w2) + edge_b2 + e
    # node_model (uses original e, scatter-add over row = unsorted_segment_sum)
    agg = jax.ops.segment_sum(e, row, num_segments=h.shape[0])
    node_in = jnp.concatenate([h, agg], axis=1)
    h_out = jnp.dot(jax.nn.relu(jnp.dot(node_in, node_w1) + node_b1), node_w2) + node_b2
    h_out = h_out + h  # recurrent
    return (h_out, edge_feat)

if __name__ == "__main__":
    import jax
    _d = setup_inputs()
    print(jax.jit(kernel)(*tuple(_d.values())))

</pallas_src>

<mosaic_0001>
#map = affine_map<(d0, d1) -> (0, 0)>
#map1 = affine_map<(d0, d1) -> (0)>
#map2 = affine_map<(d0, d1) -> (0, 0, 0)>
module attributes {stable_mosaic.version = 14 : i64} {
  func.func @fused_kernel(%arg0: i32, %arg1: i32, %arg2: memref<10000x64xi32, #tpu.memory_space<hbm>>, %arg3: memref<10000x64xi32, #tpu.memory_space<hbm>>, %arg4: memref<320000xi32, #tpu.memory_space<hbm>>, %arg5: memref<320000xi32, #tpu.memory_space<hbm>>, %arg6: memref<320000x128xf32, #tpu.memory_space<hbm>>, %arg7: memref<10000x64xf32, #tpu.memory_space<hbm>>, %arg8: memref<320000x64xi32, #tpu.memory_space<hbm>>, %arg9: memref<320000x64xi32, #tpu.memory_space<hbm>>, %arg10: memref<2x10000x64xf32, #tpu.memory_space<hbm>>, %arg11: memref<4x128xi32, #tpu.memory_space<vmem>>, %arg12: memref<4x128xi32, #tpu.memory_space<vmem>>, %arg13: memref<4x128xi32, #tpu.memory_space<vmem>>, %arg14: memref<384x64xi32, #tpu.memory_space<vmem>>, %arg15: memref<384x64xi32, #tpu.memory_space<vmem>>, %arg16: memref<256x64xf32, #tpu.memory_space<vmem>>, %arg17: memref<10000x64xf32, #tpu.memory_space<vmem_shared>>, %arg18: memref<4x!tpu.dma_semaphore, #tpu.memory_space<semaphore_mem>>, %arg19: memref<4x!tpu.dma_semaphore, #tpu.memory_space<semaphore_mem>>, %arg20: memref<4x!tpu.dma_semaphore, #tpu.memory_space<semaphore_mem>>, %arg21: memref<3x!tpu.dma_semaphore, #tpu.memory_space<semaphore_mem>>, %arg22: memref<3x!tpu.dma_semaphore, #tpu.memory_space<semaphore_mem>>, %arg23: memref<3x!tpu.dma_semaphore, #tpu.memory_space<semaphore_mem>>, %arg24: memref<3x!tpu.dma_semaphore, #tpu.memory_space<semaphore_mem>>, %arg25: memref<2x!tpu.dma_semaphore, #tpu.memory_space<semaphore_mem>>, %arg26: memref<2x!tpu.dma_semaphore, #tpu.memory_space<semaphore_mem>>) attributes {dimension_semantics = [#tpu.dimension_semantics<core_parallel>, #tpu.dimension_semantics<subcore_parallel>], iteration_bounds = array<i64: 2, 16>, scalar_prefetch = 0 : i64, scratch_operands = 16 : i64, tpu.core_type = #tpu.core_type<sc_vector_subcore>, window_params = [{transform_indices = #map}, {transform_indices = #map}, {transform_indices = #map1}, {transform_indices = #map1}, {transform_indices = #map}, {transform_indices = #map}, {transform_indices = #map}, {transform_indices = #map}, {transform_indices = #map2}]} {
    %mul3A = arith.constant 2 : i32
    %mul3A_0 = arith.muli %arg1, %mul3A : i32
    %add3A = arith.addi %mul3A_0, %arg0 : i32
    %mul3A_1 = arith.constant 78 : i32
    %mul3A_2 = arith.muli %add3A, %mul3A_1 : i32
    %min3A = arith.constant 4 : i32
    %min3A_3 = arith.minsi %add3A, %min3A : i32
    %add3A_4 = arith.addi %mul3A_2, %min3A_3 : i32
    %lt3A = arith.constant 4 : i32
    %lt3A_5 = arith.cmpi slt, %add3A, %lt3A : i32
    %jit3A = arith.constant 1 : i32
    %jit3A_6 = arith.constant 0 : i32
    %select_n3A = arith.select %lt3A_5, %jit3A, %jit3A_6 : i32
    %add3A_7 = arith.constant 78 : i32
    %add3A_8 = arith.addi %add3A_7, %select_n3A : i32
    %mul3A_9 = arith.constant 156 : i32
    %mul3A_10 = arith.muli %arg1, %mul3A_9 : i32
    %min3A_11 = arith.constant 4 : i32
    %min3A_12 = arith.minsi %arg1, %min3A_11 : i32
    %add3A_13 = arith.addi %mul3A_10, %min3A_12 : i32
    %lt3A_14 = arith.constant 4 : i32
    %lt3A_15 = arith.cmpi slt, %arg1, %lt3A_14 : i32
    %jit3A_16 = arith.constant 1 : i32
    %jit3A_17 = arith.constant 0 : i32
    %select_n3A_18 = arith.select %lt3A_15, %jit3A_16, %jit3A_17 : i32
    %add3A_19 = arith.constant 156 : i32
    %add3A_20 = arith.addi %add3A_19, %select_n3A_18 : i32
    %mul3A_21 = arith.constant 64 : i32
    %mul3A_22 = arith.muli %arg0, %mul3A_21 : i32
    %mul3A_23 = arith.constant 624 : i32
    %mul3A_24 = arith.muli %arg1, %mul3A_23 : i32
    %add3A_25 = arith.constant 0 : i32
    %add3A_26 = arith.addi %add3A_4, %add3A_25 : i32
    %mul3A_27 = arith.constant 128 : i32
    %mul3A_28 = arith.muli %add3A_26, %mul3A_27 : i32
    %dma_start3A = arith.constant 0 : i32
    %dma_start3A_29 = arith.constant 0 : i32
    %dma_start3A_30 = arith.constant 0 : i32
    %dma_start3A_31 = tpu.memref_slice %arg11[%dma_start3A, %dma_start3A_30] : memref<4x128xi32, #tpu.memory_space<vmem>> -> memref<1x128xi32, #tpu.memory_space<vmem>>
    %dma_start3A_32 = tpu.memref_squeeze %dma_start3A_31 : memref<1x128xi32, #tpu.memory_space<vmem>> -> memref<128xi32, #tpu.memory_space<vmem>>
    %dma_start3A_33 = tpu.memref_slice %arg4[%mul3A_28] : memref<320000xi32, #tpu.memory_space<hbm>> -> memref<128xi32, #tpu.memory_space<hbm>>
    %dma_start3A_34 = tpu.memref_slice %arg18[%dma_start3A_29] : memref<4x!tpu.dma_semaphore, #tpu.memory_space<semaphore_mem>> -> memref<1x!tpu.dma_semaphore, #tpu.memory_space<semaphore_mem>>
    %dma_start3A_35 = tpu.memref_squeeze %dma_start3A_34 : memref<1x!tpu.dma_semaphore, #tpu.memory_space<semaphore_mem>> -> memref<!tpu.dma_semaphore, #tpu.memory_space<semaphore_mem>>
    %dma_start3A_36 = arith.constant 0 : i32
    %dma_start3A_37 = tpu.memref_slice %arg11[%dma_start3A, %dma_start3A_36] : memref<4x128xi32, #tpu.memory_space<vmem>> -> memref<1x128xi32, #tpu.memory_space<vmem>>
    %dma_start3A_38 = tpu.memref_squeeze %dma_start3A_37 : memref<1x128xi32, #tpu.memory_space<vmem>> -> memref<128xi32, #tpu.memory_space<vmem>>
    %dma_start3A_39 = tpu.memref_slice %arg4[%mul3A_28] : memref<320000xi32, #tpu.memory_space<hbm>> -> memref<128xi32, #tpu.memory_space<hbm>>
    tpu.enqueue_dma source(%dma_start3A_39 : memref<128xi32, #tpu.memory_space<hbm>>) target(%dma_start3A_38 : memref<128xi32, #tpu.memory_space<vmem>>) target_semaphore(%dma_start3A_35 : memref<!tpu.dma_semaphore, #tpu.memory_space<semaphore_mem>>)
    %dma_start3A_40 = arith.constant 0 : i32
    %dma_start3A_41 = arith.constant 0 : i32
    %dma_start3A_42 = arith.constant 0 : i32
    %dma_start3A_43 = tpu.memref_slice %arg12[%dma_start3A_40, %dma_start3A_42] : memref<4x128xi32, #tpu.memory_space<vmem>> -> memref<1x128xi32, #tpu.memory_space<vmem>>
    %dma_start3A_44 = tpu.memref_squeeze %dma_start3A_43 : memref<1x128xi32, #tpu.memory_space<vmem>> -> memref<128xi32, #tpu.memory_space<vmem>>
    %dma_start3A_45 = tpu.memref_slice %arg5[%mul3A_28] : memref<320000xi32, #tpu.memory_space<hbm>> -> memref<128xi32, #tpu.memory_space<hbm>>
    %dma_start3A_46 = tpu.memref_slice %arg19[%dma_start3A_41] : memref<4x!tpu.dma_semaphore, #tpu.memory_space<semaphore_mem>> -> memref<1x!tpu.dma_semaphore, #tpu.memory_space<semaphore_mem>>
    %dma_start3A_47 = tpu.memref_squeeze %dma_start3A_46 : memref<1x!tpu.dma_semaphore, #tpu.memory_space<semaphore_mem>> -> memref<!tpu.dma_semaphore, #tpu.memory_space<semaphore_mem>>
    %dma_start3A_48 = arith.constant 0 : i32
    %dma_start3A_49 = tpu.memref_slice %arg12[%dma_start3A_40, %dma_start3A_48] : memref<4x128xi32, #tpu.memory_space<vmem>> -> memref<1x128xi32, #tpu.memory_space<vmem>>
    %dma_start3A_50 = tpu.memref_squeeze %dma_start3A_49 : memref<1x128xi32, #tpu.memory_space<vmem>> -> memref<128xi32, #tpu.memory_space<vmem>>
    %dma_start3A_51 = tpu.memref_slice %arg5[%mul3A_28] : memref<320000xi32, #tpu.memory_space<hbm>> -> memref<128xi32, #tpu.memory_space<hbm>>
    tpu.enqueue_dma source(%dma_start3A_51 : memref<128xi32, #tpu.memory_space<hbm>>) target(%dma_start3A_50 : memref<128xi32, #tpu.memory_space<vmem>>) target_semaphore(%dma_start3A_47 : memref<!tpu.dma_semaphore, #tpu.memory_space<semaphore_mem>>)
    %add3A_52 = arith.constant 0 : i32
    %add3A_53 = arith.addi %add3A_13, %add3A_52 : i32
    %mul3A_54 = arith.constant 128 : i32
    %mul3A_55 = arith.muli %add3A_53, %mul3A_54 : i32
    %dma_start3A_56 = arith.constant 0 : i32
    %dma_start3A_57 = arith.constant 0 : i32
    %dma_start3A_58 = arith.constant 0 : i32
    %dma_start3A_59 = tpu.memref_slice %arg13[%dma_start3A_56, %dma_start3A_58] : memref<4x128xi32, #tpu.memory_space<vmem>> -> memref<1x128xi32, #tpu.memory_space<vmem>>
    %dma_start3A_60 = tpu.memref_squeeze %dma_start3A_59 : memref<1x128xi32, #tpu.memory_space<vmem>> -> memref<128xi32, #tpu.memory_space<vmem>>
    %dma_start3A_61 = tpu.memref_slice %arg4[%mul3A_55] : memref<320000xi32, #tpu.memory_space<hbm>> -> memref<128xi32, #tpu.memory_space<hbm>>
    %dma_start3A_62 = tpu.memref_slice %arg20[%dma_start3A_57] : memref<4x!tpu.dma_semaphore, #tpu.memory_space<semaphore_mem>> -> memref<1x!tpu.dma_semaphore, #tpu.memory_space<semaphore_mem>>
    %dma_start3A_63 = tpu.memref_squeeze %dma_start3A_62 : memref<1x!tpu.dma_semaphore, #tpu.memory_space<semaphore_mem>> -> memref<!tpu.dma_semaphore, #tpu.memory_space<semaphore_mem>>
    %dma_start3A_64 = arith.constant 0 : i32
    %dma_start3A_65 = tpu.memref_slice %arg13[%dma_start3A_56, %dma_start3A_64] : memref<4x128xi32, #tpu.memory_space<vmem>> -> memref<1x128xi32, #tpu.memory_space<vmem>>
    %dma_start3A_66 = tpu.memref_squeeze %dma_start3A_65 : memref<1x128xi32, #tpu.memory_space<vmem>> -> memref<128xi32, #tpu.memory_space<vmem>>
    %dma_start3A_67 = tpu.memref_slice %arg4[%mul3A_55] : memref<320000xi32, #tpu.memory_space<hbm>> -> memref<128xi32, #tpu.memory_space<hbm>>
    tpu.enqueue_dma source(%dma_start3A_67 : memref<128xi32, #tpu.memory_space<hbm>>) target(%dma_start3A_66 : memref<128xi32, #tpu.memory_space<vmem>>) target_semaphore(%dma_start3A_63 : memref<!tpu.dma_semaphore, #tpu.memory_space<semaphore_mem>>)
    "tpu.region"() ({
      %run_scoped3A = tpu.sem_alloc : memref<!tpu.dma_semaphore, #tpu.memory_space<semaphore_mem>>
      %dma_start3A_357 = arith.constant 0 : i32
      %dma_start3A_358 = tpu.memref_slice %arg17[%mul3A_24, %dma_start3A_357] : memref<10000x64xf32, #tpu.memory_space<vmem_shared>> -> memref<624x64xf32, #tpu.memory_space<vmem_shared>>
      %dma_start3A_359 = arith.constant 0 : i32
      %dma_start3A_360 = tpu.memref_slice %arg7[%mul3A_24, %dma_start3A_359] : memref<10000x64xf32, #tpu.memory_space<hbm>> -> memref<624x64xf32, #tpu.memory_space<hbm>>
      tpu.enqueue_dma source(%dma_start3A_360 : memref<624x64xf32, #tpu.memory_space<hbm>>) target(%dma_start3A_358 : memref<624x64xf32, #tpu.memory_space<vmem_shared>>) target_semaphore(%run_scoped3A : memref<!tpu.dma_semaphore, #tpu.memory_space<semaphore_mem>>)
      %dma_wait3A_361 = arith.constant 0 : i32
      %dma_wait3A_362 = tpu.memref_slice %arg17[%mul3A_24, %dma_wait3A_361] : memref<10000x64xf32, #tpu.memory_space<vmem_shared>> -> memref<624x64xf32, #tpu.memory_space<vmem_shared>>
      %dma_wait3A_363 = arith.constant 0 : i32
      %dma_wait3A_364 = tpu.memref_slice %arg7[%mul3A_24, %dma_wait3A_363] : memref<10000x64xf32, #tpu.memory_space<hbm>> -> memref<624x64xf32, #tpu.memory_space<hbm>>
      tpu.wait_dma2 semaphore(%run_scoped3A : memref<!tpu.dma_semaphore, #tpu.memory_space<semaphore_mem>>) src(%dma_wait3A_364 : memref<624x64xf32, #tpu.memory_space<hbm>>) dst(%dma_wait3A_362 : memref<624x64xf32, #tpu.memory_space<vmem_shared>>)
      tpu.yield
    }) : () -> ()
    %eq3A = arith.constant 0 : i32
    %eq3A_68 = arith.cmpi eq, %arg1, %eq3A : i32
    %convert_element_type3A = arith.extui %eq3A_68 : i1 to i32
    %cond3A = arith.constant 0 : i32
    %cond3A_69 = arith.cmpi ne, %convert_element_type3A, %cond3A : i32
    scf.if %cond3A_69 {
      "tpu.region"() ({
        %run_scoped3A = tpu.sem_alloc : memref<!tpu.dma_semaphore, #tpu.memory_space<semaphore_mem>>
        %dma_start3A_357 = arith.constant 9984 : i32
        %dma_start3A_358 = arith.constant 0 : i32
        %dma_start3A_359 = tpu.memref_slice %arg17[%dma_start3A_357, %dma_start3A_358] : memref<10000x64xf32, #tpu.memory_space<vmem_shared>> -> memref<16x64xf32, #tpu.memory_space<vmem_shared>>
        %dma_start3A_360 = arith.constant 9984 : i32
        %dma_start3A_361 = arith.constant 0 : i32
        %dma_start3A_362 = tpu.memref_slice %arg7[%dma_start3A_360, %dma_start3A_361] : memref<10000x64xf32, #tpu.memory_space<hbm>> -> memref<16x64xf32, #tpu.memory_space<hbm>>
        tpu.enqueue_dma source(%dma_start3A_362 : memref<16x64xf32, #tpu.memory_space<hbm>>) target(%dma_start3A_359 : memref<16x64xf32, #tpu.memory_space<vmem_shared>>) target_semaphore(%run_scoped3A : memref<!tpu.dma_semaphore, #tpu.memory_space<semaphore_mem>>)
        %dma_wait3A_363 = arith.constant 9984 : i32
        %dma_wait3A_364 = arith.constant 0 : i32
        %dma_wait3A_365 = tpu.memref_slice %arg17[%dma_wait3A_363, %dma_wait3A_364] : memref<10000x64xf32, #tpu.memory_space<vmem_shared>> -> memref<16x64xf32, #tpu.memory_space<vmem_shared>>
        %dma_wait3A_366 = arith.constant 9984 : i32
        %dma_wait3A_367 = arith.constant 0 : i32
        %dma_wait3A_368 = tpu.memref_slice %arg7[%dma_wait3A_366, %dma_wait3A_367] : memref<10000x64xf32, #tpu.memory_space<hbm>> -> memref<16x64xf32, #tpu.memory_space<hbm>>
        tpu.wait_dma2 semaphore(%run_scoped3A : memref<!tpu.dma_semaphore, #tpu.memory_space<semaphore_mem>>) src(%dma_wait3A_368 : memref<16x64xf32, #tpu.memory_space<hbm>>) dst(%dma_wait3A_365 : memref<16x64xf32, #tpu.memory_space<vmem_shared>>)
        tpu.yield
      }) : () -> ()
    } else {
    }
    %barrier3A = arith.constant 0 : index
    tpu.barrier barrier_id(%barrier3A)
    %max3A = arith.maxsi %add3A_8, %add3A_20 : i32
    %sub3A = arith.constant 0 : i32
    %sub3A_70 = arith.subi %max3A, %sub3A : i32
    %sub3A_71 = arith.constant 1 : i32
    %sub3A_72 = arith.constant 1 : i32
    %sub3A_73 = arith.subi %sub3A_71, %sub3A_72 : i32
    %add3A_74 = arith.addi %sub3A_70, %sub3A_73 : i32
    %div3A = arith.constant 1 : i32
    %div3A_75 = arith.divsi %add3A_74, %div3A : i32
    %while3A = arith.constant 1 : i32
    %while3A_76 = arith.constant 0 : i32
    %while3A_77 = arith.constant 0 : i32
    %while3A_78 = arith.subi %div3A_75, %while3A_77 : i32
    %while3A_79 = arith.addi %while3A_77, %while3A_78 : i32
    %while3A_80 = arith.constant 1 : i32
    %while3A_81 = arith.divsi %while3A_78, %while3A_80 : i32
    %while3A_82 = arith.muli %while3A_81, %while3A_80 : i32
    %while3A_83 = arith.addi %while3A_77, %while3A_82 : i32
    %while3A_84 = arith.constant 1 : i32
    scf.for %while3A_357 = %while3A_77 to %while3A_83 step %while3A_84  : i32 {
      %mul3A_358 = arith.muli %while3A_357, %while3A : i32
      %add3A_359 = arith.addi %while3A_76, %mul3A_358 : i32
      %lt3A_360 = arith.cmpi slt, %add3A_359, %add3A_8 : i32
      %convert_element_type3A_361 = arith.extui %lt3A_360 : i1 to i32
      %cond3A_362 = arith.constant 0 : i32
      %cond3A_363 = arith.cmpi ne, %convert_element_type3A_361, %cond3A_362 : i32
      scf.if %cond3A_363 {
        %add3A_368 = arith.constant 1 : i32
        %add3A_369 = arith.addi %add3A_359, %add3A_368 : i32
        %lt3A_370 = arith.cmpi slt, %add3A_369, %add3A_8 : i32
        %convert_element_type3A_371 = arith.extui %lt3A_370 : i1 to i32
        %cond3A_372 = arith.constant 0 : i32
        %cond3A_373 = arith.cmpi ne, %convert_element_type3A_371, %cond3A_372 : i32
        scf.if %cond3A_373 {
          %add3A_494 = arith.constant 1 : i32
          %add3A_495 = arith.addi %add3A_359, %add3A_494 : i32
          %add3A_496 = arith.addi %add3A_4, %add3A_495 : i32
          %mul3A_497 = arith.constant 128 : i32
          %mul3A_498 = arith.muli %add3A_496, %mul3A_497 : i32
          %jit3A_499 = arith.constant 4 : i32
          %eq3A_500 = arith.constant 0 : i32
          %eq3A_501 = arith.cmpi eq, %jit3A_499, %eq3A_500 : i32
          %jit3A_502 = arith.constant 1 : i32
          %select_n3A_503 = arith.select %eq3A_501, %jit3A_502, %jit3A_499 : i32
          %rem3A_504 = arith.remsi %add3A_495, %select_n3A_503 : i32
          %ne3A_505 = arith.constant 0 : i32
          %ne3A_506 = arith.cmpi ne, %rem3A_504, %ne3A_505 : i32
          %lt3A_507 = arith.constant 0 : i32
          %lt3A_508 = arith.cmpi slt, %rem3A_504, %lt3A_507 : i32
          %lt3A_509 = arith.constant 0 : i32
          %lt3A_510 = arith.cmpi slt, %select_n3A_503, %lt3A_509 : i32
          %ne3A_511 = arith.xori %lt3A_508, %lt3A_510 : i1
          %and3A_512 = arith.andi %ne3A_511, %ne3A_506 : i1
          %add3A_513 = arith.addi %rem3A_504, %select_n3A_503 : i32
          %select_n3A_514 = arith.select %and3A_512, %add3A_513, %rem3A_504 : i32
          %dma_start3A_515 = arith.constant 0 : i32
          %dma_start3A_516 = tpu.memref_slice %arg11[%select_n3A_514, %dma_start3A_515] : memref<4x128xi32, #tpu.memory_space<vmem>> -> memref<1x128xi32, #tpu.memory_space<vmem>>
          %dma_start3A_517 = tpu.memref_squeeze %dma_start3A_516 : memref<1x128xi32, #tpu.memory_space<vmem>> -> memref<128xi32, #tpu.memory_space<vmem>>
          %dma_start3A_518 = tpu.memref_slice %arg4[%mul3A_498] : memref<320000xi32, #tpu.memory_space<hbm>> -> memref<128xi32, #tpu.memory_space<hbm>>
          %dma_start3A_519 = tpu.memref_slice %arg18[%select_n3A_514] : memref<4x!tpu.dma_semaphore, #tpu.memory_space<semaphore_mem>> -> memref<1x!tpu.dma_semaphore, #tpu.memory_space<semaphore_mem>>
          %dma_start3A_520 = tpu.memref_squeeze %dma_start3A_519 : memref<1x!tpu.dma_semaphore, #tpu.memory_space<semaphore_mem>> -> memref<!tpu.dma_semaphore, #tpu.memory_space<semaphore_mem>>
          %dma_start3A_521 = arith.constant 0 : i32
          %dma_start3A_522 = tpu.memref_slice %arg11[%select_n3A_514, %dma_start3A_521] : memref<4x128xi32, #tpu.memory_space<vmem>> -> memref<1x128xi32, #tpu.memory_space<vmem>>
          %dma_start3A_523 = tpu.memref_squeeze %dma_start3A_522 : memref<1x128xi32, #tpu.memory_space<vmem>> -> memref<128xi32, #tpu.memory_space<vmem>>
          %dma_start3A_524 = tpu.memref_slice %arg4[%mul3A_498] : memref<320000xi32, #tpu.memory_space<hbm>> -> memref<128xi32, #tpu.memory_space<hbm>>
          tpu.enqueue_dma source(%dma_start3A_524 : memref<128xi32, #tpu.memory_space<hbm>>) target(%dma_start3A_523 : memref<128xi32, #tpu.memory_space<vmem>>) target_semaphore(%dma_start3A_520 : memref<!tpu.dma_semaphore, #tpu.memory_space<semaphore_mem>>)
          %dma_start3A_525 = arith.constant 0 : i32
          %dma_start3A_526 = tpu.memref_slice %arg12[%select_n3A_514, %dma_start3A_525] : memref<4x128xi32, #tpu.memory_space<vmem>> -> memref<1x128xi32, #tpu.memory_space<vmem>>
          %dma_start3A_527 = tpu.memref_squeeze %dma_start3A_526 : memref<1x128xi32, #tpu.memory_space<vmem>> -> memref<128xi32, #tpu.memory_space<vmem>>
          %dma_start3A_528 = tpu.memref_slice %arg5[%mul3A_498] : memref<320000xi32, #tpu.memory_space<hbm>> -> memref<128xi32, #tpu.memory_space<hbm>>
          %dma_start3A_529 = tpu.memref_slice %arg19[%select_n3A_514] : memref<4x!tpu.dma_semaphore, #tpu.memory_space<semaphore_mem>> -> memref<1x!tpu.dma_semaphore, #tpu.memory_space<semaphore_mem>>
          %dma_start3A_530 = tpu.memref_squeeze %dma_start3A_529 : memref<1x!tpu.dma_semaphore, #tpu.memory_space<semaphore_mem>> -> memref<!tpu.dma_semaphore, #tpu.memory_space<semaphore_mem>>
          %dma_start3A_531 = arith.constant 0 : i32
          %dma_start3A_532 = tpu.memref_slice %arg12[%select_n3A_514, %dma_start3A_531] : memref<4x128xi32, #tpu.memory_space<vmem>> -> memref<1x128xi32, #tpu.memory_space<vmem>>
          %dma_start3A_533 = tpu.memref_squeeze %dma_start3A_532 : memref<1x128xi32, #tpu.memory_space<vmem>> -> memref<128xi32, #tpu.memory_space<vmem>>
          %dma_start3A_534 = tpu.memref_slice %arg5[%mul3A_498] : memref<320000xi32, #tpu.memory_space<hbm>> -> memref<128xi32, #tpu.memory_space<hbm>>
          tpu.enqueue_dma source(%dma_start3A_534 : memref<128xi32, #tpu.memory_space<hbm>>) target(%dma_start3A_533 : memref<128xi32, #tpu.memory_space<vmem>>) target_semaphore(%dma_start3A_530 : memref<!tpu.dma_semaphore, #tpu.memory_space<semaphore_mem>>)
        } else {
        }
        %ge3A = arith.constant 3 : i32
        %ge3A_374 = arith.cmpi sge, %add3A_359, %ge3A : i32
        %convert_element_type3A_375 = arith.extui %ge3A_374 : i1 to i32
        %cond3A_376 = arith.constant 0 : i32
        %cond3A_377 = arith.cmpi ne, %convert_element_type3A_375, %cond3A_376 : i32
        scf.if %cond3A_377 {
          %sub3A_494 = arith.constant 3 : i32
          %sub3A_495 = arith.subi %add3A_359, %sub3A_494 : i32
          %add3A_496 = arith.addi %add3A_4, %sub3A_495 : i32
          %mul3A_497 = arith.constant 128 : i32
          %mul3A_498 = arith.muli %add3A_496, %mul3A_497 : i32
          %jit3A_499 = arith.constant 3 : i32
          %eq3A_500 = arith.constant 0 : i32
          %eq3A_501 = arith.cmpi eq, %jit3A_499, %eq3A_500 : i32
          %jit3A_502 = arith.constant 1 : i32
          %select_n3A_503 = arith.select %eq3A_501, %jit3A_502, %jit3A_499 : i32
          %rem3A_504 = arith.remsi %sub3A_495, %select_n3A_503 : i32
          %ne3A_505 = arith.constant 0 : i32
          %ne3A_506 = arith.cmpi ne, %rem3A_504, %ne3A_505 : i32
          %lt3A_507 = arith.constant 0 : i32
          %lt3A_508 = arith.cmpi slt, %rem3A_504, %lt3A_507 : i32
          %lt3A_509 = arith.constant 0 : i32
          %lt3A_510 = arith.cmpi slt, %select_n3A_503, %lt3A_509 : i32
          %ne3A_511 = arith.xori %lt3A_508, %lt3A_510 : i1
          %and3A_512 = arith.andi %ne3A_511, %ne3A_506 : i1
          %add3A_513 = arith.addi %rem3A_504, %select_n3A_503 : i32
          %select_n3A_514 = arith.select %and3A_512, %add3A_513, %rem3A_504 : i32
          %mul3A_515 = arith.constant 128 : i32
          %mul3A_516 = arith.muli %select_n3A_514, %mul3A_515 : i32
          %mul3A_517 = arith.constant 128 : i32
          %mul3A_518 = arith.muli %select_n3A_514, %mul3A_517 : i32
          %dma_wait3A_519 = arith.constant 0 : i32
          %dma_wait3A_520 = tpu.memref_slice %arg14[%mul3A_516, %dma_wait3A_519] : memref<384x64xi32, #tpu.memory_space<vmem>> -> memref<128x64xi32, #tpu.memory_space<vmem>>
          %dma_wait3A_521 = arith.constant 0 : i32
          %dma_wait3A_522 = tpu.memref_slice %arg8[%mul3A_498, %dma_wait3A_521] : memref<320000x64xi32, #tpu.memory_space<hbm>> -> memref<128x64xi32, #tpu.memory_space<hbm>>
          %dma_wait3A_523 = tpu.memref_slice %arg23[%select_n3A_514] : memref<3x!tpu.dma_semaphore, #tpu.memory_space<semaphore_mem>> -> memref<1x!tpu.dma_semaphore, #tpu.memory_space<semaphore_mem>>
          %dma_wait3A_524 = tpu.memref_squeeze %dma_wait3A_523 : memref<1x!tpu.dma_semaphore, #tpu.memory_space<semaphore_mem>> -> memref<!tpu.dma_semaphore, #tpu.memory_space<semaphore_mem>>
          %dma_wait3A_525 = arith.constant 0 : i32
          %dma_wait3A_526 = tpu.memref_slice %arg8[%mul3A_498, %dma_wait3A_525] : memref<320000x64xi32, #tpu.memory_space<hbm>> -> memref<128x64xi32, #tpu.memory_space<hbm>>
          %dma_wait3A_527 = arith.constant 0 : i32
          %dma_wait3A_528 = tpu.memref_slice %arg14[%mul3A_516, %dma_wait3A_527] : memref<384x64xi32, #tpu.memory_space<vmem>> -> memref<128x64xi32, #tpu.memory_space<vmem>>
          tpu.wait_dma2 semaphore(%dma_wait3A_524 : memref<!tpu.dma_semaphore, #tpu.memory_space<semaphore_mem>>) src(%dma_wait3A_528 : memref<128x64xi32, #tpu.memory_space<vmem>>) dst(%dma_wait3A_526 : memref<128x64xi32, #tpu.memory_space<hbm>>)
          %dma_wait3A_529 = arith.constant 0 : i32
          %dma_wait3A_530 = tpu.memref_slice %arg15[%mul3A_518, %dma_wait3A_529] : memref<384x64xi32, #tpu.memory_space<vmem>> -> memref<128x64xi32, #tpu.memory_space<vmem>>
          %dma_wait3A_531 = arith.constant 0 : i32
          %dma_wait3A_532 = tpu.memref_slice %arg9[%mul3A_498, %dma_wait3A_531] : memref<320000x64xi32, #tpu.memory_space<hbm>> -> memref<128x64xi32, #tpu.memory_space<hbm>>
          %dma_wait3A_533 = tpu.memref_slice %arg24[%select_n3A_514] : memref<3x!tpu.dma_semaphore, #tpu.memory_space<semaphore_mem>> -> memref<1x!tpu.dma_semaphore, #tpu.memory_space<semaphore_mem>>
          %dma_wait3A_534 = tpu.memref_squeeze %dma_wait3A_533 : memref<1x!tpu.dma_semaphore, #tpu.memory_space<semaphore_mem>> -> memref<!tpu.dma_semaphore, #tpu.memory_space<semaphore_mem>>
          %dma_wait3A_535 = arith.constant 0 : i32
          %dma_wait3A_536 = tpu.memref_slice %arg9[%mul3A_498, %dma_wait3A_535] : memref<320000x64xi32, #tpu.memory_space<hbm>> -> memref<128x64xi32, #tpu.memory_space<hbm>>
          %dma_wait3A_537 = arith.constant 0 : i32
          %dma_wait3A_538 = tpu.memref_slice %arg15[%mul3A_518, %dma_wait3A_537] : memref<384x64xi32, #tpu.memory_space<vmem>> -> memref<128x64xi32, #tpu.memory_space<vmem>>
          tpu.wait_dma2 semaphore(%dma_wait3A_534 : memref<!tpu.dma_semaphore, #tpu.memory_space<semaphore_mem>>) src(%dma_wait3A_538 : memref<128x64xi32, #tpu.memory_space<vmem>>) dst(%dma_wait3A_536 : memref<128x64xi32, #tpu.memory_space<hbm>>)
        } else {
        }
        %add3A_378 = arith.addi %add3A_4, %add3A_359 : i32
        %mul3A_379 = arith.constant 128 : i32
        %mul3A_380 = arith.muli %add3A_378, %mul3A_379 : i32
        %jit3A_381 = arith.constant 4 : i32
        %eq3A_382 = arith.constant 0 : i32
        %eq3A_383 = arith.cmpi eq, %jit3A_381, %eq3A_382 : i32
        %jit3A_384 = arith.constant 1 : i32
        %select_n3A_385 = arith.select %eq3A_383, %jit3A_384, %jit3A_381 : i32
        %rem3A_386 = arith.remsi %add3A_359, %select_n3A_385 : i32
        %ne3A_387 = arith.constant 0 : i32
        %ne3A_388 = arith.cmpi ne, %rem3A_386, %ne3A_387 : i32
        %lt3A_389 = arith.constant 0 : i32
        %lt3A_390 = arith.cmpi slt, %rem3A_386, %lt3A_389 : i32
        %lt3A_391 = arith.constant 0 : i32
        %lt3A_392 = arith.cmpi slt, %select_n3A_385, %lt3A_391 : i32
        %ne3A_393 = arith.xori %lt3A_390, %lt3A_392 : i1
        %and3A_394 = arith.andi %ne3A_393, %ne3A_388 : i1
        %add3A_395 = arith.addi %rem3A_386, %select_n3A_385 : i32
        %select_n3A_396 = arith.select %and3A_394, %add3A_395, %rem3A_386 : i32
        %dma_wait3A_397 = arith.constant 0 : i32
        %dma_wait3A_398 = tpu.memref_slice %arg11[%select_n3A_396, %dma_wait3A_397] : memref<4x128xi32, #tpu.memory_space<vmem>> -> memref<1x128xi32, #tpu.memory_space<vmem>>
        %dma_wait3A_399 = tpu.memref_squeeze %dma_wait3A_398 : memref<1x128xi32, #tpu.memory_space<vmem>> -> memref<128xi32, #tpu.memory_space<vmem>>
        %dma_wait3A_400 = tpu.memref_slice %arg4[%mul3A_380] : memref<320000xi32, #tpu.memory_space<hbm>> -> memref<128xi32, #tpu.memory_space<hbm>>
        %dma_wait3A_401 = tpu.memref_slice %arg18[%select_n3A_396] : memref<4x!tpu.dma_semaphore, #tpu.memory_space<semaphore_mem>> -> memref<1x!tpu.dma_semaphore, #tpu.memory_space<semaphore_mem>>
        %dma_wait3A_402 = tpu.memref_squeeze %dma_wait3A_401 : memref<1x!tpu.dma_semaphore, #tpu.memory_space<semaphore_mem>> -> memref<!tpu.dma_semaphore, #tpu.memory_space<semaphore_mem>>
        %dma_wait3A_403 = arith.constant 0 : i32
        %dma_wait3A_404 = tpu.memref_slice %arg11[%select_n3A_396, %dma_wait3A_403] : memref<4x128xi32, #tpu.memory_space<vmem>> -> memref<1x128xi32, #tpu.memory_space<vmem>>
        %dma_wait3A_405 = tpu.memref_squeeze %dma_wait3A_404 : memref<1x128xi32, #tpu.memory_space<vmem>> -> memref<128xi32, #tpu.memory_space<vmem>>
        %dma_wait3A_406 = tpu.memref_slice %arg4[%mul3A_380] : memref<320000xi32, #tpu.memory_space<hbm>> -> memref<128xi32, #tpu.memory_space<hbm>>
        tpu.wait_dma2 semaphore(%dma_wait3A_402 : memref<!tpu.dma_semaphore, #tpu.memory_space<semaphore_mem>>) src(%dma_wait3A_406 : memref<128xi32, #tpu.memory_space<hbm>>) dst(%dma_wait3A_405 : memref<128xi32, #tpu.memory_space<vmem>>)
        %dma_wait3A_407 = arith.constant 0 : i32
        %dma_wait3A_408 = tpu.memref_slice %arg12[%select_n3A_396, %dma_wait3A_407] : memref<4x128xi32, #tpu.memory_space<vmem>> -> memref<1x128xi32, #tpu.memory_space<vmem>>
        %dma_wait3A_409 = tpu.memref_squeeze %dma_wait3A_408 : memref<1x128xi32, #tpu.memory_space<vmem>> -> memref<128xi32, #tpu.memory_space<vmem>>
        %dma_wait3A_410 = tpu.memref_slice %arg5[%mul3A_380] : memref<320000xi32, #tpu.memory_space<hbm>> -> memref<128xi32, #tpu.memory_space<hbm>>
        %dma_wait3A_411 = tpu.memref_slice %arg19[%select_n3A_396] : memref<4x!tpu.dma_semaphore, #tpu.memory_space<semaphore_mem>> -> memref<1x!tpu.dma_semaphore, #tpu.memory_space<semaphore_mem>>
        %dma_wait3A_412 = tpu.memref_squeeze %dma_wait3A_411 : memref<1x!tpu.dma_semaphore, #tpu.memory_space<semaphore_mem>> -> memref<!tpu.dma_semaphore, #tpu.memory_space<semaphore_mem>>
        %dma_wait3A_413 = arith.constant 0 : i32
        %dma_wait3A_414 = tpu.memref_slice %arg12[%select_n3A_396, %dma_wait3A_413] : memref<4x128xi32, #tpu.memory_space<vmem>> -> memref<1x128xi32, #tpu.memory_space<vmem>>
        %dma_wait3A_415 = tpu.memref_squeeze %dma_wait3A_414 : memref<1x128xi32, #tpu.memory_space<vmem>> -> memref<128xi32, #tpu.memory_space<vmem>>
        %dma_wait3A_416 = tpu.memref_slice %arg5[%mul3A_380] : memref<320000xi32, #tpu.memory_space<hbm>> -> memref<128xi32, #tpu.memory_space<hbm>>
        tpu.wait_dma2 semaphore(%dma_wait3A_412 : memref<!tpu.dma_semaphore, #tpu.memory_space<semaphore_mem>>) src(%dma_wait3A_416 : memref<128xi32, #tpu.memory_space<hbm>>) dst(%dma_wait3A_415 : memref<128xi32, #tpu.memory_space<vmem>>)
        %jit3A_417 = arith.constant 3 : i32
        %eq3A_418 = arith.constant 0 : i32
        %eq3A_419 = arith.cmpi eq, %jit3A_417, %eq3A_418 : i32
        %jit3A_420 = arith.constant 1 : i32
        %select_n3A_421 = arith.select %eq3A_419, %jit3A_420, %jit3A_417 : i32
        %rem3A_422 = arith.remsi %add3A_359, %select_n3A_421 : i32
        %ne3A_423 = arith.constant 0 : i32
        %ne3A_424 = arith.cmpi ne, %rem3A_422, %ne3A_423 : i32
        %lt3A_425 = arith.constant 0 : i32
        %lt3A_426 = arith.cmpi slt, %rem3A_422, %lt3A_425 : i32
        %lt3A_427 = arith.constant 0 : i32
        %lt3A_428 = arith.cmpi slt, %select_n3A_421, %lt3A_427 : i32
        %ne3A_429 = arith.xori %lt3A_426, %lt3A_428 : i1
        %and3A_430 = arith.andi %ne3A_429, %ne3A_424 : i1
        %add3A_431 = arith.addi %rem3A_422, %select_n3A_421 : i32
        %select_n3A_432 = arith.select %and3A_430, %add3A_431, %rem3A_422 : i32
        %jit3A_433 = arith.constant 4 : i32
        %eq3A_434 = arith.constant 0 : i32
        %eq3A_435 = arith.cmpi eq, %jit3A_433, %eq3A_434 : i32
        %jit3A_436 = arith.constant 1 : i32
        %select_n3A_437 = arith.select %eq3A_435, %jit3A_436, %jit3A_433 : i32
        %rem3A_438 = arith.remsi %add3A_359, %select_n3A_437 : i32
        %ne3A_439 = arith.constant 0 : i32
        %ne3A_440 = arith.cmpi ne, %rem3A_438, %ne3A_439 : i32
        %lt3A_441 = arith.constant 0 : i32
        %lt3A_442 = arith.cmpi slt, %rem3A_438, %lt3A_441 : i32
        %lt3A_443 = arith.constant 0 : i32
        %lt3A_444 = arith.cmpi slt, %select_n3A_437, %lt3A_443 : i32
        %ne3A_445 = arith.xori %lt3A_442, %lt3A_444 : i1
        %and3A_446 = arith.andi %ne3A_445, %ne3A_440 : i1
        %add3A_447 = arith.addi %rem3A_438, %select_n3A_437 : i32
        %select_n3A_448 = arith.select %and3A_446, %add3A_447, %rem3A_438 : i32
        %mul3A_449 = arith.constant 128 : i32
        %mul3A_450 = arith.muli %select_n3A_432, %mul3A_449 : i32
        %jit3A_451 = arith.constant 4 : i32
        %eq3A_452 = arith.constant 0 : i32
        %eq3A_453 = arith.cmpi eq, %jit3A_451, %eq3A_452 : i32
        %jit3A_454 = arith.constant 1 : i32
        %select_n3A_455 = arith.select %eq3A_453, %jit3A_454, %jit3A_451 : i32
        %rem3A_456 = arith.remsi %add3A_359, %select_n3A_455 : i32
        %ne3A_457 = arith.constant 0 : i32
        %ne3A_458 = arith.cmpi ne, %rem3A_456, %ne3A_457 : i32
        %lt3A_459 = arith.constant 0 : i32
        %lt3A_460 = arith.cmpi slt, %rem3A_456, %lt3A_459 : i32
        %lt3A_461 = arith.constant 0 : i32
        %lt3A_462 = arith.cmpi slt, %select_n3A_455, %lt3A_461 : i32
        %ne3A_463 = arith.xori %lt3A_460, %lt3A_462 : i1
        %and3A_464 = arith.andi %ne3A_463, %ne3A_458 : i1
        %add3A_465 = arith.addi %rem3A_456, %select_n3A_455 : i32
        %select_n3A_466 = arith.select %and3A_464, %add3A_465, %rem3A_456 : i32
        %mul3A_467 = arith.constant 128 : i32
        %mul3A_468 = arith.muli %select_n3A_432, %mul3A_467 : i32
        %dma_start3A_469 = arith.constant 0 : i32
        %dma_start3A_470 = tpu.memref_slice %arg14[%mul3A_450, %dma_start3A_469] : memref<384x64xi32, #tpu.memory_space<vmem>> -> memref<128x64xi32, #tpu.memory_space<vmem>>
        %dma_start3A_471 = arith.constant 0 : i32
        %dma_start3A_472 = tpu.memref_slice %arg11[%select_n3A_448, %dma_start3A_471] : memref<4x128xi32, #tpu.memory_space<vmem>> -> memref<1x128xi32, #tpu.memory_space<vmem>>
        %dma_start3A_473 = tpu.memref_squeeze %dma_start3A_472 : memref<1x128xi32, #tpu.memory_space<vmem>> -> memref<128xi32, #tpu.memory_space<vmem>>
        %dma_start3A_474 = arith.constant 0 : i32
        %dma_start3A_475 = arith.constant 0 : i32
        %dma_start3A_476 = tpu.memref_slice %arg2[%dma_start3A_474, %dma_start3A_475] : memref<10000x64xi32, #tpu.memory_space<hbm>> -> memref<10000x64xi32, #tpu.memory_space<hbm>>
        %dma_start3A_477 = tpu.memref_slice %arg21[%select_n3A_432] : memref<3x!tpu.dma_semaphore, #tpu.memory_space<semaphore_mem>> -> memref<1x!tpu.dma_semaphore, #tpu.memory_space<semaphore_mem>>
        %dma_start3A_478 = tpu.memref_squeeze %dma_start3A_477 : memref<1x!tpu.dma_semaphore, #tpu.memory_space<semaphore_mem>> -> memref<!tpu.dma_semaphore, #tpu.memory_space<semaphore_mem>>
        tpu.enqueue_indirect_dma source(%dma_start3A_476 : memref<10000x64xi32, #tpu.memory_space<hbm>>) target(%dma_start3A_470 : memref<128x64xi32, #tpu.memory_space<vmem>>) offsets(%dma_start3A_473 : memref<128xi32, #tpu.memory_space<vmem>>) semaphore(%dma_start3A_478 : memref<!tpu.dma_semaphore, #tpu.memory_space<semaphore_mem>>)
        %dma_start3A_479 = arith.constant 0 : i32
        %dma_start3A_480 = tpu.memref_slice %arg15[%mul3A_468, %dma_start3A_479] : memref<384x64xi32, #tpu.memory_space<vmem>> -> memref<128x64xi32, #tpu.memory_space<vmem>>
        %dma_start3A_481 = arith.constant 0 : i32
        %dma_start3A_482 = tpu.memref_slice %arg12[%select_n3A_466, %dma_start3A_481] : memref<4x128xi32, #tpu.memory_space<vmem>> -> memref<1x128xi32, #tpu.memory_space<vmem>>
        %dma_start3A_483 = tpu.memref_squeeze %dma_start3A_482 : memref<1x128xi32, #tpu.memory_space<vmem>> -> memref<128xi32, #tpu.memory_space<vmem>>
        %dma_start3A_484 = arith.constant 0 : i32
        %dma_start3A_485 = arith.constant 0 : i32
        %dma_start3A_486 = tpu.memref_slice %arg3[%dma_start3A_484, %dma_start3A_485] : memref<10000x64xi32, #tpu.memory_space<hbm>> -> memref<10000x64xi32, #tpu.memory_space<hbm>>
        %dma_start3A_487 = tpu.memref_slice %arg22[%select_n3A_432] : memref<3x!tpu.dma_semaphore, #tpu.memory_space<semaphore_mem>> -> memref<1x!tpu.dma_semaphore, #tpu.memory_space<semaphore_mem>>
        %dma_start3A_488 = tpu.memref_squeeze %dma_start3A_487 : memref<1x!tpu.dma_semaphore, #tpu.memory_space<semaphore_mem>> -> memref<!tpu.dma_semaphore, #tpu.memory_space<semaphore_mem>>
        tpu.enqueue_indirect_dma source(%dma_start3A_486 : memref<10000x64xi32, #tpu.memory_space<hbm>>) target(%dma_start3A_480 : memref<128x64xi32, #tpu.memory_space<vmem>>) offsets(%dma_start3A_483 : memref<128xi32, #tpu.memory_space<vmem>>) semaphore(%dma_start3A_488 : memref<!tpu.dma_semaphore, #tpu.memory_space<semaphore_mem>>)
        %ge3A_489 = arith.constant 1 : i32
        %ge3A_490 = arith.cmpi sge, %add3A_359, %ge3A_489 : i32
        %convert_element_type3A_491 = arith.extui %ge3A_490 : i1 to i32
        %cond3A_492 = arith.constant 0 : i32
        %cond3A_493 = arith.cmpi ne, %convert_element_type3A_491, %cond3A_492 : i32
        scf.if %cond3A_493 {
          %sub3A_494 = arith.constant 1 : i32
          %sub3A_495 = arith.subi %add3A_359, %sub3A_494 : i32
          %jit3A_496 = arith.constant 3 : i32
          %eq3A_497 = arith.constant 0 : i32
          %eq3A_498 = arith.cmpi eq, %jit3A_496, %eq3A_497 : i32
          %jit3A_499 = arith.constant 1 : i32
          %select_n3A_500 = arith.select %eq3A_498, %jit3A_499, %jit3A_496 : i32
          %rem3A_501 = arith.remsi %sub3A_495, %select_n3A_500 : i32
          %ne3A_502 = arith.constant 0 : i32
          %ne3A_503 = arith.cmpi ne, %rem3A_501, %ne3A_502 : i32
          %lt3A_504 = arith.constant 0 : i32
          %lt3A_505 = arith.cmpi slt, %rem3A_501, %lt3A_504 : i32
          %lt3A_506 = arith.constant 0 : i32
          %lt3A_507 = arith.cmpi slt, %select_n3A_500, %lt3A_506 : i32
          %ne3A_508 = arith.xori %lt3A_505, %lt3A_507 : i1
          %and3A_509 = arith.andi %ne3A_508, %ne3A_503 : i1
          %add3A_510 = arith.addi %rem3A_501, %select_n3A_500 : i32
          %select_n3A_511 = arith.select %and3A_509, %add3A_510, %rem3A_501 : i32
          %jit3A_512 = arith.constant 4 : i32
          %eq3A_513 = arith.constant 0 : i32
          %eq3A_514 = arith.cmpi eq, %jit3A_512, %eq3A_513 : i32
          %jit3A_515 = arith.constant 1 : i32
          %select_n3A_516 = arith.select %eq3A_514, %jit3A_515, %jit3A_512 : i32
          %rem3A_517 = arith.remsi %sub3A_495, %select_n3A_516 : i32
          %ne3A_518 = arith.constant 0 : i32
          %ne3A_519 = arith.cmpi ne, %rem3A_517, %ne3A_518 : i32
          %lt3A_520 = arith.constant 0 : i32
          %lt3A_521 = arith.cmpi slt, %rem3A_517, %lt3A_520 : i32
          %lt3A_522 = arith.constant 0 : i32
          %lt3A_523 = arith.cmpi slt, %select_n3A_516, %lt3A_522 : i32
          %ne3A_524 = arith.xori %lt3A_521, %lt3A_523 : i1
          %and3A_525 = arith.andi %ne3A_524, %ne3A_519 : i1
          %add3A_526 = arith.addi %rem3A_517, %select_n3A_516 : i32
          %select_n3A_527 = arith.select %and3A_525, %add3A_526, %rem3A_517 : i32
          %mul3A_528 = arith.constant 128 : i32
          %mul3A_529 = arith.muli %select_n3A_511, %mul3A_528 : i32
          %jit3A_530 = arith.constant 4 : i32
          %eq3A_531 = arith.constant 0 : i32
          %eq3A_532 = arith.cmpi eq, %jit3A_530, %eq3A_531 : i32
          %jit3A_533 = arith.constant 1 : i32
          %select_n3A_534 = arith.select %eq3A_532, %jit3A_533, %jit3A_530 : i32
          %rem3A_535 = arith.remsi %sub3A_495, %select_n3A_534 : i32
          %ne3A_536 = arith.constant 0 : i32
          %ne3A_537 = arith.cmpi ne, %rem3A_535, %ne3A_536 : i32
          %lt3A_538 = arith.constant 0 : i32
          %lt3A_539 = arith.cmpi slt, %rem3A_535, %lt3A_538 : i32
          %lt3A_540 = arith.constant 0 : i32
          %lt3A_541 = arith.cmpi slt, %select_n3A_534, %lt3A_540 : i32
          %ne3A_542 = arith.xori %lt3A_539, %lt3A_541 : i1
          %and3A_543 = arith.andi %ne3A_542, %ne3A_537 : i1
          %add3A_544 = arith.addi %rem3A_535, %select_n3A_534 : i32
          %select_n3A_545 = arith.select %and3A_543, %add3A_544, %rem3A_535 : i32
          %mul3A_546 = arith.constant 128 : i32
          %mul3A_547 = arith.muli %select_n3A_511, %mul3A_546 : i32
          %dma_wait3A_548 = arith.constant 0 : i32
          %dma_wait3A_549 = tpu.memref_slice %arg14[%mul3A_529, %dma_wait3A_548] : memref<384x64xi32, #tpu.memory_space<vmem>> -> memref<128x64xi32, #tpu.memory_space<vmem>>
          %dma_wait3A_550 = arith.constant 0 : i32
          %dma_wait3A_551 = tpu.memref_slice %arg11[%select_n3A_527, %dma_wait3A_550] : memref<4x128xi32, #tpu.memory_space<vmem>> -> memref<1x128xi32, #tpu.memory_space<vmem>>
          %dma_wait3A_552 = tpu.memref_squeeze %dma_wait3A_551 : memref<1x128xi32, #tpu.memory_space<vmem>> -> memref<128xi32, #tpu.memory_space<vmem>>
          %dma_wait3A_553 = arith.constant 0 : i32
          %dma_wait3A_554 = arith.constant 0 : i32
          %dma_wait3A_555 = tpu.memref_slice %arg2[%dma_wait3A_553, %dma_wait3A_554] : memref<10000x64xi32, #tpu.memory_space<hbm>> -> memref<10000x64xi32, #tpu.memory_space<hbm>>
          %dma_wait3A_556 = tpu.memref_slice %arg21[%select_n3A_511] : memref<3x!tpu.dma_semaphore, #tpu.memory_space<semaphore_mem>> -> memref<1x!tpu.dma_semaphore, #tpu.memory_space<semaphore_mem>>
          %dma_wait3A_557 = tpu.memref_squeeze %dma_wait3A_556 : memref<1x!tpu.dma_semaphore, #tpu.memory_space<semaphore_mem>> -> memref<!tpu.dma_semaphore, #tpu.memory_space<semaphore_mem>>
          tpu.wait_indirect_dma semaphore(%dma_wait3A_557 : memref<!tpu.dma_semaphore, #tpu.memory_space<semaphore_mem>>) src(%dma_wait3A_555 : memref<10000x64xi32, #tpu.memory_space<hbm>>) dst(%dma_wait3A_549 : memref<128x64xi32, #tpu.memory_space<vmem>>)
          %dma_wait3A_558 = arith.constant 0 : i32
          %dma_wait3A_559 = tpu.memref_slice %arg15[%mul3A_547, %dma_wait3A_558] : memref<384x64xi32, #tpu.memory_space<vmem>> -> memref<128x64xi32, #tpu.memory_space<vmem>>
          %dma_wait3A_560 = arith.constant 0 : i32
          %dma_wait3A_561 = tpu.memref_slice %arg12[%select_n3A_545, %dma_wait3A_560] : memref<4x128xi32, #tpu.memory_space<vmem>> -> memref<1x128xi32, #tpu.memory_space<vmem>>
          %dma_wait3A_562 = tpu.memref_squeeze %dma_wait3A_561 : memref<1x128xi32, #tpu.memory_space<vmem>> -> memref<128xi32, #tpu.memory_space<vmem>>
          %dma_wait3A_563 = arith.constant 0 : i32
          %dma_wait3A_564 = arith.constant 0 : i32
          %dma_wait3A_565 = tpu.memref_slice %arg3[%dma_wait3A_563, %dma_wait3A_564] : memref<10000x64xi32, #tpu.memory_space<hbm>> -> memref<10000x64xi32, #tpu.memory_space<hbm>>
          %dma_wait3A_566 = tpu.memref_slice %arg22[%select_n3A_511] : memref<3x!tpu.dma_semaphore, #tpu.memory_space<semaphore_mem>> -> memref<1x!tpu.dma_semaphore, #tpu.memory_space<semaphore_mem>>
          %dma_wait3A_567 = tpu.memref_squeeze %dma_wait3A_566 : memref<1x!tpu.dma_semaphore, #tpu.memory_space<semaphore_mem>> -> memref<!tpu.dma_semaphore, #tpu.memory_space<semaphore_mem>>
          tpu.wait_indirect_dma semaphore(%dma_wait3A_567 : memref<!tpu.dma_semaphore, #tpu.memory_space<semaphore_mem>>) src(%dma_wait3A_565 : memref<10000x64xi32, #tpu.memory_space<hbm>>) dst(%dma_wait3A_559 : memref<128x64xi32, #tpu.memory_space<vmem>>)
          %sub3A_568 = arith.constant 1 : i32
          %sub3A_569 = arith.subi %add3A_359, %sub3A_568 : i32
          %add3A_570 = arith.addi %add3A_4, %sub3A_569 : i32
          %mul3A_571 = arith.constant 128 : i32
          %mul3A_572 = arith.muli %add3A_570, %mul3A_571 : i32
          %jit3A_573 = arith.constant 3 : i32
          %eq3A_574 = arith.constant 0 : i32
          %eq3A_575 = arith.cmpi eq, %jit3A_573, %eq3A_574 : i32
          %jit3A_576 = arith.constant 1 : i32
          %select_n3A_577 = arith.select %eq3A_575, %jit3A_576, %jit3A_573 : i32
          %rem3A_578 = arith.remsi %sub3A_569, %select_n3A_577 : i32
          %ne3A_579 = arith.constant 0 : i32
          %ne3A_580 = arith.cmpi ne, %rem3A_578, %ne3A_579 : i32
          %lt3A_581 = arith.constant 0 : i32
          %lt3A_582 = arith.cmpi slt, %rem3A_578, %lt3A_581 : i32
          %lt3A_583 = arith.constant 0 : i32
          %lt3A_584 = arith.cmpi slt, %select_n3A_577, %lt3A_583 : i32
          %ne3A_585 = arith.xori %lt3A_582, %lt3A_584 : i1
          %and3A_586 = arith.andi %ne3A_585, %ne3A_580 : i1
          %add3A_587 = arith.addi %rem3A_578, %select_n3A_577 : i32
          %select_n3A_588 = arith.select %and3A_586, %add3A_587, %rem3A_578 : i32
          %mul3A_589 = arith.constant 128 : i32
          %mul3A_590 = arith.muli %select_n3A_588, %mul3A_589 : i32
          %mul3A_591 = arith.constant 128 : i32
          %mul3A_592 = arith.muli %select_n3A_588, %mul3A_591 : i32
          %dma_start3A_593 = arith.constant 0 : i32
          %dma_start3A_594 = tpu.memref_slice %arg14[%mul3A_590, %dma_start3A_593] : memref<384x64xi32, #tpu.memory_space<vmem>> -> memref<128x64xi32, #tpu.memory_space<vmem>>
          %dma_start3A_595 = arith.constant 0 : i32
          %dma_start3A_596 = tpu.memref_slice %arg8[%mul3A_572, %dma_start3A_595] : memref<320000x64xi32, #tpu.memory_space<hbm>> -> memref<128x64xi32, #tpu.memory_space<hbm>>
          %dma_start3A_597 = tpu.memref_slice %arg23[%select_n3A_588] : memref<3x!tpu.dma_semaphore, #tpu.memory_space<semaphore_mem>> -> memref<1x!tpu.dma_semaphore, #tpu.memory_space<semaphore_mem>>
          %dma_start3A_598 = tpu.memref_squeeze %dma_start3A_597 : memref<1x!tpu.dma_semaphore, #tpu.memory_space<semaphore_mem>> -> memref<!tpu.dma_semaphore, #tpu.memory_space<semaphore_mem>>
          %dma_start3A_599 = arith.constant 0 : i32
          %dma_start3A_600 = tpu.memref_slice %arg8[%mul3A_572, %dma_start3A_599] : memref<320000x64xi32, #tpu.memory_space<hbm>> -> memref<128x64xi32, #tpu.memory_space<hbm>>
          %dma_start3A_601 = arith.constant 0 : i32
          %dma_start3A_602 = tpu.memref_slice %arg14[%mul3A_590, %dma_start3A_601] : memref<384x64xi32, #tpu.memory_space<vmem>> -> memref<128x64xi32, #tpu.memory_space<vmem>>
          tpu.enqueue_dma source(%dma_start3A_602 : memref<128x64xi32, #tpu.memory_space<vmem>>) target(%dma_start3A_600 : memref<128x64xi32, #tpu.memory_space<hbm>>) target_semaphore(%dma_start3A_598 : memref<!tpu.dma_semaphore, #tpu.memory_space<semaphore_mem>>)
          %dma_start3A_603 = arith.constant 0 : i32
          %dma_start3A_604 = tpu.memref_slice %arg15[%mul3A_592, %dma_start3A_603] : memref<384x64xi32, #tpu.memory_space<vmem>> -> memref<128x64xi32, #tpu.memory_space<vmem>>
          %dma_start3A_605 = arith.constant 0 : i32
          %dma_start3A_606 = tpu.memref_slice %arg9[%mul3A_572, %dma_start3A_605] : memref<320000x64xi32, #tpu.memory_space<hbm>> -> memref<128x64xi32, #tpu.memory_space<hbm>>
          %dma_start3A_607 = tpu.memref_slice %arg24[%select_n3A_588] : memref<3x!tpu.dma_semaphore, #tpu.memory_space<semaphore_mem>> -> memref<1x!tpu.dma_semaphore, #tpu.memory_space<semaphore_mem>>
          %dma_start3A_608 = tpu.memref_squeeze %dma_start3A_607 : memref<1x!tpu.dma_semaphore, #tpu.memory_space<semaphore_mem>> -> memref<!tpu.dma_semaphore, #tpu.memory_space<semaphore_mem>>
          %dma_start3A_609 = arith.constant 0 : i32
          %dma_start3A_610 = tpu.memref_slice %arg9[%mul3A_572, %dma_start3A_609] : memref<320000x64xi32, #tpu.memory_space<hbm>> -> memref<128x64xi32, #tpu.memory_space<hbm>>
          %dma_start3A_611 = arith.constant 0 : i32
          %dma_start3A_612 = tpu.memref_slice %arg15[%mul3A_592, %dma_start3A_611] : memref<384x64xi32, #tpu.memory_space<vmem>> -> memref<128x64xi32, #tpu.memory_space<vmem>>
          tpu.enqueue_dma source(%dma_start3A_612 : memref<128x64xi32, #tpu.memory_space<vmem>>) target(%dma_start3A_610 : memref<128x64xi32, #tpu.memory_space<hbm>>) target_semaphore(%dma_start3A_608 : memref<!tpu.dma_semaphore, #tpu.memory_space<semaphore_mem>>)
        } else {
        }
      } else {
      }
      %lt3A_364 = arith.cmpi slt, %add3A_359, %add3A_20 : i32
      %convert_element_type3A_365 = arith.extui %lt3A_364 : i1 to i32
      %cond3A_366 = arith.constant 0 : i32
      %cond3A_367 = arith.cmpi ne, %convert_element_type3A_365, %cond3A_366 : i32
      scf.if %cond3A_367 {
        %add3A_368 = arith.constant 1 : i32
        %add3A_369 = arith.addi %add3A_359, %add3A_368 : i32
        %lt3A_370 = arith.cmpi slt, %add3A_369, %add3A_20 : i32
        %convert_element_type3A_371 = arith.extui %lt3A_370 : i1 to i32
        %cond3A_372 = arith.constant 0 : i32
        %cond3A_373 = arith.cmpi ne, %convert_element_type3A_371, %cond3A_372 : i32
        scf.if %cond3A_373 {
          %add3A_412 = arith.constant 1 : i32
          %add3A_413 = arith.addi %add3A_359, %add3A_412 : i32
          %add3A_414 = arith.addi %add3A_13, %add3A_413 : i32
          %mul3A_415 = arith.constant 128 : i32
          %mul3A_416 = arith.muli %add3A_414, %mul3A_415 : i32
          %jit3A_417 = arith.constant 4 : i32
          %eq3A_418 = arith.constant 0 : i32
          %eq3A_419 = arith.cmpi eq, %jit3A_417, %eq3A_418 : i32
          %jit3A_420 = arith.constant 1 : i32
          %select_n3A_421 = arith.select %eq3A_419, %jit3A_420, %jit3A_417 : i32
          %rem3A_422 = arith.remsi %add3A_413, %select_n3A_421 : i32
          %ne3A_423 = arith.constant 0 : i32
          %ne3A_424 = arith.cmpi ne, %rem3A_422, %ne3A_423 : i32
          %lt3A_425 = arith.constant 0 : i32
          %lt3A_426 = arith.cmpi slt, %rem3A_422, %lt3A_425 : i32
          %lt3A_427 = arith.constant 0 : i32
          %lt3A_428 = arith.cmpi slt, %select_n3A_421, %lt3A_427 : i32
          %ne3A_429 = arith.xori %lt3A_426, %lt3A_428 : i1
          %and3A_430 = arith.andi %ne3A_429, %ne3A_424 : i1
          %add3A_431 = arith.addi %rem3A_422, %select_n3A_421 : i32
          %select_n3A_432 = arith.select %and3A_430, %add3A_431, %rem3A_422 : i32
          %dma_start3A_433 = arith.constant 0 : i32
          %dma_start3A_434 = tpu.memref_slice %arg13[%select_n3A_432, %dma_start3A_433] : memref<4x128xi32, #tpu.memory_space<vmem>> -> memref<1x128xi32, #tpu.memory_space<vmem>>
          %dma_start3A_435 = tpu.memref_squeeze %dma_start3A_434 : memref<1x128xi32, #tpu.memory_space<vmem>> -> memref<128xi32, #tpu.memory_space<vmem>>
          %dma_start3A_436 = tpu.memref_slice %arg4[%mul3A_416] : memref<320000xi32, #tpu.memory_space<hbm>> -> memref<128xi32, #tpu.memory_space<hbm>>
          %dma_start3A_437 = tpu.memref_slice %arg20[%select_n3A_432] : memref<4x!tpu.dma_semaphore, #tpu.memory_space<semaphore_mem>> -> memref<1x!tpu.dma_semaphore, #tpu.memory_space<semaphore_mem>>
          %dma_start3A_438 = tpu.memref_squeeze %dma_start3A_437 : memref<1x!tpu.dma_semaphore, #tpu.memory_space<semaphore_mem>> -> memref<!tpu.dma_semaphore, #tpu.memory_space<semaphore_mem>>
          %dma_start3A_439 = arith.constant 0 : i32
          %dma_start3A_440 = tpu.memref_slice %arg13[%select_n3A_432, %dma_start3A_439] : memref<4x128xi32, #tpu.memory_space<vmem>> -> memref<1x128xi32, #tpu.memory_space<vmem>>
          %dma_start3A_441 = tpu.memref_squeeze %dma_start3A_440 : memref<1x128xi32, #tpu.memory_space<vmem>> -> memref<128xi32, #tpu.memory_space<vmem>>
          %dma_start3A_442 = tpu.memref_slice %arg4[%mul3A_416] : memref<320000xi32, #tpu.memory_space<hbm>> -> memref<128xi32, #tpu.memory_space<hbm>>
          tpu.enqueue_dma source(%dma_start3A_442 : memref<128xi32, #tpu.memory_space<hbm>>) target(%dma_start3A_441 : memref<128xi32, #tpu.memory_space<vmem>>) target_semaphore(%dma_start3A_438 : memref<!tpu.dma_semaphore, #tpu.memory_space<semaphore_mem>>)
        } else {
        }
        %ge3A = arith.constant 2 : i32
        %ge3A_374 = arith.cmpi sge, %add3A_359, %ge3A : i32
        %convert_element_type3A_375 = arith.extui %ge3A_374 : i1 to i32
        %cond3A_376 = arith.constant 0 : i32
        %cond3A_377 = arith.cmpi ne, %convert_element_type3A_375, %cond3A_376 : i32
        scf.if %cond3A_377 {
          %sub3A_412 = arith.constant 2 : i32
          %sub3A_413 = arith.subi %add3A_359, %sub3A_412 : i32
          %jit3A_414 = arith.constant 2 : i32
          %eq3A_415 = arith.constant 0 : i32
          %eq3A_416 = arith.cmpi eq, %jit3A_414, %eq3A_415 : i32
          %jit3A_417 = arith.constant 1 : i32
          %select_n3A_418 = arith.select %eq3A_416, %jit3A_417, %jit3A_414 : i32
          %rem3A_419 = arith.remsi %sub3A_413, %select_n3A_418 : i32
          %ne3A_420 = arith.constant 0 : i32
          %ne3A_421 = arith.cmpi ne, %rem3A_419, %ne3A_420 : i32
          %lt3A_422 = arith.constant 0 : i32
          %lt3A_423 = arith.cmpi slt, %rem3A_419, %lt3A_422 : i32
          %lt3A_424 = arith.constant 0 : i32
          %lt3A_425 = arith.cmpi slt, %select_n3A_418, %lt3A_424 : i32
          %ne3A_426 = arith.xori %lt3A_423, %lt3A_425 : i1
          %and3A_427 = arith.andi %ne3A_426, %ne3A_421 : i1
          %add3A_428 = arith.addi %rem3A_419, %select_n3A_418 : i32
          %select_n3A_429 = arith.select %and3A_427, %add3A_428, %rem3A_419 : i32
          %mul3A_430 = arith.constant 128 : i32
          %mul3A_431 = arith.muli %select_n3A_429, %mul3A_430 : i32
          %jit3A_432 = arith.constant 4 : i32
          %eq3A_433 = arith.constant 0 : i32
          %eq3A_434 = arith.cmpi eq, %jit3A_432, %eq3A_433 : i32
          %jit3A_435 = arith.constant 1 : i32
          %select_n3A_436 = arith.select %eq3A_434, %jit3A_435, %jit3A_432 : i32
          %rem3A_437 = arith.remsi %sub3A_413, %select_n3A_436 : i32
          %ne3A_438 = arith.constant 0 : i32
          %ne3A_439 = arith.cmpi ne, %rem3A_437, %ne3A_438 : i32
          %lt3A_440 = arith.constant 0 : i32
          %lt3A_441 = arith.cmpi slt, %rem3A_437, %lt3A_440 : i32
          %lt3A_442 = arith.constant 0 : i32
          %lt3A_443 = arith.cmpi slt, %select_n3A_436, %lt3A_442 : i32
          %ne3A_444 = arith.xori %lt3A_441, %lt3A_443 : i1
          %and3A_445 = arith.andi %ne3A_444, %ne3A_439 : i1
          %add3A_446 = arith.addi %rem3A_437, %select_n3A_436 : i32
          %select_n3A_447 = arith.select %and3A_445, %add3A_446, %rem3A_437 : i32
          %dma_wait3A_448 = arith.constant 0 : i32
          %dma_wait3A_449 = tpu.memref_slice %arg16[%mul3A_431, %dma_wait3A_448] : memref<256x64xf32, #tpu.memory_space<vmem>> -> memref<128x64xf32, #tpu.memory_space<vmem>>
          %dma_wait3A_450 = arith.constant 0 : i32
          %dma_wait3A_451 = tpu.memref_slice %arg13[%select_n3A_447, %dma_wait3A_450] : memref<4x128xi32, #tpu.memory_space<vmem>> -> memref<1x128xi32, #tpu.memory_space<vmem>>
          %dma_wait3A_452 = tpu.memref_squeeze %dma_wait3A_451 : memref<1x128xi32, #tpu.memory_space<vmem>> -> memref<128xi32, #tpu.memory_space<vmem>>
          %dma_wait3A_453 = arith.constant 0 : i32
          %dma_wait3A_454 = arith.constant 0 : i32
          %dma_wait3A_455 = tpu.memref_slice %arg17[%dma_wait3A_453, %dma_wait3A_454] : memref<10000x64xf32, #tpu.memory_space<vmem_shared>> -> memref<10000x64xf32, #tpu.memory_space<vmem_shared>>
          %dma_wait3A_456 = tpu.memref_slice %arg26[%select_n3A_429] : memref<2x!tpu.dma_semaphore, #tpu.memory_space<semaphore_mem>> -> memref<1x!tpu.dma_semaphore, #tpu.memory_space<semaphore_mem>>
          %dma_wait3A_457 = tpu.memref_squeeze %dma_wait3A_456 : memref<1x!tpu.dma_semaphore, #tpu.memory_space<semaphore_mem>> -> memref<!tpu.dma_semaphore, #tpu.memory_space<semaphore_mem>>
          tpu.wait_indirect_dma semaphore(%dma_wait3A_457 : memref<!tpu.dma_semaphore, #tpu.memory_space<semaphore_mem>>) src(%dma_wait3A_449 : memref<128x64xf32, #tpu.memory_space<vmem>>) dst(%dma_wait3A_455 : memref<10000x64xf32, #tpu.memory_space<vmem_shared>>)
        } else {
        }
        %add3A_378 = arith.addi %add3A_13, %add3A_359 : i32
        %mul3A_379 = arith.constant 128 : i32
        %mul3A_380 = arith.muli %add3A_378, %mul3A_379 : i32
        %jit3A_381 = arith.constant 2 : i32
        %eq3A_382 = arith.constant 0 : i32
        %eq3A_383 = arith.cmpi eq, %jit3A_381, %eq3A_382 : i32
        %jit3A_384 = arith.constant 1 : i32
        %select_n3A_385 = arith.select %eq3A_383, %jit3A_384, %jit3A_381 : i32
        %rem3A_386 = arith.remsi %add3A_359, %select_n3A_385 : i32
        %ne3A_387 = arith.constant 0 : i32
        %ne3A_388 = arith.cmpi ne, %rem3A_386, %ne3A_387 : i32
        %lt3A_389 = arith.constant 0 : i32
        %lt3A_390 = arith.cmpi slt, %rem3A_386, %lt3A_389 : i32
        %lt3A_391 = arith.constant 0 : i32
        %lt3A_392 = arith.cmpi slt, %select_n3A_385, %lt3A_391 : i32
        %ne3A_393 = arith.xori %lt3A_390, %lt3A_392 : i1
        %and3A_394 = arith.andi %ne3A_393, %ne3A_388 : i1
        %add3A_395 = arith.addi %rem3A_386, %select_n3A_385 : i32
        %select_n3A_396 = arith.select %and3A_394, %add3A_395, %rem3A_386 : i32
        %mul3A_397 = arith.constant 128 : i32
        %mul3A_398 = arith.muli %select_n3A_396, %mul3A_397 : i32
        %dma_start3A_399 = arith.constant 0 : i32
        %dma_start3A_400 = tpu.memref_slice %arg16[%mul3A_398, %dma_start3A_399] : memref<256x64xf32, #tpu.memory_space<vmem>> -> memref<128x64xf32, #tpu.memory_space<vmem>>
        %dma_start3A_401 = tpu.memref_slice %arg6[%mul3A_380, %mul3A_22] : memref<320000x128xf32, #tpu.memory_space<hbm>> -> memref<128x64xf32, #tpu.memory_space<hbm>>
        %dma_start3A_402 = tpu.memref_slice %arg25[%select_n3A_396] : memref<2x!tpu.dma_semaphore, #tpu.memory_space<semaphore_mem>> -> memref<1x!tpu.dma_semaphore, #tpu.memory_space<semaphore_mem>>
        %dma_start3A_403 = tpu.memref_squeeze %dma_start3A_402 : memref<1x!tpu.dma_semaphore, #tpu.memory_space<semaphore_mem>> -> memref<!tpu.dma_semaphore, #tpu.memory_space<semaphore_mem>>
        %dma_start3A_404 = arith.constant 0 : i32
        %dma_start3A_405 = tpu.memref_slice %arg16[%mul3A_398, %dma_start3A_404] : memref<256x64xf32, #tpu.memory_space<vmem>> -> memref<128x64xf32, #tpu.memory_space<vmem>>
        %dma_start3A_406 = tpu.memref_slice %arg6[%mul3A_380, %mul3A_22] : memref<320000x128xf32, #tpu.memory_space<hbm>> -> memref<128x64xf32, #tpu.memory_space<hbm>>
        tpu.enqueue_dma source(%dma_start3A_406 : memref<128x64xf32, #tpu.memory_space<hbm>>) target(%dma_start3A_405 : memref<128x64xf32, #tpu.memory_space<vmem>>) target_semaphore(%dma_start3A_403 : memref<!tpu.dma_semaphore, #tpu.memory_space<semaphore_mem>>)
        %ge3A_407 = arith.constant 1 : i32
        %ge3A_408 = arith.cmpi sge, %add3A_359, %ge3A_407 : i32
        %convert_element_type3A_409 = arith.extui %ge3A_408 : i1 to i32
        %cond3A_410 = arith.constant 0 : i32
        %cond3A_411 = arith.cmpi ne, %convert_element_type3A_409, %cond3A_410 : i32
        scf.if %cond3A_411 {
          %sub3A_412 = arith.constant 1 : i32
          %sub3A_413 = arith.subi %add3A_359, %sub3A_412 : i32
          %add3A_414 = arith.addi %add3A_13, %sub3A_413 : i32
          %mul3A_415 = arith.constant 128 : i32
          %mul3A_416 = arith.muli %add3A_414, %mul3A_415 : i32
          %jit3A_417 = arith.constant 2 : i32
          %eq3A_418 = arith.constant 0 : i32
          %eq3A_419 = arith.cmpi eq, %jit3A_417, %eq3A_418 : i32
          %jit3A_420 = arith.constant 1 : i32
          %select_n3A_421 = arith.select %eq3A_419, %jit3A_420, %jit3A_417 : i32
          %rem3A_422 = arith.remsi %sub3A_413, %select_n3A_421 : i32
          %ne3A_423 = arith.constant 0 : i32
          %ne3A_424 = arith.cmpi ne, %rem3A_422, %ne3A_423 : i32
          %lt3A_425 = arith.constant 0 : i32
          %lt3A_426 = arith.cmpi slt, %rem3A_422, %lt3A_425 : i32
          %lt3A_427 = arith.constant 0 : i32
          %lt3A_428 = arith.cmpi slt, %select_n3A_421, %lt3A_427 : i32
          %ne3A_429 = arith.xori %lt3A_426, %lt3A_428 : i1
          %and3A_430 = arith.andi %ne3A_429, %ne3A_424 : i1
          %add3A_431 = arith.addi %rem3A_422, %select_n3A_421 : i32
          %select_n3A_432 = arith.select %and3A_430, %add3A_431, %rem3A_422 : i32
          %mul3A_433 = arith.constant 128 : i32
          %mul3A_434 = arith.muli %select_n3A_432, %mul3A_433 : i32
          %dma_wait3A_435 = arith.constant 0 : i32
          %dma_wait3A_436 = tpu.memref_slice %arg16[%mul3A_434, %dma_wait3A_435] : memref<256x64xf32, #tpu.memory_space<vmem>> -> memref<128x64xf32, #tpu.memory_space<vmem>>
          %dma_wait3A_437 = tpu.memref_slice %arg6[%mul3A_416, %mul3A_22] : memref<320000x128xf32, #tpu.memory_space<hbm>> -> memref<128x64xf32, #tpu.memory_space<hbm>>
          %dma_wait3A_438 = tpu.memref_slice %arg25[%select_n3A_432] : memref<2x!tpu.dma_semaphore, #tpu.memory_space<semaphore_mem>> -> memref<1x!tpu.dma_semaphore, #tpu.memory_space<semaphore_mem>>
          %dma_wait3A_439 = tpu.memref_squeeze %dma_wait3A_438 : memref<1x!tpu.dma_semaphore, #tpu.memory_space<semaphore_mem>> -> memref<!tpu.dma_semaphore, #tpu.memory_space<semaphore_mem>>
          %dma_wait3A_440 = arith.constant 0 : i32
          %dma_wait3A_441 = tpu.memref_slice %arg16[%mul3A_434, %dma_wait3A_440] : memref<256x64xf32, #tpu.memory_space<vmem>> -> memref<128x64xf32, #tpu.memory_space<vmem>>
          %dma_wait3A_442 = tpu.memref_slice %arg6[%mul3A_416, %mul3A_22] : memref<320000x128xf32, #tpu.memory_space<hbm>> -> memref<128x64xf32, #tpu.memory_space<hbm>>
          tpu.wait_dma2 semaphore(%dma_wait3A_439 : memref<!tpu.dma_semaphore, #tpu.memory_space<semaphore_mem>>) src(%dma_wait3A_442 : memref<128x64xf32, #tpu.memory_space<hbm>>) dst(%dma_wait3A_441 : memref<128x64xf32, #tpu.memory_space<vmem>>)
          %sub3A_443 = arith.constant 1 : i32
          %sub3A_444 = arith.subi %add3A_359, %sub3A_443 : i32
          %add3A_445 = arith.addi %add3A_13, %sub3A_444 : i32
          %mul3A_446 = arith.constant 128 : i32
          %mul3A_447 = arith.muli %add3A_445, %mul3A_446 : i32
          %jit3A_448 = arith.constant 4 : i32
          %eq3A_449 = arith.constant 0 : i32
          %eq3A_450 = arith.cmpi eq, %jit3A_448, %eq3A_449 : i32
          %jit3A_451 = arith.constant 1 : i32
          %select_n3A_452 = arith.select %eq3A_450, %jit3A_451, %jit3A_448 : i32
          %rem3A_453 = arith.remsi %sub3A_444, %select_n3A_452 : i32
          %ne3A_454 = arith.constant 0 : i32
          %ne3A_455 = arith.cmpi ne, %rem3A_453, %ne3A_454 : i32
          %lt3A_456 = arith.constant 0 : i32
          %lt3A_457 = arith.cmpi slt, %rem3A_453, %lt3A_456 : i32
          %lt3A_458 = arith.constant 0 : i32
          %lt3A_459 = arith.cmpi slt, %select_n3A_452, %lt3A_458 : i32
          %ne3A_460 = arith.xori %lt3A_457, %lt3A_459 : i1
          %and3A_461 = arith.andi %ne3A_460, %ne3A_455 : i1
          %add3A_462 = arith.addi %rem3A_453, %select_n3A_452 : i32
          %select_n3A_463 = arith.select %and3A_461, %add3A_462, %rem3A_453 : i32
          %dma_wait3A_464 = arith.constant 0 : i32
          %dma_wait3A_465 = tpu.memref_slice %arg13[%select_n3A_463, %dma_wait3A_464] : memref<4x128xi32, #tpu.memory_space<vmem>> -> memref<1x128xi32, #tpu.memory_space<vmem>>
          %dma_wait3A_466 = tpu.memref_squeeze %dma_wait3A_465 : memref<1x128xi32, #tpu.memory_space<vmem>> -> memref<128xi32, #tpu.memory_space<vmem>>
          %dma_wait3A_467 = tpu.memref_slice %arg4[%mul3A_447] : memref<320000xi32, #tpu.memory_space<hbm>> -> memref<128xi32, #tpu.memory_space<hbm>>
          %dma_wait3A_468 = tpu.memref_slice %arg20[%select_n3A_463] : memref<4x!tpu.dma_semaphore, #tpu.memory_space<semaphore_mem>> -> memref<1x!tpu.dma_semaphore, #tpu.memory_space<semaphore_mem>>
          %dma_wait3A_469 = tpu.memref_squeeze %dma_wait3A_468 : memref<1x!tpu.dma_semaphore, #tpu.memory_space<semaphore_mem>> -> memref<!tpu.dma_semaphore, #tpu.memory_space<semaphore_mem>>
          %dma_wait3A_470 = arith.constant 0 : i32
          %dma_wait3A_471 = tpu.memref_slice %arg13[%select_n3A_463, %dma_wait3A_470] : memref<4x128xi32, #tpu.memory_space<vmem>> -> memref<1x128xi32, #tpu.memory_space<vmem>>
          %dma_wait3A_472 = tpu.memref_squeeze %dma_wait3A_471 : memref<1x128xi32, #tpu.memory_space<vmem>> -> memref<128xi32, #tpu.memory_space<vmem>>
          %dma_wait3A_473 = tpu.memref_slice %arg4[%mul3A_447] : memref<320000xi32, #tpu.memory_space<hbm>> -> memref<128xi32, #tpu.memory_space<hbm>>
          tpu.wait_dma2 semaphore(%dma_wait3A_469 : memref<!tpu.dma_semaphore, #tpu.memory_space<semaphore_mem>>) src(%dma_wait3A_473 : memref<128xi32, #tpu.memory_space<hbm>>) dst(%dma_wait3A_472 : memref<128xi32, #tpu.memory_space<vmem>>)
          %sub3A_474 = arith.constant 1 : i32
          %sub3A_475 = arith.subi %add3A_359, %sub3A_474 : i32
          %jit3A_476 = arith.constant 2 : i32
          %eq3A_477 = arith.constant 0 : i32
          %eq3A_478 = arith.cmpi eq, %jit3A_476, %eq3A_477 : i32
          %jit3A_479 = arith.constant 1 : i32
          %select_n3A_480 = arith.select %eq3A_478, %jit3A_479, %jit3A_476 : i32
          %rem3A_481 = arith.remsi %sub3A_475, %select_n3A_480 : i32
          %ne3A_482 = arith.constant 0 : i32
          %ne3A_483 = arith.cmpi ne, %rem3A_481, %ne3A_482 : i32
          %lt3A_484 = arith.constant 0 : i32
          %lt3A_485 = arith.cmpi slt, %rem3A_481, %lt3A_484 : i32
          %lt3A_486 = arith.constant 0 : i32
          %lt3A_487 = arith.cmpi slt, %select_n3A_480, %lt3A_486 : i32
          %ne3A_488 = arith.xori %lt3A_485, %lt3A_487 : i1
          %and3A_489 = arith.andi %ne3A_488, %ne3A_483 : i1
          %add3A_490 = arith.addi %rem3A_481, %select_n3A_480 : i32
          %select_n3A_491 = arith.select %and3A_489, %add3A_490, %rem3A_481 : i32
          %mul3A_492 = arith.constant 128 : i32
          %mul3A_493 = arith.muli %select_n3A_491, %mul3A_492 : i32
          %jit3A_494 = arith.constant 4 : i32
          %eq3A_495 = arith.constant 0 : i32
          %eq3A_496 = arith.cmpi eq, %jit3A_494, %eq3A_495 : i32
          %jit3A_497 = arith.constant 1 : i32
          %select_n3A_498 = arith.select %eq3A_496, %jit3A_497, %jit3A_494 : i32
          %rem3A_499 = arith.remsi %sub3A_475, %select_n3A_498 : i32
          %ne3A_500 = arith.constant 0 : i32
          %ne3A_501 = arith.cmpi ne, %rem3A_499, %ne3A_500 : i32
          %lt3A_502 = arith.constant 0 : i32
          %lt3A_503 = arith.cmpi slt, %rem3A_499, %lt3A_502 : i32
          %lt3A_504 = arith.constant 0 : i32
          %lt3A_505 = arith.cmpi slt, %select_n3A_498, %lt3A_504 : i32
          %ne3A_506 = arith.xori %lt3A_503, %lt3A_505 : i1
          %and3A_507 = arith.andi %ne3A_506, %ne3A_501 : i1
          %add3A_508 = arith.addi %rem3A_499, %select_n3A_498 : i32
          %select_n3A_509 = arith.select %and3A_507, %add3A_508, %rem3A_499 : i32
          %dma_start3A_510 = arith.constant 0 : i32
          %dma_start3A_511 = tpu.memref_slice %arg16[%mul3A_493, %dma_start3A_510] : memref<256x64xf32, #tpu.memory_space<vmem>> -> memref<128x64xf32, #tpu.memory_space<vmem>>
          %dma_start3A_512 = arith.constant 0 : i32
          %dma_start3A_513 = tpu.memref_slice %arg13[%select_n3A_509, %dma_start3A_512] : memref<4x128xi32, #tpu.memory_space<vmem>> -> memref<1x128xi32, #tpu.memory_space<vmem>>
          %dma_start3A_514 = tpu.memref_squeeze %dma_start3A_513 : memref<1x128xi32, #tpu.memory_space<vmem>> -> memref<128xi32, #tpu.memory_space<vmem>>
          %dma_start3A_515 = arith.constant 0 : i32
          %dma_start3A_516 = arith.constant 0 : i32
          %dma_start3A_517 = tpu.memref_slice %arg17[%dma_start3A_515, %dma_start3A_516] : memref<10000x64xf32, #tpu.memory_space<vmem_shared>> -> memref<10000x64xf32, #tpu.memory_space<vmem_shared>>
          %dma_start3A_518 = tpu.memref_slice %arg26[%select_n3A_491] : memref<2x!tpu.dma_semaphore, #tpu.memory_space<semaphore_mem>> -> memref<1x!tpu.dma_semaphore, #tpu.memory_space<semaphore_mem>>
          %dma_start3A_519 = tpu.memref_squeeze %dma_start3A_518 : memref<1x!tpu.dma_semaphore, #tpu.memory_space<semaphore_mem>> -> memref<!tpu.dma_semaphore, #tpu.memory_space<semaphore_mem>>
          tpu.enqueue_indirect_dma source(%dma_start3A_511 : memref<128x64xf32, #tpu.memory_space<vmem>>) target(%dma_start3A_517 : memref<10000x64xf32, #tpu.memory_space<vmem_shared>>) offsets(%dma_start3A_514 : memref<128xi32, #tpu.memory_space<vmem>>) semaphore(%dma_start3A_519 : memref<!tpu.dma_semaphore, #tpu.memory_space<semaphore_mem>>) {add = true}
        } else {
        }
      } else {
      }
    }
    %while3A_85 = arith.constant 1 : i32
    scf.for %while3A_357 = %while3A_83 to %while3A_79 step %while3A_85  : i32 {
      %mul3A_358 = arith.muli %while3A_357, %while3A : i32
      %add3A_359 = arith.addi %while3A_76, %mul3A_358 : i32
      %lt3A_360 = arith.cmpi slt, %add3A_359, %add3A_8 : i32
      %convert_element_type3A_361 = arith.extui %lt3A_360 : i1 to i32
      %cond3A_362 = arith.constant 0 : i32
      %cond3A_363 = arith.cmpi ne, %convert_element_type3A_361, %cond3A_362 : i32
      scf.if %cond3A_363 {
        %add3A_368 = arith.constant 1 : i32
        %add3A_369 = arith.addi %add3A_359, %add3A_368 : i32
        %lt3A_370 = arith.cmpi slt, %add3A_369, %add3A_8 : i32
        %convert_element_type3A_371 = arith.extui %lt3A_370 : i1 to i32
        %cond3A_372 = arith.constant 0 : i32
        %cond3A_373 = arith.cmpi ne, %convert_element_type3A_371, %cond3A_372 : i32
        scf.if %cond3A_373 {
          %add3A_494 = arith.constant 1 : i32
          %add3A_495 = arith.addi %add3A_359, %add3A_494 : i32
          %add3A_496 = arith.addi %add3A_4, %add3A_495 : i32
          %mul3A_497 = arith.constant 128 : i32
          %mul3A_498 = arith.muli %add3A_496, %mul3A_497 : i32
          %jit3A_499 = arith.constant 4 : i32
          %eq3A_500 = arith.constant 0 : i32
          %eq3A_501 = arith.cmpi eq, %jit3A_499, %eq3A_500 : i32
          %jit3A_502 = arith.constant 1 : i32
          %select_n3A_503 = arith.select %eq3A_501, %jit3A_502, %jit3A_499 : i32
          %rem3A_504 = arith.remsi %add3A_495, %select_n3A_503 : i32
          %ne3A_505 = arith.constant 0 : i32
          %ne3A_506 = arith.cmpi ne, %rem3A_504, %ne3A_505 : i32
          %lt3A_507 = arith.constant 0 : i32
          %lt3A_508 = arith.cmpi slt, %rem3A_504, %lt3A_507 : i32
          %lt3A_509 = arith.constant 0 : i32
          %lt3A_510 = arith.cmpi slt, %select_n3A_503, %lt3A_509 : i32
          %ne3A_511 = arith.xori %lt3A_508, %lt3A_510 : i1
          %and3A_512 = arith.andi %ne3A_511, %ne3A_506 : i1
          %add3A_513 = arith.addi %rem3A_504, %select_n3A_503 : i32
          %select_n3A_514 = arith.select %and3A_512, %add3A_513, %rem3A_504 : i32
          %dma_start3A_515 = arith.constant 0 : i32
          %dma_start3A_516 = tpu.memref_slice %arg11[%select_n3A_514, %dma_start3A_515] : memref<4x128xi32, #tpu.memory_space<vmem>> -> memref<1x128xi32, #tpu.memory_space<vmem>>
          %dma_start3A_517 = tpu.memref_squeeze %dma_start3A_516 : memref<1x128xi32, #tpu.memory_space<vmem>> -> memref<128xi32, #tpu.memory_space<vmem>>
          %dma_start3A_518 = tpu.memref_slice %arg4[%mul3A_498] : memref<320000xi32, #tpu.memory_space<hbm>> -> memref<128xi32, #tpu.memory_space<hbm>>
          %dma_start3A_519 = tpu.memref_slice %arg18[%select_n3A_514] : memref<4x!tpu.dma_semaphore, #tpu.memory_space<semaphore_mem>> -> memref<1x!tpu.dma_semaphore, #tpu.memory_space<semaphore_mem>>
          %dma_start3A_520 = tpu.memref_squeeze %dma_start3A_519 : memref<1x!tpu.dma_semaphore, #tpu.memory_space<semaphore_mem>> -> memref<!tpu.dma_semaphore, #tpu.memory_space<semaphore_mem>>
          %dma_start3A_521 = arith.constant 0 : i32
          %dma_start3A_522 = tpu.memref_slice %arg11[%select_n3A_514, %dma_start3A_521] : memref<4x128xi32, #tpu.memory_space<vmem>> -> memref<1x128xi32, #tpu.memory_space<vmem>>
          %dma_start3A_523 = tpu.memref_squeeze %dma_start3A_522 : memref<1x128xi32, #tpu.memory_space<vmem>> -> memref<128xi32, #tpu.memory_space<vmem>>
          %dma_start3A_524 = tpu.memref_slice %arg4[%mul3A_498] : memref<320000xi32, #tpu.memory_space<hbm>> -> memref<128xi32, #tpu.memory_space<hbm>>
          tpu.enqueue_dma source(%dma_start3A_524 : memref<128xi32, #tpu.memory_space<hbm>>) target(%dma_start3A_523 : memref<128xi32, #tpu.memory_space<vmem>>) target_semaphore(%dma_start3A_520 : memref<!tpu.dma_semaphore, #tpu.memory_space<semaphore_mem>>)
          %dma_start3A_525 = arith.constant 0 : i32
          %dma_start3A_526 = tpu.memref_slice %arg12[%select_n3A_514, %dma_start3A_525] : memref<4x128xi32, #tpu.memory_space<vmem>> -> memref<1x128xi32, #tpu.memory_space<vmem>>
          %dma_start3A_527 = tpu.memref_squeeze %dma_start3A_526 : memref<1x128xi32, #tpu.memory_space<vmem>> -> memref<128xi32, #tpu.memory_space<vmem>>
          %dma_start3A_528 = tpu.memref_slice %arg5[%mul3A_498] : memref<320000xi32, #tpu.memory_space<hbm>> -> memref<128xi32, #tpu.memory_space<hbm>>
          %dma_start3A_529 = tpu.memref_slice %arg19[%select_n3A_514] : memref<4x!tpu.dma_semaphore, #tpu.memory_space<semaphore_mem>> -> memref<1x!tpu.dma_semaphore, #tpu.memory_space<semaphore_mem>>
          %dma_start3A_530 = tpu.memref_squeeze %dma_start3A_529 : memref<1x!tpu.dma_semaphore, #tpu.memory_space<semaphore_mem>> -> memref<!tpu.dma_semaphore, #tpu.memory_space<semaphore_mem>>
          %dma_start3A_531 = arith.constant 0 : i32
          %dma_start3A_532 = tpu.memref_slice %arg12[%select_n3A_514, %dma_start3A_531] : memref<4x128xi32, #tpu.memory_space<vmem>> -> memref<1x128xi32, #tpu.memory_space<vmem>>
          %dma_start3A_533 = tpu.memref_squeeze %dma_start3A_532 : memref<1x128xi32, #tpu.memory_space<vmem>> -> memref<128xi32, #tpu.memory_space<vmem>>
          %dma_start3A_534 = tpu.memref_slice %arg5[%mul3A_498] : memref<320000xi32, #tpu.memory_space<hbm>> -> memref<128xi32, #tpu.memory_space<hbm>>
          tpu.enqueue_dma source(%dma_start3A_534 : memref<128xi32, #tpu.memory_space<hbm>>) target(%dma_start3A_533 : memref<128xi32, #tpu.memory_space<vmem>>) target_semaphore(%dma_start3A_530 : memref<!tpu.dma_semaphore, #tpu.memory_space<semaphore_mem>>)
        } else {
        }
        %ge3A = arith.constant 3 : i32
        %ge3A_374 = arith.cmpi sge, %add3A_359, %ge3A : i32
        %convert_element_type3A_375 = arith.extui %ge3A_374 : i1 to i32
        %cond3A_376 = arith.constant 0 : i32
        %cond3A_377 = arith.cmpi ne, %convert_element_type3A_375, %cond3A_376 : i32
        scf.if %cond3A_377 {
          %sub3A_494 = arith.constant 3 : i32
          %sub3A_495 = arith.subi %add3A_359, %sub3A_494 : i32
          %add3A_496 = arith.addi %add3A_4, %sub3A_495 : i32
          %mul3A_497 = arith.constant 128 : i32
          %mul3A_498 = arith.muli %add3A_496, %mul3A_497 : i32
          %jit3A_499 = arith.constant 3 : i32
          %eq3A_500 = arith.constant 0 : i32
          %eq3A_501 = arith.cmpi eq, %jit3A_499, %eq3A_500 : i32
          %jit3A_502 = arith.constant 1 : i32
          %select_n3A_503 = arith.select %eq3A_501, %jit3A_502, %jit3A_499 : i32
          %rem3A_504 = arith.remsi %sub3A_495, %select_n3A_503 : i32
          %ne3A_505 = arith.constant 0 : i32
          %ne3A_506 = arith.cmpi ne, %rem3A_504, %ne3A_505 : i32
          %lt3A_507 = arith.constant 0 : i32
          %lt3A_508 = arith.cmpi slt, %rem3A_504, %lt3A_507 : i32
          %lt3A_509 = arith.constant 0 : i32
          %lt3A_510 = arith.cmpi slt, %select_n3A_503, %lt3A_509 : i32
          %ne3A_511 = arith.xori %lt3A_508, %lt3A_510 : i1
          %and3A_512 = arith.andi %ne3A_511, %ne3A_506 : i1
          %add3A_513 = arith.addi %rem3A_504, %select_n3A_503 : i32
          %select_n3A_514 = arith.select %and3A_512, %add3A_513, %rem3A_504 : i32
          %mul3A_515 = arith.constant 128 : i32
          %mul3A_516 = arith.muli %select_n3A_514, %mul3A_515 : i32
          %mul3A_517 = arith.constant 128 : i32
          %mul3A_518 = arith.muli %select_n3A_514, %mul3A_517 : i32
          %dma_wait3A_519 = arith.constant 0 : i32
          %dma_wait3A_520 = tpu.memref_slice %arg14[%mul3A_516, %dma_wait3A_519] : memref<384x64xi32, #tpu.memory_space<vmem>> -> memref<128x64xi32, #tpu.memory_space<vmem>>
          %dma_wait3A_521 = arith.constant 0 : i32
          %dma_wait3A_522 = tpu.memref_slice %arg8[%mul3A_498, %dma_wait3A_521] : memref<320000x64xi32, #tpu.memory_space<hbm>> -> memref<128x64xi32, #tpu.memory_space<hbm>>
          %dma_wait3A_523 = tpu.memref_slice %arg23[%select_n3A_514] : memref<3x!tpu.dma_semaphore, #tpu.memory_space<semaphore_mem>> -> memref<1x!tpu.dma_semaphore, #tpu.memory_space<semaphore_mem>>
          %dma_wait3A_524 = tpu.memref_squeeze %dma_wait3A_523 : memref<1x!tpu.dma_semaphore, #tpu.memory_space<semaphore_mem>> -> memref<!tpu.dma_semaphore, #tpu.memory_space<semaphore_mem>>
          %dma_wait3A_525 = arith.constant 0 : i32
          %dma_wait3A_526 = tpu.memref_slice %arg8[%mul3A_498, %dma_wait3A_525] : memref<320000x64xi32, #tpu.memory_space<hbm>> -> memref<128x64xi32, #tpu.memory_space<hbm>>
          %dma_wait3A_527 = arith.constant 0 : i32
          %dma_wait3A_528 = tpu.memref_slice %arg14[%mul3A_516, %dma_wait3A_527] : memref<384x64xi32, #tpu.memory_space<vmem>> -> memref<128x64xi32, #tpu.memory_space<vmem>>
          tpu.wait_dma2 semaphore(%dma_wait3A_524 : memref<!tpu.dma_semaphore, #tpu.memory_space<semaphore_mem>>) src(%dma_wait3A_528 : memref<128x64xi32, #tpu.memory_space<vmem>>) dst(%dma_wait3A_526 : memref<128x64xi32, #tpu.memory_space<hbm>>)
          %dma_wait3A_529 = arith.constant 0 : i32
          %dma_wait3A_530 = tpu.memref_slice %arg15[%mul3A_518, %dma_wait3A_529] : memref<384x64xi32, #tpu.memory_space<vmem>> -> memref<128x64xi32, #tpu.memory_space<vmem>>
          %dma_wait3A_531 = arith.constant 0 : i32
          %dma_wait3A_532 = tpu.memref_slice %arg9[%mul3A_498, %dma_wait3A_531] : memref<320000x64xi32, #tpu.memory_space<hbm>> -> memref<128x64xi32, #tpu.memory_space<hbm>>
          %dma_wait3A_533 = tpu.memref_slice %arg24[%select_n3A_514] : memref<3x!tpu.dma_semaphore, #tpu.memory_space<semaphore_mem>> -> memref<1x!tpu.dma_semaphore, #tpu.memory_space<semaphore_mem>>
          %dma_wait3A_534 = tpu.memref_squeeze %dma_wait3A_533 : memref<1x!tpu.dma_semaphore, #tpu.memory_space<semaphore_mem>> -> memref<!tpu.dma_semaphore, #tpu.memory_space<semaphore_mem>>
          %dma_wait3A_535 = arith.constant 0 : i32
          %dma_wait3A_536 = tpu.memref_slice %arg9[%mul3A_498, %dma_wait3A_535] : memref<320000x64xi32, #tpu.memory_space<hbm>> -> memref<128x64xi32, #tpu.memory_space<hbm>>
          %dma_wait3A_537 = arith.constant 0 : i32
          %dma_wait3A_538 = tpu.memref_slice %arg15[%mul3A_518, %dma_wait3A_537] : memref<384x64xi32, #tpu.memory_space<vmem>> -> memref<128x64xi32, #tpu.memory_space<vmem>>
          tpu.wait_dma2 semaphore(%dma_wait3A_534 : memref<!tpu.dma_semaphore, #tpu.memory_space<semaphore_mem>>) src(%dma_wait3A_538 : memref<128x64xi32, #tpu.memory_space<vmem>>) dst(%dma_wait3A_536 : memref<128x64xi32, #tpu.memory_space<hbm>>)
        } else {
        }
        %add3A_378 = arith.addi %add3A_4, %add3A_359 : i32
        %mul3A_379 = arith.constant 128 : i32
        %mul3A_380 = arith.muli %add3A_378, %mul3A_379 : i32
        %jit3A_381 = arith.constant 4 : i32
        %eq3A_382 = arith.constant 0 : i32
        %eq3A_383 = arith.cmpi eq, %jit3A_381, %eq3A_382 : i32
        %jit3A_384 = arith.constant 1 : i32
        %select_n3A_385 = arith.select %eq3A_383, %jit3A_384, %jit3A_381 : i32
        %rem3A_386 = arith.remsi %add3A_359, %select_n3A_385 : i32
        %ne3A_387 = arith.constant 0 : i32
        %ne3A_388 = arith.cmpi ne, %rem3A_386, %ne3A_387 : i32
        %lt3A_389 = arith.constant 0 : i32
        %lt3A_390 = arith.cmpi slt, %rem3A_386, %lt3A_389 : i32
        %lt3A_391 = arith.constant 0 : i32
        %lt3A_392 = arith.cmpi slt, %select_n3A_385, %lt3A_391 : i32
        %ne3A_393 = arith.xori %lt3A_390, %lt3A_392 : i1
        %and3A_394 = arith.andi %ne3A_393, %ne3A_388 : i1
        %add3A_395 = arith.addi %rem3A_386, %select_n3A_385 : i32
        %select_n3A_396 = arith.select %and3A_394, %add3A_395, %rem3A_386 : i32
        %dma_wait3A_397 = arith.constant 0 : i32
        %dma_wait3A_398 = tpu.memref_slice %arg11[%select_n3A_396, %dma_wait3A_397] : memref<4x128xi32, #tpu.memory_space<vmem>> -> memref<1x128xi32, #tpu.memory_space<vmem>>
        %dma_wait3A_399 = tpu.memref_squeeze %dma_wait3A_398 : memref<1x128xi32, #tpu.memory_space<vmem>> -> memref<128xi32, #tpu.memory_space<vmem>>
        %dma_wait3A_400 = tpu.memref_slice %arg4[%mul3A_380] : memref<320000xi32, #tpu.memory_space<hbm>> -> memref<128xi32, #tpu.memory_space<hbm>>
        %dma_wait3A_401 = tpu.memref_slice %arg18[%select_n3A_396] : memref<4x!tpu.dma_semaphore, #tpu.memory_space<semaphore_mem>> -> memref<1x!tpu.dma_semaphore, #tpu.memory_space<semaphore_mem>>
        %dma_wait3A_402 = tpu.memref_squeeze %dma_wait3A_401 : memref<1x!tpu.dma_semaphore, #tpu.memory_space<semaphore_mem>> -> memref<!tpu.dma_semaphore, #tpu.memory_space<semaphore_mem>>
        %dma_wait3A_403 = arith.constant 0 : i32
        %dma_wait3A_404 = tpu.memref_slice %arg11[%select_n3A_396, %dma_wait3A_403] : memref<4x128xi32, #tpu.memory_space<vmem>> -> memref<1x128xi32, #tpu.memory_space<vmem>>
        %dma_wait3A_405 = tpu.memref_squeeze %dma_wait3A_404 : memref<1x128xi32, #tpu.memory_space<vmem>> -> memref<128xi32, #tpu.memory_space<vmem>>
        %dma_wait3A_406 = tpu.memref_slice %arg4[%mul3A_380] : memref<320000xi32, #tpu.memory_space<hbm>> -> memref<128xi32, #tpu.memory_space<hbm>>
        tpu.wait_dma2 semaphore(%dma_wait3A_402 : memref<!tpu.dma_semaphore, #tpu.memory_space<semaphore_mem>>) src(%dma_wait3A_406 : memref<128xi32, #tpu.memory_space<hbm>>) dst(%dma_wait3A_405 : memref<128xi32, #tpu.memory_space<vmem>>)
        %dma_wait3A_407 = arith.constant 0 : i32
        %dma_wait3A_408 = tpu.memref_slice %arg12[%select_n3A_396, %dma_wait3A_407] : memref<4x128xi32, #tpu.memory_space<vmem>> -> memref<1x128xi32, #tpu.memory_space<vmem>>
        %dma_wait3A_409 = tpu.memref_squeeze %dma_wait3A_408 : memref<1x128xi32, #tpu.memory_space<vmem>> -> memref<128xi32, #tpu.memory_space<vmem>>
        %dma_wait3A_410 = tpu.memref_slice %arg5[%mul3A_380] : memref<320000xi32, #tpu.memory_space<hbm>> -> memref<128xi32, #tpu.memory_space<hbm>>
        %dma_wait3A_411 = tpu.memref_slice %arg19[%select_n3A_396] : memref<4x!tpu.dma_semaphore, #tpu.memory_space<semaphore_mem>> -> memref<1x!tpu.dma_semaphore, #tpu.memory_space<semaphore_mem>>
        %dma_wait3A_412 = tpu.memref_squeeze %dma_wait3A_411 : memref<1x!tpu.dma_semaphore, #tpu.memory_space<semaphore_mem>> -> memref<!tpu.dma_semaphore, #tpu.memory_space<semaphore_mem>>
        %dma_wait3A_413 = arith.constant 0 : i32
        %dma_wait3A_414 = tpu.memref_slice %arg12[%select_n3A_396, %dma_wait3A_413] : memref<4x128xi32, #tpu.memory_space<vmem>> -> memref<1x128xi32, #tpu.memory_space<vmem>>
        %dma_wait3A_415 = tpu.memref_squeeze %dma_wait3A_414 : memref<1x128xi32, #tpu.memory_space<vmem>> -> memref<128xi32, #tpu.memory_space<vmem>>
        %dma_wait3A_416 = tpu.memref_slice %arg5[%mul3A_380] : memref<320000xi32, #tpu.memory_space<hbm>> -> memref<128xi32, #tpu.memory_space<hbm>>
        tpu.wait_dma2 semaphore(%dma_wait3A_412 : memref<!tpu.dma_semaphore, #tpu.memory_space<semaphore_mem>>) src(%dma_wait3A_416 : memref<128xi32, #tpu.memory_space<hbm>>) dst(%dma_wait3A_415 : memref<128xi32, #tpu.memory_space<vmem>>)
        %jit3A_417 = arith.constant 3 : i32
        %eq3A_418 = arith.constant 0 : i32
        %eq3A_419 = arith.cmpi eq, %jit3A_417, %eq3A_418 : i32
        %jit3A_420 = arith.constant 1 : i32
        %select_n3A_421 = arith.select %eq3A_419, %jit3A_420, %jit3A_417 : i32
        %rem3A_422 = arith.remsi %add3A_359, %select_n3A_421 : i32
        %ne3A_423 = arith.constant 0 : i32
        %ne3A_424 = arith.cmpi ne, %rem3A_422, %ne3A_423 : i32
        %lt3A_425 = arith.constant 0 : i32
        %lt3A_426 = arith.cmpi slt, %rem3A_422, %lt3A_425 : i32
        %lt3A_427 = arith.constant 0 : i32
        %lt3A_428 = arith.cmpi slt, %select_n3A_421, %lt3A_427 : i32
        %ne3A_429 = arith.xori %lt3A_426, %lt3A_428 : i1
        %and3A_430 = arith.andi %ne3A_429, %ne3A_424 : i1
        %add3A_431 = arith.addi %rem3A_422, %select_n3A_421 : i32
        %select_n3A_432 = arith.select %and3A_430, %add3A_431, %rem3A_422 : i32
        %jit3A_433 = arith.constant 4 : i32
        %eq3A_434 = arith.constant 0 : i32
        %eq3A_435 = arith.cmpi eq, %jit3A_433, %eq3A_434 : i32
        %jit3A_436 = arith.constant 1 : i32
        %select_n3A_437 = arith.select %eq3A_435, %jit3A_436, %jit3A_433 : i32
        %rem3A_438 = arith.remsi %add3A_359, %select_n3A_437 : i32
        %ne3A_439 = arith.constant 0 : i32
        %ne3A_440 = arith.cmpi ne, %rem3A_438, %ne3A_439 : i32
        %lt3A_441 = arith.constant 0 : i32
        %lt3A_442 = arith.cmpi slt, %rem3A_438, %lt3A_441 : i32
        %lt3A_443 = arith.constant 0 : i32
        %lt3A_444 = arith.cmpi slt, %select_n3A_437, %lt3A_443 : i32
        %ne3A_445 = arith.xori %lt3A_442, %lt3A_444 : i1
        %and3A_446 = arith.andi %ne3A_445, %ne3A_440 : i1
        %add3A_447 = arith.addi %rem3A_438, %select_n3A_437 : i32
        %select_n3A_448 = arith.select %and3A_446, %add3A_447, %rem3A_438 : i32
        %mul3A_449 = arith.constant 128 : i32
        %mul3A_450 = arith.muli %select_n3A_432, %mul3A_449 : i32
        %jit3A_451 = arith.constant 4 : i32
        %eq3A_452 = arith.constant 0 : i32
        %eq3A_453 = arith.cmpi eq, %jit3A_451, %eq3A_452 : i32
        %jit3A_454 = arith.constant 1 : i32
        %select_n3A_455 = arith.select %eq3A_453, %jit3A_454, %jit3A_451 : i32
        %rem3A_456 = arith.remsi %add3A_359, %select_n3A_455 : i32
        %ne3A_457 = arith.constant 0 : i32
        %ne3A_458 = arith.cmpi ne, %rem3A_456, %ne3A_457 : i32
        %lt3A_459 = arith.constant 0 : i32
        %lt3A_460 = arith.cmpi slt, %rem3A_456, %lt3A_459 : i32
        %lt3A_461 = arith.constant 0 : i32
        %lt3A_462 = arith.cmpi slt, %select_n3A_455, %lt3A_461 : i32
        %ne3A_463 = arith.xori %lt3A_460, %lt3A_462 : i1
        %and3A_464 = arith.andi %ne3A_463, %ne3A_458 : i1
        %add3A_465 = arith.addi %rem3A_456, %select_n3A_455 : i32
        %select_n3A_466 = arith.select %and3A_464, %add3A_465, %rem3A_456 : i32
        %mul3A_467 = arith.constant 128 : i32
        %mul3A_468 = arith.muli %select_n3A_432, %mul3A_467 : i32
        %dma_start3A_469 = arith.constant 0 : i32
        %dma_start3A_470 = tpu.memref_slice %arg14[%mul3A_450, %dma_start3A_469] : memref<384x64xi32, #tpu.memory_space<vmem>> -> memref<128x64xi32, #tpu.memory_space<vmem>>
        %dma_start3A_471 = arith.constant 0 : i32
        %dma_start3A_472 = tpu.memref_slice %arg11[%select_n3A_448, %dma_start3A_471] : memref<4x128xi32, #tpu.memory_space<vmem>> -> memref<1x128xi32, #tpu.memory_space<vmem>>
        %dma_start3A_473 = tpu.memref_squeeze %dma_start3A_472 : memref<1x128xi32, #tpu.memory_space<vmem>> -> memref<128xi32, #tpu.memory_space<vmem>>
        %dma_start3A_474 = arith.constant 0 : i32
        %dma_start3A_475 = arith.constant 0 : i32
        %dma_start3A_476 = tpu.memref_slice %arg2[%dma_start3A_474, %dma_start3A_475] : memref<10000x64xi32, #tpu.memory_space<hbm>> -> memref<10000x64xi32, #tpu.memory_space<hbm>>
        %dma_start3A_477 = tpu.memref_slice %arg21[%select_n3A_432] : memref<3x!tpu.dma_semaphore, #tpu.memory_space<semaphore_mem>> -> memref<1x!tpu.dma_semaphore, #tpu.memory_space<semaphore_mem>>
        %dma_start3A_478 = tpu.memref_squeeze %dma_start3A_477 : memref<1x!tpu.dma_semaphore, #tpu.memory_space<semaphore_mem>> -> memref<!tpu.dma_semaphore, #tpu.memory_space<semaphore_mem>>
        tpu.enqueue_indirect_dma source(%dma_start3A_476 : memref<10000x64xi32, #tpu.memory_space<hbm>>) target(%dma_start3A_470 : memref<128x64xi32, #tpu.memory_space<vmem>>) offsets(%dma_start3A_473 : memref<128xi32, #tpu.memory_space<vmem>>) semaphore(%dma_start3A_478 : memref<!tpu.dma_semaphore, #tpu.memory_space<semaphore_mem>>)
        %dma_start3A_479 = arith.constant 0 : i32
        %dma_start3A_480 = tpu.memref_slice %arg15[%mul3A_468, %dma_start3A_479] : memref<384x64xi32, #tpu.memory_space<vmem>> -> memref<128x64xi32, #tpu.memory_space<vmem>>
        %dma_start3A_481 = arith.constant 0 : i32
        %dma_start3A_482 = tpu.memref_slice %arg12[%select_n3A_466, %dma_start3A_481] : memref<4x128xi32, #tpu.memory_space<vmem>> -> memref<1x128xi32, #tpu.memory_space<vmem>>
        %dma_start3A_483 = tpu.memref_squeeze %dma_start3A_482 : memref<1x128xi32, #tpu.memory_space<vmem>> -> memref<128xi32, #tpu.memory_space<vmem>>
        %dma_start3A_484 = arith.constant 0 : i32
        %dma_start3A_485 = arith.constant 0 : i32
        %dma_start3A_486 = tpu.memref_slice %arg3[%dma_start3A_484, %dma_start3A_485] : memref<10000x64xi32, #tpu.memory_space<hbm>> -> memref<10000x64xi32, #tpu.memory_space<hbm>>
        %dma_start3A_487 = tpu.memref_slice %arg22[%select_n3A_432] : memref<3x!tpu.dma_semaphore, #tpu.memory_space<semaphore_mem>> -> memref<1x!tpu.dma_semaphore, #tpu.memory_space<semaphore_mem>>
        %dma_start3A_488 = tpu.memref_squeeze %dma_start3A_487 : memref<1x!tpu.dma_semaphore, #tpu.memory_space<semaphore_mem>> -> memref<!tpu.dma_semaphore, #tpu.memory_space<semaphore_mem>>
        tpu.enqueue_indirect_dma source(%dma_start3A_486 : memref<10000x64xi32, #tpu.memory_space<hbm>>) target(%dma_start3A_480 : memref<128x64xi32, #tpu.memory_space<vmem>>) offsets(%dma_start3A_483 : memref<128xi32, #tpu.memory_space<vmem>>) semaphore(%dma_start3A_488 : memref<!tpu.dma_semaphore, #tpu.memory_space<semaphore_mem>>)
        %ge3A_489 = arith.constant 1 : i32
        %ge3A_490 = arith.cmpi sge, %add3A_359, %ge3A_489 : i32
        %convert_element_type3A_491 = arith.extui %ge3A_490 : i1 to i32
        %cond3A_492 = arith.constant 0 : i32
        %cond3A_493 = arith.cmpi ne, %convert_element_type3A_491, %cond3A_492 : i32
        scf.if %cond3A_493 {
          %sub3A_494 = arith.constant 1 : i32
          %sub3A_495 = arith.subi %add3A_359, %sub3A_494 : i32
          %jit3A_496 = arith.constant 3 : i32
          %eq3A_497 = arith.constant 0 : i32
          %eq3A_498 = arith.cmpi eq, %jit3A_496, %eq3A_497 : i32
          %jit3A_499 = arith.constant 1 : i32
          %select_n3A_500 = arith.select %eq3A_498, %jit3A_499, %jit3A_496 : i32
          %rem3A_501 = arith.remsi %sub3A_495, %select_n3A_500 : i32
          %ne3A_502 = arith.constant 0 : i32
          %ne3A_503 = arith.cmpi ne, %rem3A_501, %ne3A_502 : i32
          %lt3A_504 = arith.constant 0 : i32
          %lt3A_505 = arith.cmpi slt, %rem3A_501, %lt3A_504 : i32
          %lt3A_506 = arith.constant 0 : i32
          %lt3A_507 = arith.cmpi slt, %select_n3A_500, %lt3A_506 : i32
          %ne3A_508 = arith.xori %lt3A_505, %lt3A_507 : i1
          %and3A_509 = arith.andi %ne3A_508, %ne3A_503 : i1
          %add3A_510 = arith.addi %rem3A_501, %select_n3A_500 : i32
          %select_n3A_511 = arith.select %and3A_509, %add3A_510, %rem3A_501 : i32
          %jit3A_512 = arith.constant 4 : i32
          %eq3A_513 = arith.constant 0 : i32
          %eq3A_514 = arith.cmpi eq, %jit3A_512, %eq3A_513 : i32
          %jit3A_515 = arith.constant 1 : i32
          %select_n3A_516 = arith.select %eq3A_514, %jit3A_515, %jit3A_512 : i32
          %rem3A_517 = arith.remsi %sub3A_495, %select_n3A_516 : i32
          %ne3A_518 = arith.constant 0 : i32
          %ne3A_519 = arith.cmpi ne, %rem3A_517, %ne3A_518 : i32
          %lt3A_520 = arith.constant 0 : i32
          %lt3A_521 = arith.cmpi slt, %rem3A_517, %lt3A_520 : i32
          %lt3A_522 = arith.constant 0 : i32
          %lt3A_523 = arith.cmpi slt, %select_n3A_516, %lt3A_522 : i32
          %ne3A_524 = arith.xori %lt3A_521, %lt3A_523 : i1
          %and3A_525 = arith.andi %ne3A_524, %ne3A_519 : i1
          %add3A_526 = arith.addi %rem3A_517, %select_n3A_516 : i32
          %select_n3A_527 = arith.select %and3A_525, %add3A_526, %rem3A_517 : i32
          %mul3A_528 = arith.constant 128 : i32
          %mul3A_529 = arith.muli %select_n3A_511, %mul3A_528 : i32
          %jit3A_530 = arith.constant 4 : i32
          %eq3A_531 = arith.constant 0 : i32
          %eq3A_532 = arith.cmpi eq, %jit3A_530, %eq3A_531 : i32
          %jit3A_533 = arith.constant 1 : i32
          %select_n3A_534 = arith.select %eq3A_532, %jit3A_533, %jit3A_530 : i32
          %rem3A_535 = arith.remsi %sub3A_495, %select_n3A_534 : i32
          %ne3A_536 = arith.constant 0 : i32
          %ne3A_537 = arith.cmpi ne, %rem3A_535, %ne3A_536 : i32
          %lt3A_538 = arith.constant 0 : i32
          %lt3A_539 = arith.cmpi slt, %rem3A_535, %lt3A_538 : i32
          %lt3A_540 = arith.constant 0 : i32
          %lt3A_541 = arith.cmpi slt, %select_n3A_534, %lt3A_540 : i32
          %ne3A_542 = arith.xori %lt3A_539, %lt3A_541 : i1
          %and3A_543 = arith.andi %ne3A_542, %ne3A_537 : i1
          %add3A_544 = arith.addi %rem3A_535, %select_n3A_534 : i32
          %select_n3A_545 = arith.select %and3A_543, %add3A_544, %rem3A_535 : i32
          %mul3A_546 = arith.constant 128 : i32
          %mul3A_547 = arith.muli %select_n3A_511, %mul3A_546 : i32
          %dma_wait3A_548 = arith.constant 0 : i32
          %dma_wait3A_549 = tpu.memref_slice %arg14[%mul3A_529, %dma_wait3A_548] : memref<384x64xi32, #tpu.memory_space<vmem>> -> memref<128x64xi32, #tpu.memory_space<vmem>>
          %dma_wait3A_550 = arith.constant 0 : i32
          %dma_wait3A_551 = tpu.memref_slice %arg11[%select_n3A_527, %dma_wait3A_550] : memref<4x128xi32, #tpu.memory_space<vmem>> -> memref<1x128xi32, #tpu.memory_space<vmem>>
          %dma_wait3A_552 = tpu.memref_squeeze %dma_wait3A_551 : memref<1x128xi32, #tpu.memory_space<vmem>> -> memref<128xi32, #tpu.memory_space<vmem>>
          %dma_wait3A_553 = arith.constant 0 : i32
          %dma_wait3A_554 = arith.constant 0 : i32
          %dma_wait3A_555 = tpu.memref_slice %arg2[%dma_wait3A_553, %dma_wait3A_554] : memref<10000x64xi32, #tpu.memory_space<hbm>> -> memref<10000x64xi32, #tpu.memory_space<hbm>>
          %dma_wait3A_556 = tpu.memref_slice %arg21[%select_n3A_511] : memref<3x!tpu.dma_semaphore, #tpu.memory_space<semaphore_mem>> -> memref<1x!tpu.dma_semaphore, #tpu.memory_space<semaphore_mem>>
          %dma_wait3A_557 = tpu.memref_squeeze %dma_wait3A_556 : memref<1x!tpu.dma_semaphore, #tpu.memory_space<semaphore_mem>> -> memref<!tpu.dma_semaphore, #tpu.memory_space<semaphore_mem>>
          tpu.wait_indirect_dma semaphore(%dma_wait3A_557 : memref<!tpu.dma_semaphore, #tpu.memory_space<semaphore_mem>>) src(%dma_wait3A_555 : memref<10000x64xi32, #tpu.memory_space<hbm>>) dst(%dma_wait3A_549 : memref<128x64xi32, #tpu.memory_space<vmem>>)
          %dma_wait3A_558 = arith.constant 0 : i32
          %dma_wait3A_559 = tpu.memref_slice %arg15[%mul3A_547, %dma_wait3A_558] : memref<384x64xi32, #tpu.memory_space<vmem>> -> memref<128x64xi32, #tpu.memory_space<vmem>>
          %dma_wait3A_560 = arith.constant 0 : i32
          %dma_wait3A_561 = tpu.memref_slice %arg12[%select_n3A_545, %dma_wait3A_560] : memref<4x128xi32, #tpu.memory_space<vmem>> -> memref<1x128xi32, #tpu.memory_space<vmem>>
          %dma_wait3A_562 = tpu.memref_squeeze %dma_wait3A_561 : memref<1x128xi32, #tpu.memory_space<vmem>> -> memref<128xi32, #tpu.memory_space<vmem>>
          %dma_wait3A_563 = arith.constant 0 : i32
          %dma_wait3A_564 = arith.constant 0 : i32
          %dma_wait3A_565 = tpu.memref_slice %arg3[%dma_wait3A_563, %dma_wait3A_564] : memref<10000x64xi32, #tpu.memory_space<hbm>> -> memref<10000x64xi32, #tpu.memory_space<hbm>>
          %dma_wait3A_566 = tpu.memref_slice %arg22[%select_n3A_511] : memref<3x!tpu.dma_semaphore, #tpu.memory_space<semaphore_mem>> -> memref<1x!tpu.dma_semaphore, #tpu.memory_space<semaphore_mem>>
          %dma_wait3A_567 = tpu.memref_squeeze %dma_wait3A_566 : memref<1x!tpu.dma_semaphore, #tpu.memory_space<semaphore_mem>> -> memref<!tpu.dma_semaphore, #tpu.memory_space<semaphore_mem>>
          tpu.wait_indirect_dma semaphore(%dma_wait3A_567 : memref<!tpu.dma_semaphore, #tpu.memory_space<semaphore_mem>>) src(%dma_wait3A_565 : memref<10000x64xi32, #tpu.memory_space<hbm>>) dst(%dma_wait3A_559 : memref<128x64xi32, #tpu.memory_space<vmem>>)
          %sub3A_568 = arith.constant 1 : i32
          %sub3A_569 = arith.subi %add3A_359, %sub3A_568 : i32
          %add3A_570 = arith.addi %add3A_4, %sub3A_569 : i32
          %mul3A_571 = arith.constant 128 : i32
          %mul3A_572 = arith.muli %add3A_570, %mul3A_571 : i32
          %jit3A_573 = arith.constant 3 : i32
          %eq3A_574 = arith.constant 0 : i32
          %eq3A_575 = arith.cmpi eq, %jit3A_573, %eq3A_574 : i32
          %jit3A_576 = arith.constant 1 : i32
          %select_n3A_577 = arith.select %eq3A_575, %jit3A_576, %jit3A_573 : i32
          %rem3A_578 = arith.remsi %sub3A_569, %select_n3A_577 : i32
          %ne3A_579 = arith.constant 0 : i32
          %ne3A_580 = arith.cmpi ne, %rem3A_578, %ne3A_579 : i32
          %lt3A_581 = arith.constant 0 : i32
          %lt3A_582 = arith.cmpi slt, %rem3A_578, %lt3A_581 : i32
          %lt3A_583 = arith.constant 0 : i32
          %lt3A_584 = arith.cmpi slt, %select_n3A_577, %lt3A_583 : i32
          %ne3A_585 = arith.xori %lt3A_582, %lt3A_584 : i1
          %and3A_586 = arith.andi %ne3A_585, %ne3A_580 : i1
          %add3A_587 = arith.addi %rem3A_578, %select_n3A_577 : i32
          %select_n3A_588 = arith.select %and3A_586, %add3A_587, %rem3A_578 : i32
          %mul3A_589 = arith.constant 128 : i32
          %mul3A_590 = arith.muli %select_n3A_588, %mul3A_589 : i32
          %mul3A_591 = arith.constant 128 : i32
          %mul3A_592 = arith.muli %select_n3A_588, %mul3A_591 : i32
          %dma_start3A_593 = arith.constant 0 : i32
          %dma_start3A_594 = tpu.memref_slice %arg14[%mul3A_590, %dma_start3A_593] : memref<384x64xi32, #tpu.memory_space<vmem>> -> memref<128x64xi32, #tpu.memory_space<vmem>>
          %dma_start3A_595 = arith.constant 0 : i32
          %dma_start3A_596 = tpu.memref_slice %arg8[%mul3A_572, %dma_start3A_595] : memref<320000x64xi32, #tpu.memory_space<hbm>> -> memref<128x64xi32, #tpu.memory_space<hbm>>
          %dma_start3A_597 = tpu.memref_slice %arg23[%select_n3A_588] : memref<3x!tpu.dma_semaphore, #tpu.memory_space<semaphore_mem>> -> memref<1x!tpu.dma_semaphore, #tpu.memory_space<semaphore_mem>>
          %dma_start3A_598 = tpu.memref_squeeze %dma_start3A_597 : memref<1x!tpu.dma_semaphore, #tpu.memory_space<semaphore_mem>> -> memref<!tpu.dma_semaphore, #tpu.memory_space<semaphore_mem>>
          %dma_start3A_599 = arith.constant 0 : i32
          %dma_start3A_600 = tpu.memref_slice %arg8[%mul3A_572, %dma_start3A_599] : memref<320000x64xi32, #tpu.memory_space<hbm>> -> memref<128x64xi32, #tpu.memory_space<hbm>>
          %dma_start3A_601 = arith.constant 0 : i32
          %dma_start3A_602 = tpu.memref_slice %arg14[%mul3A_590, %dma_start3A_601] : memref<384x64xi32, #tpu.memory_space<vmem>> -> memref<128x64xi32, #tpu.memory_space<vmem>>
          tpu.enqueue_dma source(%dma_start3A_602 : memref<128x64xi32, #tpu.memory_space<vmem>>) target(%dma_start3A_600 : memref<128x64xi32, #tpu.memory_space<hbm>>) target_semaphore(%dma_start3A_598 : memref<!tpu.dma_semaphore, #tpu.memory_space<semaphore_mem>>)
          %dma_start3A_603 = arith.constant 0 : i32
          %dma_start3A_604 = tpu.memref_slice %arg15[%mul3A_592, %dma_start3A_603] : memref<384x64xi32, #tpu.memory_space<vmem>> -> memref<128x64xi32, #tpu.memory_space<vmem>>
          %dma_start3A_605 = arith.constant 0 : i32
          %dma_start3A_606 = tpu.memref_slice %arg9[%mul3A_572, %dma_start3A_605] : memref<320000x64xi32, #tpu.memory_space<hbm>> -> memref<128x64xi32, #tpu.memory_space<hbm>>
          %dma_start3A_607 = tpu.memref_slice %arg24[%select_n3A_588] : memref<3x!tpu.dma_semaphore, #tpu.memory_space<semaphore_mem>> -> memref<1x!tpu.dma_semaphore, #tpu.memory_space<semaphore_mem>>
          %dma_start3A_608 = tpu.memref_squeeze %dma_start3A_607 : memref<1x!tpu.dma_semaphore, #tpu.memory_space<semaphore_mem>> -> memref<!tpu.dma_semaphore, #tpu.memory_space<semaphore_mem>>
          %dma_start3A_609 = arith.constant 0 : i32
          %dma_start3A_610 = tpu.memref_slice %arg9[%mul3A_572, %dma_start3A_609] : memref<320000x64xi32, #tpu.memory_space<hbm>> -> memref<128x64xi32, #tpu.memory_space<hbm>>
          %dma_start3A_611 = arith.constant 0 : i32
          %dma_start3A_612 = tpu.memref_slice %arg15[%mul3A_592, %dma_start3A_611] : memref<384x64xi32, #tpu.memory_space<vmem>> -> memref<128x64xi32, #tpu.memory_space<vmem>>
          tpu.enqueue_dma source(%dma_start3A_612 : memref<128x64xi32, #tpu.memory_space<vmem>>) target(%dma_start3A_610 : memref<128x64xi32, #tpu.memory_space<hbm>>) target_semaphore(%dma_start3A_608 : memref<!tpu.dma_semaphore, #tpu.memory_space<semaphore_mem>>)
        } else {
        }
      } else {
      }
      %lt3A_364 = arith.cmpi slt, %add3A_359, %add3A_20 : i32
      %convert_element_type3A_365 = arith.extui %lt3A_364 : i1 to i32
      %cond3A_366 = arith.constant 0 : i32
      %cond3A_367 = arith.cmpi ne, %convert_element_type3A_365, %cond3A_366 : i32
      scf.if %cond3A_367 {
        %add3A_368 = arith.constant 1 : i32
        %add3A_369 = arith.addi %add3A_359, %add3A_368 : i32
        %lt3A_370 = arith.cmpi slt, %add3A_369, %add3A_20 : i32
        %convert_element_type3A_371 = arith.extui %lt3A_370 : i1 to i32
        %cond3A_372 = arith.constant 0 : i32
        %cond3A_373 = arith.cmpi ne, %convert_element_type3A_371, %cond3A_372 : i32
        scf.if %cond3A_373 {
          %add3A_412 = arith.constant 1 : i32
          %add3A_413 = arith.addi %add3A_359, %add3A_412 : i32
          %add3A_414 = arith.addi %add3A_13, %add3A_413 : i32
          %mul3A_415 = arith.constant 128 : i32
          %mul3A_416 = arith.muli %add3A_414, %mul3A_415 : i32
          %jit3A_417 = arith.constant 4 : i32
          %eq3A_418 = arith.constant 0 : i32
          %eq3A_419 = arith.cmpi eq, %jit3A_417, %eq3A_418 : i32
          %jit3A_420 = arith.constant 1 : i32
          %select_n3A_421 = arith.select %eq3A_419, %jit3A_420, %jit3A_417 : i32
          %rem3A_422 = arith.remsi %add3A_413, %select_n3A_421 : i32
          %ne3A_423 = arith.constant 0 : i32
          %ne3A_424 = arith.cmpi ne, %rem3A_422, %ne3A_423 : i32
          %lt3A_425 = arith.constant 0 : i32
          %lt3A_426 = arith.cmpi slt, %rem3A_422, %lt3A_425 : i32
          %lt3A_427 = arith.constant 0 : i32
          %lt3A_428 = arith.cmpi slt, %select_n3A_421, %lt3A_427 : i32
          %ne3A_429 = arith.xori %lt3A_426, %lt3A_428 : i1
          %and3A_430 = arith.andi %ne3A_429, %ne3A_424 : i1
          %add3A_431 = arith.addi %rem3A_422, %select_n3A_421 : i32
          %select_n3A_432 = arith.select %and3A_430, %add3A_431, %rem3A_422 : i32
          %dma_start3A_433 = arith.constant 0 : i32
          %dma_start3A_434 = tpu.memref_slice %arg13[%select_n3A_432, %dma_start3A_433] : memref<4x128xi32, #tpu.memory_space<vmem>> -> memref<1x128xi32, #tpu.memory_space<vmem>>
          %dma_start3A_435 = tpu.memref_squeeze %dma_start3A_434 : memref<1x128xi32, #tpu.memory_space<vmem>> -> memref<128xi32, #tpu.memory_space<vmem>>
          %dma_start3A_436 = tpu.memref_slice %arg4[%mul3A_416] : memref<320000xi32, #tpu.memory_space<hbm>> -> memref<128xi32, #tpu.memory_space<hbm>>
          %dma_start3A_437 = tpu.memref_slice %arg20[%select_n3A_432] : memref<4x!tpu.dma_semaphore, #tpu.memory_space<semaphore_mem>> -> memref<1x!tpu.dma_semaphore, #tpu.memory_space<semaphore_mem>>
          %dma_start3A_438 = tpu.memref_squeeze %dma_start3A_437 : memref<1x!tpu.dma_semaphore, #tpu.memory_space<semaphore_mem>> -> memref<!tpu.dma_semaphore, #tpu.memory_space<semaphore_mem>>
          %dma_start3A_439 = arith.constant 0 : i32
          %dma_start3A_440 = tpu.memref_slice %arg13[%select_n3A_432, %dma_start3A_439] : memref<4x128xi32, #tpu.memory_space<vmem>> -> memref<1x128xi32, #tpu.memory_space<vmem>>
          %dma_start3A_441 = tpu.memref_squeeze %dma_start3A_440 : memref<1x128xi32, #tpu.memory_space<vmem>> -> memref<128xi32, #tpu.memory_space<vmem>>
          %dma_start3A_442 = tpu.memref_slice %arg4[%mul3A_416] : memref<320000xi32, #tpu.memory_space<hbm>> -> memref<128xi32, #tpu.memory_space<hbm>>
          tpu.enqueue_dma source(%dma_start3A_442 : memref<128xi32, #tpu.memory_space<hbm>>) target(%dma_start3A_441 : memref<128xi32, #tpu.memory_space<vmem>>) target_semaphore(%dma_start3A_438 : memref<!tpu.dma_semaphore, #tpu.memory_space<semaphore_mem>>)
        } else {
        }
        %ge3A = arith.constant 2 : i32
        %ge3A_374 = arith.cmpi sge, %add3A_359, %ge3A : i32
        %convert_element_type3A_375 = arith.extui %ge3A_374 : i1 to i32
        %cond3A_376 = arith.constant 0 : i32
        %cond3A_377 = arith.cmpi ne, %convert_element_type3A_375, %cond3A_376 : i32
        scf.if %cond3A_377 {
          %sub3A_412 = arith.constant 2 : i32
          %sub3A_413 = arith.subi %add3A_359, %sub3A_412 : i32
          %jit3A_414 = arith.constant 2 : i32
          %eq3A_415 = arith.constant 0 : i32
          %eq3A_416 = arith.cmpi eq, %jit3A_414, %eq3A_415 : i32
          %jit3A_417 = arith.constant 1 : i32
          %select_n3A_418 = arith.select %eq3A_416, %jit3A_417, %jit3A_414 : i32
          %rem3A_419 = arith.remsi %sub3A_413, %select_n3A_418 : i32
          %ne3A_420 = arith.constant 0 : i32
          %ne3A_421 = arith.cmpi ne, %rem3A_419, %ne3A_420 : i32
          %lt3A_422 = arith.constant 0 : i32
          %lt3A_423 = arith.cmpi slt, %rem3A_419, %lt3A_422 : i32
          %lt3A_424 = arith.constant 0 : i32
          %lt3A_425 = arith.cmpi slt, %select_n3A_418, %lt3A_424 : i32
          %ne3A_426 = arith.xori %lt3A_423, %lt3A_425 : i1
          %and3A_427 = arith.andi %ne3A_426, %ne3A_421 : i1
          %add3A_428 = arith.addi %rem3A_419, %select_n3A_418 : i32
          %select_n3A_429 = arith.select %and3A_427, %add3A_428, %rem3A_419 : i32
          %mul3A_430 = arith.constant 128 : i32
          %mul3A_431 = arith.muli %select_n3A_429, %mul3A_430 : i32
          %jit3A_432 = arith.constant 4 : i32
          %eq3A_433 = arith.constant 0 : i32
          %eq3A_434 = arith.cmpi eq, %jit3A_432, %eq3A_433 : i32
          %jit3A_435 = arith.constant 1 : i32
          %select_n3A_436 = arith.select %eq3A_434, %jit3A_435, %jit3A_432 : i32
          %rem3A_437 = arith.remsi %sub3A_413, %select_n3A_436 : i32
          %ne3A_438 = arith.constant 0 : i32
          %ne3A_439 = arith.cmpi ne, %rem3A_437, %ne3A_438 : i32
          %lt3A_440 = arith.constant 0 : i32
          %lt3A_441 = arith.cmpi slt, %rem3A_437, %lt3A_440 : i32
          %lt3A_442 = arith.constant 0 : i32
          %lt3A_443 = arith.cmpi slt, %select_n3A_436, %lt3A_442 : i32
          %ne3A_444 = arith.xori %lt3A_441, %lt3A_443 : i1
          %and3A_445 = arith.andi %ne3A_444, %ne3A_439 : i1
          %add3A_446 = arith.addi %rem3A_437, %select_n3A_436 : i32
          %select_n3A_447 = arith.select %and3A_445, %add3A_446, %rem3A_437 : i32
          %dma_wait3A_448 = arith.constant 0 : i32
          %dma_wait3A_449 = tpu.memref_slice %arg16[%mul3A_431, %dma_wait3A_448] : memref<256x64xf32, #tpu.memory_space<vmem>> -> memref<128x64xf32, #tpu.memory_space<vmem>>
          %dma_wait3A_450 = arith.constant 0 : i32
          %dma_wait3A_451 = tpu.memref_slice %arg13[%select_n3A_447, %dma_wait3A_450] : memref<4x128xi32, #tpu.memory_space<vmem>> -> memref<1x128xi32, #tpu.memory_space<vmem>>
          %dma_wait3A_452 = tpu.memref_squeeze %dma_wait3A_451 : memref<1x128xi32, #tpu.memory_space<vmem>> -> memref<128xi32, #tpu.memory_space<vmem>>
          %dma_wait3A_453 = arith.constant 0 : i32
          %dma_wait3A_454 = arith.constant 0 : i32
          %dma_wait3A_455 = tpu.memref_slice %arg17[%dma_wait3A_453, %dma_wait3A_454] : memref<10000x64xf32, #tpu.memory_space<vmem_shared>> -> memref<10000x64xf32, #tpu.memory_space<vmem_shared>>
          %dma_wait3A_456 = tpu.memref_slice %arg26[%select_n3A_429] : memref<2x!tpu.dma_semaphore, #tpu.memory_space<semaphore_mem>> -> memref<1x!tpu.dma_semaphore, #tpu.memory_space<semaphore_mem>>
          %dma_wait3A_457 = tpu.memref_squeeze %dma_wait3A_456 : memref<1x!tpu.dma_semaphore, #tpu.memory_space<semaphore_mem>> -> memref<!tpu.dma_semaphore, #tpu.memory_space<semaphore_mem>>
          tpu.wait_indirect_dma semaphore(%dma_wait3A_457 : memref<!tpu.dma_semaphore, #tpu.memory_space<semaphore_mem>>) src(%dma_wait3A_449 : memref<128x64xf32, #tpu.memory_space<vmem>>) dst(%dma_wait3A_455 : memref<10000x64xf32, #tpu.memory_space<vmem_shared>>)
        } else {
        }
        %add3A_378 = arith.addi %add3A_13, %add3A_359 : i32
        %mul3A_379 = arith.constant 128 : i32
        %mul3A_380 = arith.muli %add3A_378, %mul3A_379 : i32
        %jit3A_381 = arith.constant 2 : i32
        %eq3A_382 = arith.constant 0 : i32
        %eq3A_383 = arith.cmpi eq, %jit3A_381, %eq3A_382 : i32
        %jit3A_384 = arith.constant 1 : i32
        %select_n3A_385 = arith.select %eq3A_383, %jit3A_384, %jit3A_381 : i32
        %rem3A_386 = arith.remsi %add3A_359, %select_n3A_385 : i32
        %ne3A_387 = arith.constant 0 : i32
        %ne3A_388 = arith.cmpi ne, %rem3A_386, %ne3A_387 : i32
        %lt3A_389 = arith.constant 0 : i32
        %lt3A_390 = arith.cmpi slt, %rem3A_386, %lt3A_389 : i32
        %lt3A_391 = arith.constant 0 : i32
        %lt3A_392 = arith.cmpi slt, %select_n3A_385, %lt3A_391 : i32
        %ne3A_393 = arith.xori %lt3A_390, %lt3A_392 : i1
        %and3A_394 = arith.andi %ne3A_393, %ne3A_388 : i1
        %add3A_395 = arith.addi %rem3A_386, %select_n3A_385 : i32
        %select_n3A_396 = arith.select %and3A_394, %add3A_395, %rem3A_386 : i32
        %mul3A_397 = arith.constant 128 : i32
        %mul3A_398 = arith.muli %select_n3A_396, %mul3A_397 : i32
        %dma_start3A_399 = arith.constant 0 : i32
        %dma_start3A_400 = tpu.memref_slice %arg16[%mul3A_398, %dma_start3A_399] : memref<256x64xf32, #tpu.memory_space<vmem>> -> memref<128x64xf32, #tpu.memory_space<vmem>>
        %dma_start3A_401 = tpu.memref_slice %arg6[%mul3A_380, %mul3A_22] : memref<320000x128xf32, #tpu.memory_space<hbm>> -> memref<128x64xf32, #tpu.memory_space<hbm>>
        %dma_start3A_402 = tpu.memref_slice %arg25[%select_n3A_396] : memref<2x!tpu.dma_semaphore, #tpu.memory_space<semaphore_mem>> -> memref<1x!tpu.dma_semaphore, #tpu.memory_space<semaphore_mem>>
        %dma_start3A_403 = tpu.memref_squeeze %dma_start3A_402 : memref<1x!tpu.dma_semaphore, #tpu.memory_space<semaphore_mem>> -> memref<!tpu.dma_semaphore, #tpu.memory_space<semaphore_mem>>
        %dma_start3A_404 = arith.constant 0 : i32
        %dma_start3A_405 = tpu.memref_slice %arg16[%mul3A_398, %dma_start3A_404] : memref<256x64xf32, #tpu.memory_space<vmem>> -> memref<128x64xf32, #tpu.memory_space<vmem>>
        %dma_start3A_406 = tpu.memref_slice %arg6[%mul3A_380, %mul3A_22] : memref<320000x128xf32, #tpu.memory_space<hbm>> -> memref<128x64xf32, #tpu.memory_space<hbm>>
        tpu.enqueue_dma source(%dma_start3A_406 : memref<128x64xf32, #tpu.memory_space<hbm>>) target(%dma_start3A_405 : memref<128x64xf32, #tpu.memory_space<vmem>>) target_semaphore(%dma_start3A_403 : memref<!tpu.dma_semaphore, #tpu.memory_space<semaphore_mem>>)
        %ge3A_407 = arith.constant 1 : i32
        %ge3A_408 = arith.cmpi sge, %add3A_359, %ge3A_407 : i32
        %convert_element_type3A_409 = arith.extui %ge3A_408 : i1 to i32
        %cond3A_410 = arith.constant 0 : i32
        %cond3A_411 = arith.cmpi ne, %convert_element_type3A_409, %cond3A_410 : i32
        scf.if %cond3A_411 {
          %sub3A_412 = arith.constant 1 : i32
          %sub3A_413 = arith.subi %add3A_359, %sub3A_412 : i32
          %add3A_414 = arith.addi %add3A_13, %sub3A_413 : i32
          %mul3A_415 = arith.constant 128 : i32
          %mul3A_416 = arith.muli %add3A_414, %mul3A_415 : i32
          %jit3A_417 = arith.constant 2 : i32
          %eq3A_418 = arith.constant 0 : i32
          %eq3A_419 = arith.cmpi eq, %jit3A_417, %eq3A_418 : i32
          %jit3A_420 = arith.constant 1 : i32
          %select_n3A_421 = arith.select %eq3A_419, %jit3A_420, %jit3A_417 : i32
          %rem3A_422 = arith.remsi %sub3A_413, %select_n3A_421 : i32
          %ne3A_423 = arith.constant 0 : i32
          %ne3A_424 = arith.cmpi ne, %rem3A_422, %ne3A_423 : i32
          %lt3A_425 = arith.constant 0 : i32
          %lt3A_426 = arith.cmpi slt, %rem3A_422, %lt3A_425 : i32
          %lt3A_427 = arith.constant 0 : i32
          %lt3A_428 = arith.cmpi slt, %select_n3A_421, %lt3A_427 : i32
          %ne3A_429 = arith.xori %lt3A_426, %lt3A_428 : i1
          %and3A_430 = arith.andi %ne3A_429, %ne3A_424 : i1
          %add3A_431 = arith.addi %rem3A_422, %select_n3A_421 : i32
          %select_n3A_432 = arith.select %and3A_430, %add3A_431, %rem3A_422 : i32
          %mul3A_433 = arith.constant 128 : i32
          %mul3A_434 = arith.muli %select_n3A_432, %mul3A_433 : i32
          %dma_wait3A_435 = arith.constant 0 : i32
          %dma_wait3A_436 = tpu.memref_slice %arg16[%mul3A_434, %dma_wait3A_435] : memref<256x64xf32, #tpu.memory_space<vmem>> -> memref<128x64xf32, #tpu.memory_space<vmem>>
          %dma_wait3A_437 = tpu.memref_slice %arg6[%mul3A_416, %mul3A_22] : memref<320000x128xf32, #tpu.memory_space<hbm>> -> memref<128x64xf32, #tpu.memory_space<hbm>>
          %dma_wait3A_438 = tpu.memref_slice %arg25[%select_n3A_432] : memref<2x!tpu.dma_semaphore, #tpu.memory_space<semaphore_mem>> -> memref<1x!tpu.dma_semaphore, #tpu.memory_space<semaphore_mem>>
          %dma_wait3A_439 = tpu.memref_squeeze %dma_wait3A_438 : memref<1x!tpu.dma_semaphore, #tpu.memory_space<semaphore_mem>> -> memref<!tpu.dma_semaphore, #tpu.memory_space<semaphore_mem>>
          %dma_wait3A_440 = arith.constant 0 : i32
          %dma_wait3A_441 = tpu.memref_slice %arg16[%mul3A_434, %dma_wait3A_440] : memref<256x64xf32, #tpu.memory_space<vmem>> -> memref<128x64xf32, #tpu.memory_space<vmem>>
          %dma_wait3A_442 = tpu.memref_slice %arg6[%mul3A_416, %mul3A_22] : memref<320000x128xf32, #tpu.memory_space<hbm>> -> memref<128x64xf32, #tpu.memory_space<hbm>>
          tpu.wait_dma2 semaphore(%dma_wait3A_439 : memref<!tpu.dma_semaphore, #tpu.memory_space<semaphore_mem>>) src(%dma_wait3A_442 : memref<128x64xf32, #tpu.memory_space<hbm>>) dst(%dma_wait3A_441 : memref<128x64xf32, #tpu.memory_space<vmem>>)
          %sub3A_443 = arith.constant 1 : i32
          %sub3A_444 = arith.subi %add3A_359, %sub3A_443 : i32
          %add3A_445 = arith.addi %add3A_13, %sub3A_444 : i32
          %mul3A_446 = arith.constant 128 : i32
          %mul3A_447 = arith.muli %add3A_445, %mul3A_446 : i32
          %jit3A_448 = arith.constant 4 : i32
          %eq3A_449 = arith.constant 0 : i32
          %eq3A_450 = arith.cmpi eq, %jit3A_448, %eq3A_449 : i32
          %jit3A_451 = arith.constant 1 : i32
          %select_n3A_452 = arith.select %eq3A_450, %jit3A_451, %jit3A_448 : i32
          %rem3A_453 = arith.remsi %sub3A_444, %select_n3A_452 : i32
          %ne3A_454 = arith.constant 0 : i32
          %ne3A_455 = arith.cmpi ne, %rem3A_453, %ne3A_454 : i32
          %lt3A_456 = arith.constant 0 : i32
          %lt3A_457 = arith.cmpi slt, %rem3A_453, %lt3A_456 : i32
          %lt3A_458 = arith.constant 0 : i32
          %lt3A_459 = arith.cmpi slt, %select_n3A_452, %lt3A_458 : i32
          %ne3A_460 = arith.xori %lt3A_457, %lt3A_459 : i1
          %and3A_461 = arith.andi %ne3A_460, %ne3A_455 : i1
          %add3A_462 = arith.addi %rem3A_453, %select_n3A_452 : i32
          %select_n3A_463 = arith.select %and3A_461, %add3A_462, %rem3A_453 : i32
          %dma_wait3A_464 = arith.constant 0 : i32
          %dma_wait3A_465 = tpu.memref_slice %arg13[%select_n3A_463, %dma_wait3A_464] : memref<4x128xi32, #tpu.memory_space<vmem>> -> memref<1x128xi32, #tpu.memory_space<vmem>>
          %dma_wait3A_466 = tpu.memref_squeeze %dma_wait3A_465 : memref<1x128xi32, #tpu.memory_space<vmem>> -> memref<128xi32, #tpu.memory_space<vmem>>
          %dma_wait3A_467 = tpu.memref_slice %arg4[%mul3A_447] : memref<320000xi32, #tpu.memory_space<hbm>> -> memref<128xi32, #tpu.memory_space<hbm>>
          %dma_wait3A_468 = tpu.memref_slice %arg20[%select_n3A_463] : memref<4x!tpu.dma_semaphore, #tpu.memory_space<semaphore_mem>> -> memref<1x!tpu.dma_semaphore, #tpu.memory_space<semaphore_mem>>
          %dma_wait3A_469 = tpu.memref_squeeze %dma_wait3A_468 : memref<1x!tpu.dma_semaphore, #tpu.memory_space<semaphore_mem>> -> memref<!tpu.dma_semaphore, #tpu.memory_space<semaphore_mem>>
          %dma_wait3A_470 = arith.constant 0 : i32
          %dma_wait3A_471 = tpu.memref_slice %arg13[%select_n3A_463, %dma_wait3A_470] : memref<4x128xi32, #tpu.memory_space<vmem>> -> memref<1x128xi32, #tpu.memory_space<vmem>>
          %dma_wait3A_472 = tpu.memref_squeeze %dma_wait3A_471 : memref<1x128xi32, #tpu.memory_space<vmem>> -> memref<128xi32, #tpu.memory_space<vmem>>
          %dma_wait3A_473 = tpu.memref_slice %arg4[%mul3A_447] : memref<320000xi32, #tpu.memory_space<hbm>> -> memref<128xi32, #tpu.memory_space<hbm>>
          tpu.wait_dma2 semaphore(%dma_wait3A_469 : memref<!tpu.dma_semaphore, #tpu.memory_space<semaphore_mem>>) src(%dma_wait3A_473 : memref<128xi32, #tpu.memory_space<hbm>>) dst(%dma_wait3A_472 : memref<128xi32, #tpu.memory_space<vmem>>)
          %sub3A_474 = arith.constant 1 : i32
          %sub3A_475 = arith.subi %add3A_359, %sub3A_474 : i32
          %jit3A_476 = arith.constant 2 : i32
          %eq3A_477 = arith.constant 0 : i32
          %eq3A_478 = arith.cmpi eq, %jit3A_476, %eq3A_477 : i32
          %jit3A_479 = arith.constant 1 : i32
          %select_n3A_480 = arith.select %eq3A_478, %jit3A_479, %jit3A_476 : i32
          %rem3A_481 = arith.remsi %sub3A_475, %select_n3A_480 : i32
          %ne3A_482 = arith.constant 0 : i32
          %ne3A_483 = arith.cmpi ne, %rem3A_481, %ne3A_482 : i32
          %lt3A_484 = arith.constant 0 : i32
          %lt3A_485 = arith.cmpi slt, %rem3A_481, %lt3A_484 : i32
          %lt3A_486 = arith.constant 0 : i32
          %lt3A_487 = arith.cmpi slt, %select_n3A_480, %lt3A_486 : i32
          %ne3A_488 = arith.xori %lt3A_485, %lt3A_487 : i1
          %and3A_489 = arith.andi %ne3A_488, %ne3A_483 : i1
          %add3A_490 = arith.addi %rem3A_481, %select_n3A_480 : i32
          %select_n3A_491 = arith.select %and3A_489, %add3A_490, %rem3A_481 : i32
          %mul3A_492 = arith.constant 128 : i32
          %mul3A_493 = arith.muli %select_n3A_491, %mul3A_492 : i32
          %jit3A_494 = arith.constant 4 : i32
          %eq3A_495 = arith.constant 0 : i32
          %eq3A_496 = arith.cmpi eq, %jit3A_494, %eq3A_495 : i32
          %jit3A_497 = arith.constant 1 : i32
          %select_n3A_498 = arith.select %eq3A_496, %jit3A_497, %jit3A_494 : i32
          %rem3A_499 = arith.remsi %sub3A_475, %select_n3A_498 : i32
          %ne3A_500 = arith.constant 0 : i32
          %ne3A_501 = arith.cmpi ne, %rem3A_499, %ne3A_500 : i32
          %lt3A_502 = arith.constant 0 : i32
          %lt3A_503 = arith.cmpi slt, %rem3A_499, %lt3A_502 : i32
          %lt3A_504 = arith.constant 0 : i32
          %lt3A_505 = arith.cmpi slt, %select_n3A_498, %lt3A_504 : i32
          %ne3A_506 = arith.xori %lt3A_503, %lt3A_505 : i1
          %and3A_507 = arith.andi %ne3A_506, %ne3A_501 : i1
          %add3A_508 = arith.addi %rem3A_499, %select_n3A_498 : i32
          %select_n3A_509 = arith.select %and3A_507, %add3A_508, %rem3A_499 : i32
          %dma_start3A_510 = arith.constant 0 : i32
          %dma_start3A_511 = tpu.memref_slice %arg16[%mul3A_493, %dma_start3A_510] : memref<256x64xf32, #tpu.memory_space<vmem>> -> memref<128x64xf32, #tpu.memory_space<vmem>>
          %dma_start3A_512 = arith.constant 0 : i32
          %dma_start3A_513 = tpu.memref_slice %arg13[%select_n3A_509, %dma_start3A_512] : memref<4x128xi32, #tpu.memory_space<vmem>> -> memref<1x128xi32, #tpu.memory_space<vmem>>
          %dma_start3A_514 = tpu.memref_squeeze %dma_start3A_513 : memref<1x128xi32, #tpu.memory_space<vmem>> -> memref<128xi32, #tpu.memory_space<vmem>>
          %dma_start3A_515 = arith.constant 0 : i32
          %dma_start3A_516 = arith.constant 0 : i32
          %dma_start3A_517 = tpu.memref_slice %arg17[%dma_start3A_515, %dma_start3A_516] : memref<10000x64xf32, #tpu.memory_space<vmem_shared>> -> memref<10000x64xf32, #tpu.memory_space<vmem_shared>>
          %dma_start3A_518 = tpu.memref_slice %arg26[%select_n3A_491] : memref<2x!tpu.dma_semaphore, #tpu.memory_space<semaphore_mem>> -> memref<1x!tpu.dma_semaphore, #tpu.memory_space<semaphore_mem>>
          %dma_start3A_519 = tpu.memref_squeeze %dma_start3A_518 : memref<1x!tpu.dma_semaphore, #tpu.memory_space<semaphore_mem>> -> memref<!tpu.dma_semaphore, #tpu.memory_space<semaphore_mem>>
          tpu.enqueue_indirect_dma source(%dma_start3A_511 : memref<128x64xf32, #tpu.memory_space<vmem>>) target(%dma_start3A_517 : memref<10000x64xf32, #tpu.memory_space<vmem_shared>>) offsets(%dma_start3A_514 : memref<128xi32, #tpu.memory_space<vmem>>) semaphore(%dma_start3A_519 : memref<!tpu.dma_semaphore, #tpu.memory_space<semaphore_mem>>) {add = true}
        } else {
        }
      } else {
      }
    }
    %sub3A_86 = arith.constant 1 : i32
    %sub3A_87 = arith.subi %add3A_8, %sub3A_86 : i32
    %jit3A_88 = arith.constant 3 : i32
    %eq3A_89 = arith.constant 0 : i32
    %eq3A_90 = arith.cmpi eq, %jit3A_88, %eq3A_89 : i32
    %jit3A_91 = arith.constant 1 : i32
    %select_n3A_92 = arith.select %eq3A_90, %jit3A_91, %jit3A_88 : i32
    %rem3A = arith.remsi %sub3A_87, %select_n3A_92 : i32
    %ne3A = arith.constant 0 : i32
    %ne3A_93 = arith.cmpi ne, %rem3A, %ne3A : i32
    %lt3A_94 = arith.constant 0 : i32
    %lt3A_95 = arith.cmpi slt, %rem3A, %lt3A_94 : i32
    %lt3A_96 = arith.constant 0 : i32
    %lt3A_97 = arith.cmpi slt, %select_n3A_92, %lt3A_96 : i32
    %ne3A_98 = arith.xori %lt3A_95, %lt3A_97 : i1
    %and3A = arith.andi %ne3A_98, %ne3A_93 : i1
    %add3A_99 = arith.addi %rem3A, %select_n3A_92 : i32
    %select_n3A_100 = arith.select %and3A, %add3A_99, %rem3A : i32
    %jit3A_101 = arith.constant 4 : i32
    %eq3A_102 = arith.constant 0 : i32
    %eq3A_103 = arith.cmpi eq, %jit3A_101, %eq3A_102 : i32
    %jit3A_104 = arith.constant 1 : i32
    %select_n3A_105 = arith.select %eq3A_103, %jit3A_104, %jit3A_101 : i32
    %rem3A_106 = arith.remsi %sub3A_87, %select_n3A_105 : i32
    %ne3A_107 = arith.constant 0 : i32
    %ne3A_108 = arith.cmpi ne, %rem3A_106, %ne3A_107 : i32
    %lt3A_109 = arith.constant 0 : i32
    %lt3A_110 = arith.cmpi slt, %rem3A_106, %lt3A_109 : i32
    %lt3A_111 = arith.constant 0 : i32
    %lt3A_112 = arith.cmpi slt, %select_n3A_105, %lt3A_111 : i32
    %ne3A_113 = arith.xori %lt3A_110, %lt3A_112 : i1
    %and3A_114 = arith.andi %ne3A_113, %ne3A_108 : i1
    %add3A_115 = arith.addi %rem3A_106, %select_n3A_105 : i32
    %select_n3A_116 = arith.select %and3A_114, %add3A_115, %rem3A_106 : i32
    %mul3A_117 = arith.constant 128 : i32
    %mul3A_118 = arith.muli %select_n3A_100, %mul3A_117 : i32
    %jit3A_119 = arith.constant 4 : i32
    %eq3A_120 = arith.constant 0 : i32
    %eq3A_121 = arith.cmpi eq, %jit3A_119, %eq3A_120 : i32
    %jit3A_122 = arith.constant 1 : i32
    %select_n3A_123 = arith.select %eq3A_121, %jit3A_122, %jit3A_119 : i32
    %rem3A_124 = arith.remsi %sub3A_87, %select_n3A_123 : i32
    %ne3A_125 = arith.constant 0 : i32
    %ne3A_126 = arith.cmpi ne, %rem3A_124, %ne3A_125 : i32
    %lt3A_127 = arith.constant 0 : i32
    %lt3A_128 = arith.cmpi slt, %rem3A_124, %lt3A_127 : i32
    %lt3A_129 = arith.constant 0 : i32
    %lt3A_130 = arith.cmpi slt, %select_n3A_123, %lt3A_129 : i32
    %ne3A_131 = arith.xori %lt3A_128, %lt3A_130 : i1
    %and3A_132 = arith.andi %ne3A_131, %ne3A_126 : i1
    %add3A_133 = arith.addi %rem3A_124, %select_n3A_123 : i32
    %select_n3A_134 = arith.select %and3A_132, %add3A_133, %rem3A_124 : i32
    %mul3A_135 = arith.constant 128 : i32
    %mul3A_136 = arith.muli %select_n3A_100, %mul3A_135 : i32
    %dma_wait3A = arith.constant 0 : i32
    %dma_wait3A_137 = tpu.memref_slice %arg14[%mul3A_118, %dma_wait3A] : memref<384x64xi32, #tpu.memory_space<vmem>> -> memref<128x64xi32, #tpu.memory_space<vmem>>
    %dma_wait3A_138 = arith.constant 0 : i32
    %dma_wait3A_139 = tpu.memref_slice %arg11[%select_n3A_116, %dma_wait3A_138] : memref<4x128xi32, #tpu.memory_space<vmem>> -> memref<1x128xi32, #tpu.memory_space<vmem>>
    %dma_wait3A_140 = tpu.memref_squeeze %dma_wait3A_139 : memref<1x128xi32, #tpu.memory_space<vmem>> -> memref<128xi32, #tpu.memory_space<vmem>>
    %dma_wait3A_141 = arith.constant 0 : i32
    %dma_wait3A_142 = arith.constant 0 : i32
    %dma_wait3A_143 = tpu.memref_slice %arg2[%dma_wait3A_141, %dma_wait3A_142] : memref<10000x64xi32, #tpu.memory_space<hbm>> -> memref<10000x64xi32, #tpu.memory_space<hbm>>
    %dma_wait3A_144 = tpu.memref_slice %arg21[%select_n3A_100] : memref<3x!tpu.dma_semaphore, #tpu.memory_space<semaphore_mem>> -> memref<1x!tpu.dma_semaphore, #tpu.memory_space<semaphore_mem>>
    %dma_wait3A_145 = tpu.memref_squeeze %dma_wait3A_144 : memref<1x!tpu.dma_semaphore, #tpu.memory_space<semaphore_mem>> -> memref<!tpu.dma_semaphore, #tpu.memory_space<semaphore_mem>>
    tpu.wait_indirect_dma semaphore(%dma_wait3A_145 : memref<!tpu.dma_semaphore, #tpu.memory_space<semaphore_mem>>) src(%dma_wait3A_143 : memref<10000x64xi32, #tpu.memory_space<hbm>>) dst(%dma_wait3A_137 : memref<128x64xi32, #tpu.memory_space<vmem>>)
    %dma_wait3A_146 = arith.constant 0 : i32
    %dma_wait3A_147 = tpu.memref_slice %arg15[%mul3A_136, %dma_wait3A_146] : memref<384x64xi32, #tpu.memory_space<vmem>> -> memref<128x64xi32, #tpu.memory_space<vmem>>
    %dma_wait3A_148 = arith.constant 0 : i32
    %dma_wait3A_149 = tpu.memref_slice %arg12[%select_n3A_134, %dma_wait3A_148] : memref<4x128xi32, #tpu.memory_space<vmem>> -> memref<1x128xi32, #tpu.memory_space<vmem>>
    %dma_wait3A_150 = tpu.memref_squeeze %dma_wait3A_149 : memref<1x128xi32, #tpu.memory_space<vmem>> -> memref<128xi32, #tpu.memory_space<vmem>>
    %dma_wait3A_151 = arith.constant 0 : i32
    %dma_wait3A_152 = arith.constant 0 : i32
    %dma_wait3A_153 = tpu.memref_slice %arg3[%dma_wait3A_151, %dma_wait3A_152] : memref<10000x64xi32, #tpu.memory_space<hbm>> -> memref<10000x64xi32, #tpu.memory_space<hbm>>
    %dma_wait3A_154 = tpu.memref_slice %arg22[%select_n3A_100] : memref<3x!tpu.dma_semaphore, #tpu.memory_space<semaphore_mem>> -> memref<1x!tpu.dma_semaphore, #tpu.memory_space<semaphore_mem>>
    %dma_wait3A_155 = tpu.memref_squeeze %dma_wait3A_154 : memref<1x!tpu.dma_semaphore, #tpu.memory_space<semaphore_mem>> -> memref<!tpu.dma_semaphore, #tpu.memory_space<semaphore_mem>>
    tpu.wait_indirect_dma semaphore(%dma_wait3A_155 : memref<!tpu.dma_semaphore, #tpu.memory_space<semaphore_mem>>) src(%dma_wait3A_153 : memref<10000x64xi32, #tpu.memory_space<hbm>>) dst(%dma_wait3A_147 : memref<128x64xi32, #tpu.memory_space<vmem>>)
    %sub3A_156 = arith.constant 1 : i32
    %sub3A_157 = arith.subi %add3A_8, %sub3A_156 : i32
    %add3A_158 = arith.addi %add3A_4, %sub3A_157 : i32
    %mul3A_159 = arith.constant 128 : i32
    %mul3A_160 = arith.muli %add3A_158, %mul3A_159 : i32
    %jit3A_161 = arith.constant 3 : i32
    %eq3A_162 = arith.constant 0 : i32
    %eq3A_163 = arith.cmpi eq, %jit3A_161, %eq3A_162 : i32
    %jit3A_164 = arith.constant 1 : i32
    %select_n3A_165 = arith.select %eq3A_163, %jit3A_164, %jit3A_161 : i32
    %rem3A_166 = arith.remsi %sub3A_157, %select_n3A_165 : i32
    %ne3A_167 = arith.constant 0 : i32
    %ne3A_168 = arith.cmpi ne, %rem3A_166, %ne3A_167 : i32
    %lt3A_169 = arith.constant 0 : i32
    %lt3A_170 = arith.cmpi slt, %rem3A_166, %lt3A_169 : i32
    %lt3A_171 = arith.constant 0 : i32
    %lt3A_172 = arith.cmpi slt, %select_n3A_165, %lt3A_171 : i32
    %ne3A_173 = arith.xori %lt3A_170, %lt3A_172 : i1
    %and3A_174 = arith.andi %ne3A_173, %ne3A_168 : i1
    %add3A_175 = arith.addi %rem3A_166, %select_n3A_165 : i32
    %select_n3A_176 = arith.select %and3A_174, %add3A_175, %rem3A_166 : i32
    %mul3A_177 = arith.constant 128 : i32
    %mul3A_178 = arith.muli %select_n3A_176, %mul3A_177 : i32
    %mul3A_179 = arith.constant 128 : i32
    %mul3A_180 = arith.muli %select_n3A_176, %mul3A_179 : i32
    %dma_start3A_181 = arith.constant 0 : i32
    %dma_start3A_182 = tpu.memref_slice %arg14[%mul3A_178, %dma_start3A_181] : memref<384x64xi32, #tpu.memory_space<vmem>> -> memref<128x64xi32, #tpu.memory_space<vmem>>
    %dma_start3A_183 = arith.constant 0 : i32
    %dma_start3A_184 = tpu.memref_slice %arg8[%mul3A_160, %dma_start3A_183] : memref<320000x64xi32, #tpu.memory_space<hbm>> -> memref<128x64xi32, #tpu.memory_space<hbm>>
    %dma_start3A_185 = tpu.memref_slice %arg23[%select_n3A_176] : memref<3x!tpu.dma_semaphore, #tpu.memory_space<semaphore_mem>> -> memref<1x!tpu.dma_semaphore, #tpu.memory_space<semaphore_mem>>
    %dma_start3A_186 = tpu.memref_squeeze %dma_start3A_185 : memref<1x!tpu.dma_semaphore, #tpu.memory_space<semaphore_mem>> -> memref<!tpu.dma_semaphore, #tpu.memory_space<semaphore_mem>>
    %dma_start3A_187 = arith.constant 0 : i32
    %dma_start3A_188 = tpu.memref_slice %arg8[%mul3A_160, %dma_start3A_187] : memref<320000x64xi32, #tpu.memory_space<hbm>> -> memref<128x64xi32, #tpu.memory_space<hbm>>
    %dma_start3A_189 = arith.constant 0 : i32
    %dma_start3A_190 = tpu.memref_slice %arg14[%mul3A_178, %dma_start3A_189] : memref<384x64xi32, #tpu.memory_space<vmem>> -> memref<128x64xi32, #tpu.memory_space<vmem>>
    tpu.enqueue_dma source(%dma_start3A_190 : memref<128x64xi32, #tpu.memory_space<vmem>>) target(%dma_start3A_188 : memref<128x64xi32, #tpu.memory_space<hbm>>) target_semaphore(%dma_start3A_186 : memref<!tpu.dma_semaphore, #tpu.memory_space<semaphore_mem>>)
    %dma_start3A_191 = arith.constant 0 : i32
    %dma_start3A_192 = tpu.memref_slice %arg15[%mul3A_180, %dma_start3A_191] : memref<384x64xi32, #tpu.memory_space<vmem>> -> memref<128x64xi32, #tpu.memory_space<vmem>>
    %dma_start3A_193 = arith.constant 0 : i32
    %dma_start3A_194 = tpu.memref_slice %arg9[%mul3A_160, %dma_start3A_193] : memref<320000x64xi32, #tpu.memory_space<hbm>> -> memref<128x64xi32, #tpu.memory_space<hbm>>
    %dma_start3A_195 = tpu.memref_slice %arg24[%select_n3A_176] : memref<3x!tpu.dma_semaphore, #tpu.memory_space<semaphore_mem>> -> memref<1x!tpu.dma_semaphore, #tpu.memory_space<semaphore_mem>>
    %dma_start3A_196 = tpu.memref_squeeze %dma_start3A_195 : memref<1x!tpu.dma_semaphore, #tpu.memory_space<semaphore_mem>> -> memref<!tpu.dma_semaphore, #tpu.memory_space<semaphore_mem>>
    %dma_start3A_197 = arith.constant 0 : i32
    %dma_start3A_198 = tpu.memref_slice %arg9[%mul3A_160, %dma_start3A_197] : memref<320000x64xi32, #tpu.memory_space<hbm>> -> memref<128x64xi32, #tpu.memory_space<hbm>>
    %dma_start3A_199 = arith.constant 0 : i32
    %dma_start3A_200 = tpu.memref_slice %arg15[%mul3A_180, %dma_start3A_199] : memref<384x64xi32, #tpu.memory_space<vmem>> -> memref<128x64xi32, #tpu.memory_space<vmem>>
    tpu.enqueue_dma source(%dma_start3A_200 : memref<128x64xi32, #tpu.memory_space<vmem>>) target(%dma_start3A_198 : memref<128x64xi32, #tpu.memory_space<hbm>>) target_semaphore(%dma_start3A_196 : memref<!tpu.dma_semaphore, #tpu.memory_space<semaphore_mem>>)
    %sub3A_201 = arith.constant 3 : i32
    %sub3A_202 = arith.subi %add3A_8, %sub3A_201 : i32
    %max3A_203 = arith.constant 0 : i32
    %max3A_204 = arith.maxsi %sub3A_202, %max3A_203 : i32
    %sub3A_205 = arith.subi %add3A_8, %max3A_204 : i32
    %sub3A_206 = arith.constant 1 : i32
    %sub3A_207 = arith.constant 1 : i32
    %sub3A_208 = arith.subi %sub3A_206, %sub3A_207 : i32
    %add3A_209 = arith.addi %sub3A_205, %sub3A_208 : i32
    %div3A_210 = arith.constant 1 : i32
    %div3A_211 = arith.divsi %add3A_209, %div3A_210 : i32
    %while3A_212 = arith.constant 1 : i32
    %while3A_213 = arith.constant 0 : i32
    %while3A_214 = arith.subi %div3A_211, %while3A_213 : i32
    %while3A_215 = arith.addi %while3A_213, %while3A_214 : i32
    %while3A_216 = arith.constant 1 : i32
    %while3A_217 = arith.divsi %while3A_214, %while3A_216 : i32
    %while3A_218 = arith.muli %while3A_217, %while3A_216 : i32
    %while3A_219 = arith.addi %while3A_213, %while3A_218 : i32
    %while3A_220 = arith.constant 1 : i32
    scf.for %while3A_357 = %while3A_213 to %while3A_219 step %while3A_220  : i32 {
      %mul3A_358 = arith.muli %while3A_357, %while3A_212 : i32
      %add3A_359 = arith.addi %max3A_204, %mul3A_358 : i32
      %add3A_360 = arith.addi %add3A_4, %add3A_359 : i32
      %mul3A_361 = arith.constant 128 : i32
      %mul3A_362 = arith.muli %add3A_360, %mul3A_361 : i32
      %jit3A_363 = arith.constant 3 : i32
      %eq3A_364 = arith.constant 0 : i32
      %eq3A_365 = arith.cmpi eq, %jit3A_363, %eq3A_364 : i32
      %jit3A_366 = arith.constant 1 : i32
      %select_n3A_367 = arith.select %eq3A_365, %jit3A_366, %jit3A_363 : i32
      %rem3A_368 = arith.remsi %add3A_359, %select_n3A_367 : i32
      %ne3A_369 = arith.constant 0 : i32
      %ne3A_370 = arith.cmpi ne, %rem3A_368, %ne3A_369 : i32
      %lt3A_371 = arith.constant 0 : i32
      %lt3A_372 = arith.cmpi slt, %rem3A_368, %lt3A_371 : i32
      %lt3A_373 = arith.constant 0 : i32
      %lt3A_374 = arith.cmpi slt, %select_n3A_367, %lt3A_373 : i32
      %ne3A_375 = arith.xori %lt3A_372, %lt3A_374 : i1
      %and3A_376 = arith.andi %ne3A_375, %ne3A_370 : i1
      %add3A_377 = arith.addi %rem3A_368, %select_n3A_367 : i32
      %select_n3A_378 = arith.select %and3A_376, %add3A_377, %rem3A_368 : i32
      %mul3A_379 = arith.constant 128 : i32
      %mul3A_380 = arith.muli %select_n3A_378, %mul3A_379 : i32
      %mul3A_381 = arith.constant 128 : i32
      %mul3A_382 = arith.muli %select_n3A_378, %mul3A_381 : i32
      %dma_wait3A_383 = arith.constant 0 : i32
      %dma_wait3A_384 = tpu.memref_slice %arg14[%mul3A_380, %dma_wait3A_383] : memref<384x64xi32, #tpu.memory_space<vmem>> -> memref<128x64xi32, #tpu.memory_space<vmem>>
      %dma_wait3A_385 = arith.constant 0 : i32
      %dma_wait3A_386 = tpu.memref_slice %arg8[%mul3A_362, %dma_wait3A_385] : memref<320000x64xi32, #tpu.memory_space<hbm>> -> memref<128x64xi32, #tpu.memory_space<hbm>>
      %dma_wait3A_387 = tpu.memref_slice %arg23[%select_n3A_378] : memref<3x!tpu.dma_semaphore, #tpu.memory_space<semaphore_mem>> -> memref<1x!tpu.dma_semaphore, #tpu.memory_space<semaphore_mem>>
      %dma_wait3A_388 = tpu.memref_squeeze %dma_wait3A_387 : memref<1x!tpu.dma_semaphore, #tpu.memory_space<semaphore_mem>> -> memref<!tpu.dma_semaphore, #tpu.memory_space<semaphore_mem>>
      %dma_wait3A_389 = arith.constant 0 : i32
      %dma_wait3A_390 = tpu.memref_slice %arg8[%mul3A_362, %dma_wait3A_389] : memref<320000x64xi32, #tpu.memory_space<hbm>> -> memref<128x64xi32, #tpu.memory_space<hbm>>
      %dma_wait3A_391 = arith.constant 0 : i32
      %dma_wait3A_392 = tpu.memref_slice %arg14[%mul3A_380, %dma_wait3A_391] : memref<384x64xi32, #tpu.memory_space<vmem>> -> memref<128x64xi32, #tpu.memory_space<vmem>>
      tpu.wait_dma2 semaphore(%dma_wait3A_388 : memref<!tpu.dma_semaphore, #tpu.memory_space<semaphore_mem>>) src(%dma_wait3A_392 : memref<128x64xi32, #tpu.memory_space<vmem>>) dst(%dma_wait3A_390 : memref<128x64xi32, #tpu.memory_space<hbm>>)
      %dma_wait3A_393 = arith.constant 0 : i32
      %dma_wait3A_394 = tpu.memref_slice %arg15[%mul3A_382, %dma_wait3A_393] : memref<384x64xi32, #tpu.memory_space<vmem>> -> memref<128x64xi32, #tpu.memory_space<vmem>>
      %dma_wait3A_395 = arith.constant 0 : i32
      %dma_wait3A_396 = tpu.memref_slice %arg9[%mul3A_362, %dma_wait3A_395] : memref<320000x64xi32, #tpu.memory_space<hbm>> -> memref<128x64xi32, #tpu.memory_space<hbm>>
      %dma_wait3A_397 = tpu.memref_slice %arg24[%select_n3A_378] : memref<3x!tpu.dma_semaphore, #tpu.memory_space<semaphore_mem>> -> memref<1x!tpu.dma_semaphore, #tpu.memory_space<semaphore_mem>>
      %dma_wait3A_398 = tpu.memref_squeeze %dma_wait3A_397 : memref<1x!tpu.dma_semaphore, #tpu.memory_space<semaphore_mem>> -> memref<!tpu.dma_semaphore, #tpu.memory_space<semaphore_mem>>
      %dma_wait3A_399 = arith.constant 0 : i32
      %dma_wait3A_400 = tpu.memref_slice %arg9[%mul3A_362, %dma_wait3A_399] : memref<320000x64xi32, #tpu.memory_space<hbm>> -> memref<128x64xi32, #tpu.memory_space<hbm>>
      %dma_wait3A_401 = arith.constant 0 : i32
      %dma_wait3A_402 = tpu.memref_slice %arg15[%mul3A_382, %dma_wait3A_401] : memref<384x64xi32, #tpu.memory_space<vmem>> -> memref<128x64xi32, #tpu.memory_space<vmem>>
      tpu.wait_dma2 semaphore(%dma_wait3A_398 : memref<!tpu.dma_semaphore, #tpu.memory_space<semaphore_mem>>) src(%dma_wait3A_402 : memref<128x64xi32, #tpu.memory_space<vmem>>) dst(%dma_wait3A_400 : memref<128x64xi32, #tpu.memory_space<hbm>>)
    }
    %while3A_221 = arith.constant 1 : i32
    scf.for %while3A_357 = %while3A_219 to %while3A_215 step %while3A_221  : i32 {
      %mul3A_358 = arith.muli %while3A_357, %while3A_212 : i32
      %add3A_359 = arith.addi %max3A_204, %mul3A_358 : i32
      %add3A_360 = arith.addi %add3A_4, %add3A_359 : i32
      %mul3A_361 = arith.constant 128 : i32
      %mul3A_362 = arith.muli %add3A_360, %mul3A_361 : i32
      %jit3A_363 = arith.constant 3 : i32
      %eq3A_364 = arith.constant 0 : i32
      %eq3A_365 = arith.cmpi eq, %jit3A_363, %eq3A_364 : i32
      %jit3A_366 = arith.constant 1 : i32
      %select_n3A_367 = arith.select %eq3A_365, %jit3A_366, %jit3A_363 : i32
      %rem3A_368 = arith.remsi %add3A_359, %select_n3A_367 : i32
      %ne3A_369 = arith.constant 0 : i32
      %ne3A_370 = arith.cmpi ne, %rem3A_368, %ne3A_369 : i32
      %lt3A_371 = arith.constant 0 : i32
      %lt3A_372 = arith.cmpi slt, %rem3A_368, %lt3A_371 : i32
      %lt3A_373 = arith.constant 0 : i32
      %lt3A_374 = arith.cmpi slt, %select_n3A_367, %lt3A_373 : i32
      %ne3A_375 = arith.xori %lt3A_372, %lt3A_374 : i1
      %and3A_376 = arith.andi %ne3A_375, %ne3A_370 : i1
      %add3A_377 = arith.addi %rem3A_368, %select_n3A_367 : i32
      %select_n3A_378 = arith.select %and3A_376, %add3A_377, %rem3A_368 : i32
      %mul3A_379 = arith.constant 128 : i32
      %mul3A_380 = arith.muli %select_n3A_378, %mul3A_379 : i32
      %mul3A_381 = arith.constant 128 : i32
      %mul3A_382 = arith.muli %select_n3A_378, %mul3A_381 : i32
      %dma_wait3A_383 = arith.constant 0 : i32
      %dma_wait3A_384 = tpu.memref_slice %arg14[%mul3A_380, %dma_wait3A_383] : memref<384x64xi32, #tpu.memory_space<vmem>> -> memref<128x64xi32, #tpu.memory_space<vmem>>
      %dma_wait3A_385 = arith.constant 0 : i32
      %dma_wait3A_386 = tpu.memref_slice %arg8[%mul3A_362, %dma_wait3A_385] : memref<320000x64xi32, #tpu.memory_space<hbm>> -> memref<128x64xi32, #tpu.memory_space<hbm>>
      %dma_wait3A_387 = tpu.memref_slice %arg23[%select_n3A_378] : memref<3x!tpu.dma_semaphore, #tpu.memory_space<semaphore_mem>> -> memref<1x!tpu.dma_semaphore, #tpu.memory_space<semaphore_mem>>
      %dma_wait3A_388 = tpu.memref_squeeze %dma_wait3A_387 : memref<1x!tpu.dma_semaphore, #tpu.memory_space<semaphore_mem>> -> memref<!tpu.dma_semaphore, #tpu.memory_space<semaphore_mem>>
      %dma_wait3A_389 = arith.constant 0 : i32
      %dma_wait3A_390 = tpu.memref_slice %arg8[%mul3A_362, %dma_wait3A_389] : memref<320000x64xi32, #tpu.memory_space<hbm>> -> memref<128x64xi32, #tpu.memory_space<hbm>>
      %dma_wait3A_391 = arith.constant 0 : i32
      %dma_wait3A_392 = tpu.memref_slice %arg14[%mul3A_380, %dma_wait3A_391] : memref<384x64xi32, #tpu.memory_space<vmem>> -> memref<128x64xi32, #tpu.memory_space<vmem>>
      tpu.wait_dma2 semaphore(%dma_wait3A_388 : memref<!tpu.dma_semaphore, #tpu.memory_space<semaphore_mem>>) src(%dma_wait3A_392 : memref<128x64xi32, #tpu.memory_space<vmem>>) dst(%dma_wait3A_390 : memref<128x64xi32, #tpu.memory_space<hbm>>)
      %dma_wait3A_393 = arith.constant 0 : i32
      %dma_wait3A_394 = tpu.memref_slice %arg15[%mul3A_382, %dma_wait3A_393] : memref<384x64xi32, #tpu.memory_space<vmem>> -> memref<128x64xi32, #tpu.memory_space<vmem>>
      %dma_wait3A_395 = arith.constant 0 : i32
      %dma_wait3A_396 = tpu.memref_slice %arg9[%mul3A_362, %dma_wait3A_395] : memref<320000x64xi32, #tpu.memory_space<hbm>> -> memref<128x64xi32, #tpu.memory_space<hbm>>
      %dma_wait3A_397 = tpu.memref_slice %arg24[%select_n3A_378] : memref<3x!tpu.dma_semaphore, #tpu.memory_space<semaphore_mem>> -> memref<1x!tpu.dma_semaphore, #tpu.memory_space<semaphore_mem>>
      %dma_wait3A_398 = tpu.memref_squeeze %dma_wait3A_397 : memref<1x!tpu.dma_semaphore, #tpu.memory_space<semaphore_mem>> -> memref<!tpu.dma_semaphore, #tpu.memory_space<semaphore_mem>>
      %dma_wait3A_399 = arith.constant 0 : i32
      %dma_wait3A_400 = tpu.memref_slice %arg9[%mul3A_362, %dma_wait3A_399] : memref<320000x64xi32, #tpu.memory_space<hbm>> -> memref<128x64xi32, #tpu.memory_space<hbm>>
      %dma_wait3A_401 = arith.constant 0 : i32
      %dma_wait3A_402 = tpu.memref_slice %arg15[%mul3A_382, %dma_wait3A_401] : memref<384x64xi32, #tpu.memory_space<vmem>> -> memref<128x64xi32, #tpu.memory_space<vmem>>
      tpu.wait_dma2 semaphore(%dma_wait3A_398 : memref<!tpu.dma_semaphore, #tpu.memory_space<semaphore_mem>>) src(%dma_wait3A_402 : memref<128x64xi32, #tpu.memory_space<vmem>>) dst(%dma_wait3A_400 : memref<128x64xi32, #tpu.memory_space<hbm>>)
    }
    %sub3A_222 = arith.constant 1 : i32
    %sub3A_223 = arith.subi %add3A_20, %sub3A_222 : i32
    %add3A_224 = arith.addi %add3A_13, %sub3A_223 : i32
    %mul3A_225 = arith.constant 128 : i32
    %mul3A_226 = arith.muli %add3A_224, %mul3A_225 : i32
    %jit3A_227 = arith.constant 2 : i32
    %eq3A_228 = arith.constant 0 : i32
    %eq3A_229 = arith.cmpi eq, %jit3A_227, %eq3A_228 : i32
    %jit3A_230 = arith.constant 1 : i32
    %select_n3A_231 = arith.select %eq3A_229, %jit3A_230, %jit3A_227 : i32
    %rem3A_232 = arith.remsi %sub3A_223, %select_n3A_231 : i32
    %ne3A_233 = arith.constant 0 : i32
    %ne3A_234 = arith.cmpi ne, %rem3A_232, %ne3A_233 : i32
    %lt3A_235 = arith.constant 0 : i32
    %lt3A_236 = arith.cmpi slt, %rem3A_232, %lt3A_235 : i32
    %lt3A_237 = arith.constant 0 : i32
    %lt3A_238 = arith.cmpi slt, %select_n3A_231, %lt3A_237 : i32
    %ne3A_239 = arith.xori %lt3A_236, %lt3A_238 : i1
    %and3A_240 = arith.andi %ne3A_239, %ne3A_234 : i1
    %add3A_241 = arith.addi %rem3A_232, %select_n3A_231 : i32
    %select_n3A_242 = arith.select %and3A_240, %add3A_241, %rem3A_232 : i32
    %mul3A_243 = arith.constant 128 : i32
    %mul3A_244 = arith.muli %select_n3A_242, %mul3A_243 : i32
    %dma_wait3A_245 = arith.constant 0 : i32
    %dma_wait3A_246 = tpu.memref_slice %arg16[%mul3A_244, %dma_wait3A_245] : memref<256x64xf32, #tpu.memory_space<vmem>> -> memref<128x64xf32, #tpu.memory_space<vmem>>
    %dma_wait3A_247 = tpu.memref_slice %arg6[%mul3A_226, %mul3A_22] : memref<320000x128xf32, #tpu.memory_space<hbm>> -> memref<128x64xf32, #tpu.memory_space<hbm>>
    %dma_wait3A_248 = tpu.memref_slice %arg25[%select_n3A_242] : memref<2x!tpu.dma_semaphore, #tpu.memory_space<semaphore_mem>> -> memref<1x!tpu.dma_semaphore, #tpu.memory_space<semaphore_mem>>
    %dma_wait3A_249 = tpu.memref_squeeze %dma_wait3A_248 : memref<1x!tpu.dma_semaphore, #tpu.memory_space<semaphore_mem>> -> memref<!tpu.dma_semaphore, #tpu.memory_space<semaphore_mem>>
    %dma_wait3A_250 = arith.constant 0 : i32
    %dma_wait3A_251 = tpu.memref_slice %arg16[%mul3A_244, %dma_wait3A_250] : memref<256x64xf32, #tpu.memory_space<vmem>> -> memref<128x64xf32, #tpu.memory_space<vmem>>
    %dma_wait3A_252 = tpu.memref_slice %arg6[%mul3A_226, %mul3A_22] : memref<320000x128xf32, #tpu.memory_space<hbm>> -> memref<128x64xf32, #tpu.memory_space<hbm>>
    tpu.wait_dma2 semaphore(%dma_wait3A_249 : memref<!tpu.dma_semaphore, #tpu.memory_space<semaphore_mem>>) src(%dma_wait3A_252 : memref<128x64xf32, #tpu.memory_space<hbm>>) dst(%dma_wait3A_251 : memref<128x64xf32, #tpu.memory_space<vmem>>)
    %sub3A_253 = arith.constant 1 : i32
    %sub3A_254 = arith.subi %add3A_20, %sub3A_253 : i32
    %add3A_255 = arith.addi %add3A_13, %sub3A_254 : i32
    %mul3A_256 = arith.constant 128 : i32
    %mul3A_257 = arith.muli %add3A_255, %mul3A_256 : i32
    %jit3A_258 = arith.constant 4 : i32
    %eq3A_259 = arith.constant 0 : i32
    %eq3A_260 = arith.cmpi eq, %jit3A_258, %eq3A_259 : i32
    %jit3A_261 = arith.constant 1 : i32
    %select_n3A_262 = arith.select %eq3A_260, %jit3A_261, %jit3A_258 : i32
    %rem3A_263 = arith.remsi %sub3A_254, %select_n3A_262 : i32
    %ne3A_264 = arith.constant 0 : i32
    %ne3A_265 = arith.cmpi ne, %rem3A_263, %ne3A_264 : i32
    %lt3A_266 = arith.constant 0 : i32
    %lt3A_267 = arith.cmpi slt, %rem3A_263, %lt3A_266 : i32
    %lt3A_268 = arith.constant 0 : i32
    %lt3A_269 = arith.cmpi slt, %select_n3A_262, %lt3A_268 : i32
    %ne3A_270 = arith.xori %lt3A_267, %lt3A_269 : i1
    %and3A_271 = arith.andi %ne3A_270, %ne3A_265 : i1
    %add3A_272 = arith.addi %rem3A_263, %select_n3A_262 : i32
    %select_n3A_273 = arith.select %and3A_271, %add3A_272, %rem3A_263 : i32
    %dma_wait3A_274 = arith.constant 0 : i32
    %dma_wait3A_275 = tpu.memref_slice %arg13[%select_n3A_273, %dma_wait3A_274] : memref<4x128xi32, #tpu.memory_space<vmem>> -> memref<1x128xi32, #tpu.memory_space<vmem>>
    %dma_wait3A_276 = tpu.memref_squeeze %dma_wait3A_275 : memref<1x128xi32, #tpu.memory_space<vmem>> -> memref<128xi32, #tpu.memory_space<vmem>>
    %dma_wait3A_277 = tpu.memref_slice %arg4[%mul3A_257] : memref<320000xi32, #tpu.memory_space<hbm>> -> memref<128xi32, #tpu.memory_space<hbm>>
    %dma_wait3A_278 = tpu.memref_slice %arg20[%select_n3A_273] : memref<4x!tpu.dma_semaphore, #tpu.memory_space<semaphore_mem>> -> memref<1x!tpu.dma_semaphore, #tpu.memory_space<semaphore_mem>>
    %dma_wait3A_279 = tpu.memref_squeeze %dma_wait3A_278 : memref<1x!tpu.dma_semaphore, #tpu.memory_space<semaphore_mem>> -> memref<!tpu.dma_semaphore, #tpu.memory_space<semaphore_mem>>
    %dma_wait3A_280 = arith.constant 0 : i32
    %dma_wait3A_281 = tpu.memref_slice %arg13[%select_n3A_273, %dma_wait3A_280] : memref<4x128xi32, #tpu.memory_space<vmem>> -> memref<1x128xi32, #tpu.memory_space<vmem>>
    %dma_wait3A_282 = tpu.memref_squeeze %dma_wait3A_281 : memref<1x128xi32, #tpu.memory_space<vmem>> -> memref<128xi32, #tpu.memory_space<vmem>>
    %dma_wait3A_283 = tpu.memref_slice %arg4[%mul3A_257] : memref<320000xi32, #tpu.memory_space<hbm>> -> memref<128xi32, #tpu.memory_space<hbm>>
    tpu.wait_dma2 semaphore(%dma_wait3A_279 : memref<!tpu.dma_semaphore, #tpu.memory_space<semaphore_mem>>) src(%dma_wait3A_283 : memref<128xi32, #tpu.memory_space<hbm>>) dst(%dma_wait3A_282 : memref<128xi32, #tpu.memory_space<vmem>>)
    %sub3A_284 = arith.constant 1 : i32
    %sub3A_285 = arith.subi %add3A_20, %sub3A_284 : i32
    %jit3A_286 = arith.constant 2 : i32
    %eq3A_287 = arith.constant 0 : i32
    %eq3A_288 = arith.cmpi eq, %jit3A_286, %eq3A_287 : i32
    %jit3A_289 = arith.constant 1 : i32
    %select_n3A_290 = arith.select %eq3A_288, %jit3A_289, %jit3A_286 : i32
    %rem3A_291 = arith.remsi %sub3A_285, %select_n3A_290 : i32
    %ne3A_292 = arith.constant 0 : i32
    %ne3A_293 = arith.cmpi ne, %rem3A_291, %ne3A_292 : i32
    %lt3A_294 = arith.constant 0 : i32
    %lt3A_295 = arith.cmpi slt, %rem3A_291, %lt3A_294 : i32
    %lt3A_296 = arith.constant 0 : i32
    %lt3A_297 = arith.cmpi slt, %select_n3A_290, %lt3A_296 : i32
    %ne3A_298 = arith.xori %lt3A_295, %lt3A_297 : i1
    %and3A_299 = arith.andi %ne3A_298, %ne3A_293 : i1
    %add3A_300 = arith.addi %rem3A_291, %select_n3A_290 : i32
    %select_n3A_301 = arith.select %and3A_299, %add3A_300, %rem3A_291 : i32
    %mul3A_302 = arith.constant 128 : i32
    %mul3A_303 = arith.muli %select_n3A_301, %mul3A_302 : i32
    %jit3A_304 = arith.constant 4 : i32
    %eq3A_305 = arith.constant 0 : i32
    %eq3A_306 = arith.cmpi eq, %jit3A_304, %eq3A_305 : i32
    %jit3A_307 = arith.constant 1 : i32
    %select_n3A_308 = arith.select %eq3A_306, %jit3A_307, %jit3A_304 : i32
    %rem3A_309 = arith.remsi %sub3A_285, %select_n3A_308 : i32
    %ne3A_310 = arith.constant 0 : i32
    %ne3A_311 = arith.cmpi ne, %rem3A_309, %ne3A_310 : i32
    %lt3A_312 = arith.constant 0 : i32
    %lt3A_313 = arith.cmpi slt, %rem3A_309, %lt3A_312 : i32
    %lt3A_314 = arith.constant 0 : i32
    %lt3A_315 = arith.cmpi slt, %select_n3A_308, %lt3A_314 : i32
    %ne3A_316 = arith.xori %lt3A_313, %lt3A_315 : i1
    %and3A_317 = arith.andi %ne3A_316, %ne3A_311 : i1
    %add3A_318 = arith.addi %rem3A_309, %select_n3A_308 : i32
    %select_n3A_319 = arith.select %and3A_317, %add3A_318, %rem3A_309 : i32
    %dma_start3A_320 = arith.constant 0 : i32
    %dma_start3A_321 = tpu.memref_slice %arg16[%mul3A_303, %dma_start3A_320] : memref<256x64xf32, #tpu.memory_space<vmem>> -> memref<128x64xf32, #tpu.memory_space<vmem>>
    %dma_start3A_322 = arith.constant 0 : i32
    %dma_start3A_323 = tpu.memref_slice %arg13[%select_n3A_319, %dma_start3A_322] : memref<4x128xi32, #tpu.memory_space<vmem>> -> memref<1x128xi32, #tpu.memory_space<vmem>>
    %dma_start3A_324 = tpu.memref_squeeze %dma_start3A_323 : memref<1x128xi32, #tpu.memory_space<vmem>> -> memref<128xi32, #tpu.memory_space<vmem>>
    %dma_start3A_325 = arith.constant 0 : i32
    %dma_start3A_326 = arith.constant 0 : i32
    %dma_start3A_327 = tpu.memref_slice %arg17[%dma_start3A_325, %dma_start3A_326] : memref<10000x64xf32, #tpu.memory_space<vmem_shared>> -> memref<10000x64xf32, #tpu.memory_space<vmem_shared>>
    %dma_start3A_328 = tpu.memref_slice %arg26[%select_n3A_301] : memref<2x!tpu.dma_semaphore, #tpu.memory_space<semaphore_mem>> -> memref<1x!tpu.dma_semaphore, #tpu.memory_space<semaphore_mem>>
    %dma_start3A_329 = tpu.memref_squeeze %dma_start3A_328 : memref<1x!tpu.dma_semaphore, #tpu.memory_space<semaphore_mem>> -> memref<!tpu.dma_semaphore, #tpu.memory_space<semaphore_mem>>
    tpu.enqueue_indirect_dma source(%dma_start3A_321 : memref<128x64xf32, #tpu.memory_space<vmem>>) target(%dma_start3A_327 : memref<10000x64xf32, #tpu.memory_space<vmem_shared>>) offsets(%dma_start3A_324 : memref<128xi32, #tpu.memory_space<vmem>>) semaphore(%dma_start3A_329 : memref<!tpu.dma_semaphore, #tpu.memory_space<semaphore_mem>>) {add = true}
    %sub3A_330 = arith.constant 2 : i32
    %sub3A_331 = arith.subi %add3A_20, %sub3A_330 : i32
    %max3A_332 = arith.constant 0 : i32
    %max3A_333 = arith.maxsi %sub3A_331, %max3A_332 : i32
    %sub3A_334 = arith.subi %add3A_20, %max3A_333 : i32
    %sub3A_335 = arith.constant 1 : i32
    %sub3A_336 = arith.constant 1 : i32
    %sub3A_337 = arith.subi %sub3A_335, %sub3A_336 : i32
    %add3A_338 = arith.addi %sub3A_334, %sub3A_337 : i32
    %div3A_339 = arith.constant 1 : i32
    %div3A_340 = arith.divsi %add3A_338, %div3A_339 : i32
    %while3A_341 = arith.constant 1 : i32
    %while3A_342 = arith.constant 0 : i32
    %while3A_343 = arith.subi %div3A_340, %while3A_342 : i32
    %while3A_344 = arith.addi %while3A_342, %while3A_343 : i32
    %while3A_345 = arith.constant 1 : i32
    %while3A_346 = arith.divsi %while3A_343, %while3A_345 : i32
    %while3A_347 = arith.muli %while3A_346, %while3A_345 : i32
    %while3A_348 = arith.addi %while3A_342, %while3A_347 : i32
    %while3A_349 = arith.constant 1 : i32
    scf.for %while3A_357 = %while3A_342 to %while3A_348 step %while3A_349  : i32 {
      %mul3A_358 = arith.muli %while3A_357, %while3A_341 : i32
      %add3A_359 = arith.addi %max3A_333, %mul3A_358 : i32
      %jit3A_360 = arith.constant 2 : i32
      %eq3A_361 = arith.constant 0 : i32
      %eq3A_362 = arith.cmpi eq, %jit3A_360, %eq3A_361 : i32
      %jit3A_363 = arith.constant 1 : i32
      %select_n3A_364 = arith.select %eq3A_362, %jit3A_363, %jit3A_360 : i32
      %rem3A_365 = arith.remsi %add3A_359, %select_n3A_364 : i32
      %ne3A_366 = arith.constant 0 : i32
      %ne3A_367 = arith.cmpi ne, %rem3A_365, %ne3A_366 : i32
      %lt3A_368 = arith.constant 0 : i32
      %lt3A_369 = arith.cmpi slt, %rem3A_365, %lt3A_368 : i32
      %lt3A_370 = arith.constant 0 : i32
      %lt3A_371 = arith.cmpi slt, %select_n3A_364, %lt3A_370 : i32
      %ne3A_372 = arith.xori %lt3A_369, %lt3A_371 : i1
      %and3A_373 = arith.andi %ne3A_372, %ne3A_367 : i1
      %add3A_374 = arith.addi %rem3A_365, %select_n3A_364 : i32
      %select_n3A_375 = arith.select %and3A_373, %add3A_374, %rem3A_365 : i32
      %mul3A_376 = arith.constant 128 : i32
      %mul3A_377 = arith.muli %select_n3A_375, %mul3A_376 : i32
      %jit3A_378 = arith.constant 4 : i32
      %eq3A_379 = arith.constant 0 : i32
      %eq3A_380 = arith.cmpi eq, %jit3A_378, %eq3A_379 : i32
      %jit3A_381 = arith.constant 1 : i32
      %select_n3A_382 = arith.select %eq3A_380, %jit3A_381, %jit3A_378 : i32
      %rem3A_383 = arith.remsi %add3A_359, %select_n3A_382 : i32
      %ne3A_384 = arith.constant 0 : i32
      %ne3A_385 = arith.cmpi ne, %rem3A_383, %ne3A_384 : i32
      %lt3A_386 = arith.constant 0 : i32
      %lt3A_387 = arith.cmpi slt, %rem3A_383, %lt3A_386 : i32
      %lt3A_388 = arith.constant 0 : i32
      %lt3A_389 = arith.cmpi slt, %select_n3A_382, %lt3A_388 : i32
      %ne3A_390 = arith.xori %lt3A_387, %lt3A_389 : i1
      %and3A_391 = arith.andi %ne3A_390, %ne3A_385 : i1
      %add3A_392 = arith.addi %rem3A_383, %select_n3A_382 : i32
      %select_n3A_393 = arith.select %and3A_391, %add3A_392, %rem3A_383 : i32
      %dma_wait3A_394 = arith.constant 0 : i32
      %dma_wait3A_395 = tpu.memref_slice %arg16[%mul3A_377, %dma_wait3A_394] : memref<256x64xf32, #tpu.memory_space<vmem>> -> memref<128x64xf32, #tpu.memory_space<vmem>>
      %dma_wait3A_396 = arith.constant 0 : i32
      %dma_wait3A_397 = tpu.memref_slice %arg13[%select_n3A_393, %dma_wait3A_396] : memref<4x128xi32, #tpu.memory_space<vmem>> -> memref<1x128xi32, #tpu.memory_space<vmem>>
      %dma_wait3A_398 = tpu.memref_squeeze %dma_wait3A_397 : memref<1x128xi32, #tpu.memory_space<vmem>> -> memref<128xi32, #tpu.memory_space<vmem>>
      %dma_wait3A_399 = arith.constant 0 : i32
      %dma_wait3A_400 = arith.constant 0 : i32
      %dma_wait3A_401 = tpu.memref_slice %arg17[%dma_wait3A_399, %dma_wait3A_400] : memref<10000x64xf32, #tpu.memory_space<vmem_shared>> -> memref<10000x64xf32, #tpu.memory_space<vmem_shared>>
      %dma_wait3A_402 = tpu.memref_slice %arg26[%select_n3A_375] : memref<2x!tpu.dma_semaphore, #tpu.memory_space<semaphore_mem>> -> memref<1x!tpu.dma_semaphore, #tpu.memory_space<semaphore_mem>>
      %dma_wait3A_403 = tpu.memref_squeeze %dma_wait3A_402 : memref<1x!tpu.dma_semaphore, #tpu.memory_space<semaphore_mem>> -> memref<!tpu.dma_semaphore, #tpu.memory_space<semaphore_mem>>
      tpu.wait_indirect_dma semaphore(%dma_wait3A_403 : memref<!tpu.dma_semaphore, #tpu.memory_space<semaphore_mem>>) src(%dma_wait3A_395 : memref<128x64xf32, #tpu.memory_space<vmem>>) dst(%dma_wait3A_401 : memref<10000x64xf32, #tpu.memory_space<vmem_shared>>)
    }
    %while3A_350 = arith.constant 1 : i32
    scf.for %while3A_357 = %while3A_348 to %while3A_344 step %while3A_350  : i32 {
      %mul3A_358 = arith.muli %while3A_357, %while3A_341 : i32
      %add3A_359 = arith.addi %max3A_333, %mul3A_358 : i32
      %jit3A_360 = arith.constant 2 : i32
      %eq3A_361 = arith.constant 0 : i32
      %eq3A_362 = arith.cmpi eq, %jit3A_360, %eq3A_361 : i32
      %jit3A_363 = arith.constant 1 : i32
      %select_n3A_364 = arith.select %eq3A_362, %jit3A_363, %jit3A_360 : i32
      %rem3A_365 = arith.remsi %add3A_359, %select_n3A_364 : i32
      %ne3A_366 = arith.constant 0 : i32
      %ne3A_367 = arith.cmpi ne, %rem3A_365, %ne3A_366 : i32
      %lt3A_368 = arith.constant 0 : i32
      %lt3A_369 = arith.cmpi slt, %rem3A_365, %lt3A_368 : i32
      %lt3A_370 = arith.constant 0 : i32
      %lt3A_371 = arith.cmpi slt, %select_n3A_364, %lt3A_370 : i32
      %ne3A_372 = arith.xori %lt3A_369, %lt3A_371 : i1
      %and3A_373 = arith.andi %ne3A_372, %ne3A_367 : i1
      %add3A_374 = arith.addi %rem3A_365, %select_n3A_364 : i32
      %select_n3A_375 = arith.select %and3A_373, %add3A_374, %rem3A_365 : i32
      %mul3A_376 = arith.constant 128 : i32
      %mul3A_377 = arith.muli %select_n3A_375, %mul3A_376 : i32
      %jit3A_378 = arith.constant 4 : i32
      %eq3A_379 = arith.constant 0 : i32
      %eq3A_380 = arith.cmpi eq, %jit3A_378, %eq3A_379 : i32
      %jit3A_381 = arith.constant 1 : i32
      %select_n3A_382 = arith.select %eq3A_380, %jit3A_381, %jit3A_378 : i32
      %rem3A_383 = arith.remsi %add3A_359, %select_n3A_382 : i32
      %ne3A_384 = arith.constant 0 : i32
      %ne3A_385 = arith.cmpi ne, %rem3A_383, %ne3A_384 : i32
      %lt3A_386 = arith.constant 0 : i32
      %lt3A_387 = arith.cmpi slt, %rem3A_383, %lt3A_386 : i32
      %lt3A_388 = arith.constant 0 : i32
      %lt3A_389 = arith.cmpi slt, %select_n3A_382, %lt3A_388 : i32
      %ne3A_390 = arith.xori %lt3A_387, %lt3A_389 : i1
      %and3A_391 = arith.andi %ne3A_390, %ne3A_385 : i1
      %add3A_392 = arith.addi %rem3A_383, %select_n3A_382 : i32
      %select_n3A_393 = arith.select %and3A_391, %add3A_392, %rem3A_383 : i32
      %dma_wait3A_394 = arith.constant 0 : i32
      %dma_wait3A_395 = tpu.memref_slice %arg16[%mul3A_377, %dma_wait3A_394] : memref<256x64xf32, #tpu.memory_space<vmem>> -> memref<128x64xf32, #tpu.memory_space<vmem>>
      %dma_wait3A_396 = arith.constant 0 : i32
      %dma_wait3A_397 = tpu.memref_slice %arg13[%select_n3A_393, %dma_wait3A_396] : memref<4x128xi32, #tpu.memory_space<vmem>> -> memref<1x128xi32, #tpu.memory_space<vmem>>
      %dma_wait3A_398 = tpu.memref_squeeze %dma_wait3A_397 : memref<1x128xi32, #tpu.memory_space<vmem>> -> memref<128xi32, #tpu.memory_space<vmem>>
      %dma_wait3A_399 = arith.constant 0 : i32
      %dma_wait3A_400 = arith.constant 0 : i32
      %dma_wait3A_401 = tpu.memref_slice %arg17[%dma_wait3A_399, %dma_wait3A_400] : memref<10000x64xf32, #tpu.memory_space<vmem_shared>> -> memref<10000x64xf32, #tpu.memory_space<vmem_shared>>
      %dma_wait3A_402 = tpu.memref_slice %arg26[%select_n3A_375] : memref<2x!tpu.dma_semaphore, #tpu.memory_space<semaphore_mem>> -> memref<1x!tpu.dma_semaphore, #tpu.memory_space<semaphore_mem>>
      %dma_wait3A_403 = tpu.memref_squeeze %dma_wait3A_402 : memref<1x!tpu.dma_semaphore, #tpu.memory_space<semaphore_mem>> -> memref<!tpu.dma_semaphore, #tpu.memory_space<semaphore_mem>>
      tpu.wait_indirect_dma semaphore(%dma_wait3A_403 : memref<!tpu.dma_semaphore, #tpu.memory_space<semaphore_mem>>) src(%dma_wait3A_395 : memref<128x64xf32, #tpu.memory_space<vmem>>) dst(%dma_wait3A_401 : memref<10000x64xf32, #tpu.memory_space<vmem_shared>>)
    }
    %barrier3A_351 = arith.constant 0 : index
    tpu.barrier barrier_id(%barrier3A_351)
    "tpu.region"() ({
      %run_scoped3A = tpu.sem_alloc : memref<!tpu.dma_semaphore, #tpu.memory_space<semaphore_mem>>
      %dma_start3A_357 = arith.constant 0 : i32
      %dma_start3A_358 = tpu.memref_slice %arg10[%arg0, %mul3A_24, %dma_start3A_357] : memref<2x10000x64xf32, #tpu.memory_space<hbm>> -> memref<1x624x64xf32, #tpu.memory_space<hbm>>
      %dma_start3A_359 = tpu.memref_squeeze %dma_start3A_358 : memref<1x624x64xf32, #tpu.memory_space<hbm>> -> memref<624x64xf32, #tpu.memory_space<hbm>>
      %dma_start3A_360 = arith.constant 0 : i32
      %dma_start3A_361 = tpu.memref_slice %arg17[%mul3A_24, %dma_start3A_360] : memref<10000x64xf32, #tpu.memory_space<vmem_shared>> -> memref<624x64xf32, #tpu.memory_space<vmem_shared>>
      tpu.enqueue_dma source(%dma_start3A_361 : memref<624x64xf32, #tpu.memory_space<vmem_shared>>) target(%dma_start3A_359 : memref<624x64xf32, #tpu.memory_space<hbm>>) target_semaphore(%run_scoped3A : memref<!tpu.dma_semaphore, #tpu.memory_space<semaphore_mem>>)
      %dma_wait3A_362 = arith.constant 0 : i32
      %dma_wait3A_363 = tpu.memref_slice %arg10[%arg0, %mul3A_24, %dma_wait3A_362] : memref<2x10000x64xf32, #tpu.memory_space<hbm>> -> memref<1x624x64xf32, #tpu.memory_space<hbm>>
      %dma_wait3A_364 = tpu.memref_squeeze %dma_wait3A_363 : memref<1x624x64xf32, #tpu.memory_space<hbm>> -> memref<624x64xf32, #tpu.memory_space<hbm>>
      %dma_wait3A_365 = arith.constant 0 : i32
      %dma_wait3A_366 = tpu.memref_slice %arg17[%mul3A_24, %dma_wait3A_365] : memref<10000x64xf32, #tpu.memory_space<vmem_shared>> -> memref<624x64xf32, #tpu.memory_space<vmem_shared>>
      tpu.wait_dma2 semaphore(%run_scoped3A : memref<!tpu.dma_semaphore, #tpu.memory_space<semaphore_mem>>) src(%dma_wait3A_366 : memref<624x64xf32, #tpu.memory_space<vmem_shared>>) dst(%dma_wait3A_364 : memref<624x64xf32, #tpu.memory_space<hbm>>)
      tpu.yield
    }) : () -> ()
    %eq3A_352 = arith.constant 0 : i32
    %eq3A_353 = arith.cmpi eq, %arg1, %eq3A_352 : i32
    %convert_element_type3A_354 = arith.extui %eq3A_353 : i1 to i32
    %cond3A_355 = arith.constant 0 : i32
    %cond3A_356 = arith.cmpi ne, %convert_element_type3A_354, %cond3A_355 : i32
    scf.if %cond3A_356 {
      "tpu.region"() ({
        %run_scoped3A = tpu.sem_alloc : memref<!tpu.dma_semaphore, #tpu.memory_space<semaphore_mem>>
        %dma_start3A_357 = arith.constant 9984 : i32
        %dma_start3A_358 = arith.constant 0 : i32
        %dma_start3A_359 = tpu.memref_slice %arg10[%arg0, %dma_start3A_357, %dma_start3A_358] : memref<2x10000x64xf32, #tpu.memory_space<hbm>> -> memref<1x16x64xf32, #tpu.memory_space<hbm>>
        %dma_start3A_360 = tpu.memref_squeeze %dma_start3A_359 : memref<1x16x64xf32, #tpu.memory_space<hbm>> -> memref<16x64xf32, #tpu.memory_space<hbm>>
        %dma_start3A_361 = arith.constant 9984 : i32
        %dma_start3A_362 = arith.constant 0 : i32
        %dma_start3A_363 = tpu.memref_slice %arg17[%dma_start3A_361, %dma_start3A_362] : memref<10000x64xf32, #tpu.memory_space<vmem_shared>> -> memref<16x64xf32, #tpu.memory_space<vmem_shared>>
        tpu.enqueue_dma source(%dma_start3A_363 : memref<16x64xf32, #tpu.memory_space<vmem_shared>>) target(%dma_start3A_360 : memref<16x64xf32, #tpu.memory_space<hbm>>) target_semaphore(%run_scoped3A : memref<!tpu.dma_semaphore, #tpu.memory_space<semaphore_mem>>)
        %dma_wait3A_364 = arith.constant 9984 : i32
        %dma_wait3A_365 = arith.constant 0 : i32
        %dma_wait3A_366 = tpu.memref_slice %arg10[%arg0, %dma_wait3A_364, %dma_wait3A_365] : memref<2x10000x64xf32, #tpu.memory_space<hbm>> -> memref<1x16x64xf32, #tpu.memory_space<hbm>>
        %dma_wait3A_367 = tpu.memref_squeeze %dma_wait3A_366 : memref<1x16x64xf32, #tpu.memory_space<hbm>> -> memref<16x64xf32, #tpu.memory_space<hbm>>
        %dma_wait3A_368 = arith.constant 9984 : i32
        %dma_wait3A_369 = arith.constant 0 : i32
        %dma_wait3A_370 = tpu.memref_slice %arg17[%dma_wait3A_368, %dma_wait3A_369] : memref<10000x64xf32, #tpu.memory_space<vmem_shared>> -> memref<16x64xf32, #tpu.memory_space<vmem_shared>>
        tpu.wait_dma2 semaphore(%run_scoped3A : memref<!tpu.dma_semaphore, #tpu.memory_space<semaphore_mem>>) src(%dma_wait3A_370 : memref<16x64xf32, #tpu.memory_space<vmem_shared>>) dst(%dma_wait3A_367 : memref<16x64xf32, #tpu.memory_space<hbm>>)
        tpu.yield
      }) : () -> ()
    } else {
    }
    return
  }
}

module attributes {stable_mosaic.version = 14 : i64} {
  func.func @_proj_body(%arg0: i32, %arg1: memref<1000x128xf32, #tpu.memory_space<vmem>>, %arg2: memref<128x128xf32, #tpu.memory_space<vmem>>, %arg3: memref<128x128xf32, #tpu.memory_space<vmem>>, %arg4: memref<1x128xf32, #tpu.memory_space<vmem>>, %arg5: memref<1000x64xi32, #tpu.memory_space<vmem>>, %arg6: memref<1000x64xi32, #tpu.memory_space<vmem>>) attributes {dimension_semantics = [#tpu.dimension_semantics<arbitrary>], iteration_bounds = array<i64: 10>, scalar_prefetch = 0 : i64, scratch_operands = 0 : i64, tpu.core_type = #tpu.core_type<tc>, window_params = [{transform_indices = @transform_0, window_bounds = array<i64: 1000, 128>}, {pipeline_mode = #tpu.pipeline_mode<synchronous>, transform_indices = @transform_1, window_bounds = array<i64: 128, 128>}, {pipeline_mode = #tpu.pipeline_mode<synchronous>, transform_indices = @transform_2, window_bounds = array<i64: 128, 128>}, {pipeline_mode = #tpu.pipeline_mode<synchronous>, transform_indices = @transform_3, window_bounds = array<i64: 1, 128>}, {transform_indices = @transform_4, window_bounds = array<i64: 1000, 64>}, {transform_indices = @transform_5, window_bounds = array<i64: 1000, 64>}]} {
    %get3A = arith.constant 0 : index
    %get3A_0 = arith.constant 0 : index
    %get3A_1 = vector.load %arg1[%get3A, %get3A_0] : memref<1000x128xf32, #tpu.memory_space<vmem>>, vector<1000x128xf32>
    %get3A_2 = arith.constant 0 : index
    %get3A_3 = arith.constant 0 : index
    %get3A_4 = vector.load %arg2[%get3A_2, %get3A_3] : memref<128x128xf32, #tpu.memory_space<vmem>>, vector<128x128xf32>
    %dot_general3A = arith.constant dense<0.000000e+00> : vector<1000x128xf32>
    %dot_general3A_5 = tpu.matmul %get3A_1, %get3A_4, %dot_general3A {dimension_numbers = #tpu.dot_dimension_numbers<[1], [0], [0], [1], [0, 0, 1, 1], [], []>, transpose_lhs_hint = false} : vector<1000x128xf32>, vector<128x128xf32>, vector<1000x128xf32> -> vector<1000x128xf32>
    %get3A_6 = arith.constant 0 : index
    %get3A_7 = arith.constant 0 : index
    %get3A_8 = vector.load %arg4[%get3A_6, %get3A_7] : memref<1x128xf32, #tpu.memory_space<vmem>>, vector<1x128xf32>
    %add3A = vector.broadcast %get3A_8 : vector<1x128xf32> to vector<1000x128xf32>
    %add3A_9 = arith.addf %dot_general3A_5, %add3A : vector<1000x128xf32>
    %get3A_10 = arith.constant 0 : index
    %get3A_11 = arith.constant 0 : index
    %get3A_12 = vector.load %arg3[%get3A_10, %get3A_11] : memref<128x128xf32, #tpu.memory_space<vmem>>, vector<128x128xf32>
    %dot_general3A_13 = arith.constant dense<0.000000e+00> : vector<1000x128xf32>
    %dot_general3A_14 = tpu.matmul %get3A_1, %get3A_12, %dot_general3A_13 {dimension_numbers = #tpu.dot_dimension_numbers<[1], [0], [0], [1], [0, 0, 1, 1], [], []>, transpose_lhs_hint = false} : vector<1000x128xf32>, vector<128x128xf32>, vector<1000x128xf32> -> vector<1000x128xf32>
    %slice3A = vector.extract_strided_slice %add3A_9 {offsets = [0, 0], sizes = [1000, 64], strides = [1, 1]} : vector<1000x128xf32> to vector<1000x64xf32>
    %slice3A_15 = vector.extract_strided_slice %add3A_9 {offsets = [0, 64], sizes = [1000, 64], strides = [1, 1]} : vector<1000x128xf32> to vector<1000x64xf32>
    %bitcast_convert_type3A = tpu.bitcast %slice3A : vector<1000x64xf32> -> vector<1000x64xi32>
    %add3A_16 = arith.constant 32767 : i32
    %add3A_17 = vector.broadcast %add3A_16 : i32 to vector<1000x64xi32>
    %add3A_18 = arith.addi %bitcast_convert_type3A, %add3A_17 : vector<1000x64xi32>
    %shift_right_logical3A = arith.constant 16 : i32
    %shift_right_logical3A_19 = vector.broadcast %shift_right_logical3A : i32 to vector<1000x64xi32>
    %shift_right_logical3A_20 = arith.shrui %bitcast_convert_type3A, %shift_right_logical3A_19 : vector<1000x64xi32>
    %and3A = arith.constant 1 : i32
    %and3A_21 = vector.broadcast %and3A : i32 to vector<1000x64xi32>
    %and3A_22 = arith.andi %shift_right_logical3A_20, %and3A_21 : vector<1000x64xi32>
    %add3A_23 = arith.addi %add3A_18, %and3A_22 : vector<1000x64xi32>
    %shift_right_logical3A_24 = arith.constant 16 : i32
    %shift_right_logical3A_25 = vector.broadcast %shift_right_logical3A_24 : i32 to vector<1000x64xi32>
    %shift_right_logical3A_26 = arith.shrui %add3A_23, %shift_right_logical3A_25 : vector<1000x64xi32>
    %bitcast_convert_type3A_27 = tpu.bitcast %slice3A_15 : vector<1000x64xf32> -> vector<1000x64xi32>
    %add3A_28 = arith.constant 32767 : i32
    %add3A_29 = vector.broadcast %add3A_28 : i32 to vector<1000x64xi32>
    %add3A_30 = arith.addi %bitcast_convert_type3A_27, %add3A_29 : vector<1000x64xi32>
    %shift_right_logical3A_31 = arith.constant 16 : i32
    %shift_right_logical3A_32 = vector.broadcast %shift_right_logical3A_31 : i32 to vector<1000x64xi32>
    %shift_right_logical3A_33 = arith.shrui %bitcast_convert_type3A_27, %shift_right_logical3A_32 : vector<1000x64xi32>
    %and3A_34 = arith.constant 1 : i32
    %and3A_35 = vector.broadcast %and3A_34 : i32 to vector<1000x64xi32>
    %and3A_36 = arith.andi %shift_right_logical3A_33, %and3A_35 : vector<1000x64xi32>
    %add3A_37 = arith.addi %add3A_30, %and3A_36 : vector<1000x64xi32>
    %shift_right_logical3A_38 = arith.constant 16 : i32
    %shift_right_logical3A_39 = vector.broadcast %shift_right_logical3A_38 : i32 to vector<1000x64xi32>
    %shift_right_logical3A_40 = arith.shrui %add3A_37, %shift_right_logical3A_39 : vector<1000x64xi32>
    %shift_left3A = arith.constant 16 : i32
    %shift_left3A_41 = vector.broadcast %shift_left3A : i32 to vector<1000x64xi32>
    %shift_left3A_42 = arith.shli %shift_right_logical3A_40, %shift_left3A_41 : vector<1000x64xi32>
    %or3A = arith.ori %shift_right_logical3A_26, %shift_left3A_42 : vector<1000x64xi32>
    %swap3A = arith.constant 0 : index
    %swap3A_43 = arith.constant 0 : index
    %swap3A_44 = vector.load %arg5[%swap3A, %swap3A_43] : memref<1000x64xi32, #tpu.memory_space<vmem>>, vector<1000x64xi32>
    tpu.vector_store %arg5[%swap3A, %swap3A_43], %or3A {strides = array<i32>} : memref<1000x64xi32, #tpu.memory_space<vmem>>, vector<1000x64xi32>,
    %slice3A_45 = vector.extract_strided_slice %dot_general3A_14 {offsets = [0, 0], sizes = [1000, 64], strides = [1, 1]} : vector<1000x128xf32> to vector<1000x64xf32>
    %slice3A_46 = vector.extract_strided_slice %dot_general3A_14 {offsets = [0, 64], sizes = [1000, 64], strides = [1, 1]} : vector<1000x128xf32> to vector<1000x64xf32>
    %bitcast_convert_type3A_47 = tpu.bitcast %slice3A_45 : vector<1000x64xf32> -> vector<1000x64xi32>
    %add3A_48 = arith.constant 32767 : i32
    %add3A_49 = vector.broadcast %add3A_48 : i32 to vector<1000x64xi32>
    %add3A_50 = arith.addi %bitcast_convert_type3A_47, %add3A_49 : vector<1000x64xi32>
    %shift_right_logical3A_51 = arith.constant 16 : i32
    %shift_right_logical3A_52 = vector.broadcast %shift_right_logical3A_51 : i32 to vector<1000x64xi32>
    %shift_right_logical3A_53 = arith.shrui %bitcast_convert_type3A_47, %shift_right_logical3A_52 : vector<1000x64xi32>
    %and3A_54 = arith.constant 1 : i32
    %and3A_55 = vector.broadcast %and3A_54 : i32 to vector<1000x64xi32>
    %and3A_56 = arith.andi %shift_right_logical3A_53, %and3A_55 : vector<1000x64xi32>
    %add3A_57 = arith.addi %add3A_50, %and3A_56 : vector<1000x64xi32>
    %shift_right_logical3A_58 = arith.constant 16 : i32
    %shift_right_logical3A_59 = vector.broadcast %shift_right_logical3A_58 : i32 to vector<1000x64xi32>
    %shift_right_logical3A_60 = arith.shrui %add3A_57, %shift_right_logical3A_59 : vector<1000x64xi32>
    %bitcast_convert_type3A_61 = tpu.bitcast %slice3A_46 : vector<1000x64xf32> -> vector<1000x64xi32>
    %add3A_62 = arith.constant 32767 : i32
    %add3A_63 = vector.broadcast %add3A_62 : i32 to vector<1000x64xi32>
    %add3A_64 = arith.addi %bitcast_convert_type3A_61, %add3A_63 : vector<1000x64xi32>
    %shift_right_logical3A_65 = arith.constant 16 : i32
    %shift_right_logical3A_66 = vector.broadcast %shift_right_logical3A_65 : i32 to vector<1000x64xi32>
    %shift_right_logical3A_67 = arith.shrui %bitcast_convert_type3A_61, %shift_right_logical3A_66 : vector<1000x64xi32>
    %and3A_68 = arith.constant 1 : i32
    %and3A_69 = vector.broadcast %and3A_68 : i32 to vector<1000x64xi32>
    %and3A_70 = arith.andi %shift_right_logical3A_67, %and3A_69 : vector<1000x64xi32>
    %add3A_71 = arith.addi %add3A_64, %and3A_70 : vector<1000x64xi32>
    %shift_right_logical3A_72 = arith.constant 16 : i32
    %shift_right_logical3A_73 = vector.broadcast %shift_right_logical3A_72 : i32 to vector<1000x64xi32>
    %shift_right_logical3A_74 = arith.shrui %add3A_71, %shift_right_logical3A_73 : vector<1000x64xi32>
    %shift_left3A_75 = arith.constant 16 : i32
    %shift_left3A_76 = vector.broadcast %shift_left3A_75 : i32 to vector<1000x64xi32>
    %shift_left3A_77 = arith.shli %shift_right_logical3A_74, %shift_left3A_76 : vector<1000x64xi32>
    %or3A_78 = arith.ori %shift_right_logical3A_60, %shift_left3A_77 : vector<1000x64xi32>
    %swap3A_79 = arith.constant 0 : index
    %swap3A_80 = arith.constant 0 : index
    %swap3A_81 = vector.load %arg6[%swap3A_79, %swap3A_80] : memref<1000x64xi32, #tpu.memory_space<vmem>>, vector<1000x64xi32>
    tpu.vector_store %arg6[%swap3A_79, %swap3A_80], %or3A_78 {strides = array<i32>} : memref<1000x64xi32, #tpu.memory_space<vmem>>, vector<1000x64xi32>,
    return
  }
  func.func @transform_0(%arg0: i32) -> (i32, i32) {
    %c0_i32 = arith.constant 0 : i32
    %c0_i32_0 = arith.constant 0 : i32
    return %arg0, %c0_i32 : i32, i32
  }
  func.func @transform_1(%arg0: i32) -> (i32, i32) {
    %c0_i32 = arith.constant 0 : i32
    %c0_i32_0 = arith.constant 0 : i32
    %c0_i32_1 = arith.constant 0 : i32
    return %c0_i32, %c0_i32_0 : i32, i32
  }
  func.func @transform_2(%arg0: i32) -> (i32, i32) {
    %c0_i32 = arith.constant 0 : i32
    %c0_i32_0 = arith.constant 0 : i32
    %c0_i32_1 = arith.constant 0 : i32
    return %c0_i32, %c0_i32_0 : i32, i32
  }
  func.func @transform_3(%arg0: i32) -> (i32, i32) {
    %c0_i32 = arith.constant 0 : i32
    %c0_i32_0 = arith.constant 0 : i32
    %c0_i32_1 = arith.constant 0 : i32
    return %c0_i32, %c0_i32_0 : i32, i32
  }
  func.func @transform_4(%arg0: i32) -> (i32, i32) {
    %c0_i32 = arith.constant 0 : i32
    %c0_i32_0 = arith.constant 0 : i32
    return %arg0, %c0_i32 : i32, i32
  }
  func.func @transform_5(%arg0: i32) -> (i32, i32) {
    %c0_i32 = arith.constant 0 : i32
    %c0_i32_0 = arith.constant 0 : i32
    return %arg0, %c0_i32 : i32, i32
  }
}

module attributes {stable_mosaic.version = 14 : i64} {
  func.func @_edge_body(%arg0: i32, %arg1: memref<2000x64xi32, #tpu.memory_space<vmem>>, %arg2: memref<2000x64xi32, #tpu.memory_space<vmem>>, %arg3: memref<2000x128xf32, #tpu.memory_space<vmem>>, %arg4: memref<128x128xbf16, #tpu.memory_space<vmem>>, %arg5: memref<64x128xbf16, #tpu.memory_space<vmem>>, %arg6: memref<64x128xbf16, #tpu.memory_space<vmem>>, %arg7: memref<1x128xf32, #tpu.memory_space<vmem>>, %arg8: memref<2000x128xf32, #tpu.memory_space<vmem>>) attributes {dimension_semantics = [#tpu.dimension_semantics<arbitrary>], iteration_bounds = array<i64: 160>, scalar_prefetch = 0 : i64, scratch_operands = 0 : i64, tpu.core_type = #tpu.core_type<tc>, window_params = [{transform_indices = @transform_0, window_bounds = array<i64: 2000, 64>}, {transform_indices = @transform_1, window_bounds = array<i64: 2000, 64>}, {transform_indices = @transform_2, window_bounds = array<i64: 2000, 128>}, {pipeline_mode = #tpu.pipeline_mode<synchronous>, transform_indices = @transform_3, window_bounds = array<i64: 128, 128>}, {pipeline_mode = #tpu.pipeline_mode<synchronous>, transform_indices = @transform_4, window_bounds = array<i64: 64, 128>}, {pipeline_mode = #tpu.pipeline_mode<synchronous>, transform_indices = @transform_5, window_bounds = array<i64: 64, 128>}, {pipeline_mode = #tpu.pipeline_mode<synchronous>, transform_indices = @transform_6, window_bounds = array<i64: 1, 128>}, {transform_indices = @transform_7, window_bounds = array<i64: 2000, 128>}]} {
    %get3A = arith.constant 0 : index
    %get3A_0 = arith.constant 0 : index
    %get3A_1 = vector.load %arg3[%get3A, %get3A_0] : memref<2000x128xf32, #tpu.memory_space<vmem>>, vector<2000x128xf32>
    %get3A_2 = arith.constant 0 : index
    %get3A_3 = arith.constant 0 : index
    %get3A_4 = vector.load %arg1[%get3A_2, %get3A_3] : memref<2000x64xi32, #tpu.memory_space<vmem>>, vector<2000x64xi32>
    %shift_left3A = arith.constant 16 : i32
    %shift_left3A_5 = vector.broadcast %shift_left3A : i32 to vector<2000x64xi32>
    %shift_left3A_6 = arith.shli %get3A_4, %shift_left3A_5 : vector<2000x64xi32>
    %bitcast_convert_type3A = tpu.bitcast %shift_left3A_6 : vector<2000x64xi32> -> vector<2000x64xf32>
    %and3A = arith.constant -65536 : i32
    %and3A_7 = vector.broadcast %and3A : i32 to vector<2000x64xi32>
    %and3A_8 = arith.andi %get3A_4, %and3A_7 : vector<2000x64xi32>
    %bitcast_convert_type3A_9 = tpu.bitcast %and3A_8 : vector<2000x64xi32> -> vector<2000x64xf32>
    %get3A_10 = arith.constant 0 : index
    %get3A_11 = arith.constant 0 : index
    %get3A_12 = vector.load %arg2[%get3A_10, %get3A_11] : memref<2000x64xi32, #tpu.memory_space<vmem>>, vector<2000x64xi32>
    %shift_left3A_13 = arith.constant 16 : i32
    %shift_left3A_14 = vector.broadcast %shift_left3A_13 : i32 to vector<2000x64xi32>
    %shift_left3A_15 = arith.shli %get3A_12, %shift_left3A_14 : vector<2000x64xi32>
    %bitcast_convert_type3A_16 = tpu.bitcast %shift_left3A_15 : vector<2000x64xi32> -> vector<2000x64xf32>
    %and3A_17 = arith.constant -65536 : i32
    %and3A_18 = vector.broadcast %and3A_17 : i32 to vector<2000x64xi32>
    %and3A_19 = arith.andi %get3A_12, %and3A_18 : vector<2000x64xi32>
    %bitcast_convert_type3A_20 = tpu.bitcast %and3A_19 : vector<2000x64xi32> -> vector<2000x64xf32>
    %convert_element_type3A = arith.truncf %get3A_1 : vector<2000x128xf32> to vector<2000x128xbf16>
    %get3A_21 = arith.constant 0 : index
    %get3A_22 = arith.constant 0 : index
    %get3A_23 = vector.load %arg4[%get3A_21, %get3A_22] : memref<128x128xbf16, #tpu.memory_space<vmem>>, vector<128x128xbf16>
    %dot_general3A = arith.constant dense<0.000000e+00> : vector<2000x128xf32>
    %dot_general3A_24 = tpu.matmul %convert_element_type3A, %get3A_23, %dot_general3A {dimension_numbers = #tpu.dot_dimension_numbers<[1], [0], [0], [1], [0, 0, 1, 1], [], []>, transpose_lhs_hint = false} : vector<2000x128xbf16>, vector<128x128xbf16>, vector<2000x128xf32> -> vector<2000x128xf32>
    %add3A = arith.addf %bitcast_convert_type3A, %bitcast_convert_type3A_16 : vector<2000x64xf32>
    %slice3A = vector.extract_strided_slice %dot_general3A_24 {offsets = [0, 0], sizes = [2000, 64], strides = [1, 1]} : vector<2000x128xf32> to vector<2000x64xf32>
    %add3A_25 = arith.addf %add3A, %slice3A : vector<2000x64xf32>
    %max3A = arith.constant 0.000000e+00 : f32
    %max3A_26 = vector.broadcast %max3A : f32 to vector<2000x64xf32>
    %max3A_27 = arith.maximumf %add3A_25, %max3A_26 : vector<2000x64xf32>
    %add3A_28 = arith.addf %bitcast_convert_type3A_9, %bitcast_convert_type3A_20 : vector<2000x64xf32>
    %slice3A_29 = vector.extract_strided_slice %dot_general3A_24 {offsets = [0, 64], sizes = [2000, 64], strides = [1, 1]} : vector<2000x128xf32> to vector<2000x64xf32>
    %add3A_30 = arith.addf %add3A_28, %slice3A_29 : vector<2000x64xf32>
    %max3A_31 = arith.constant 0.000000e+00 : f32
    %max3A_32 = vector.broadcast %max3A_31 : f32 to vector<2000x64xf32>
    %max3A_33 = arith.maximumf %add3A_30, %max3A_32 : vector<2000x64xf32>
    %convert_element_type3A_34 = arith.truncf %max3A_27 : vector<2000x64xf32> to vector<2000x64xbf16>
    %get3A_35 = arith.constant 0 : index
    %get3A_36 = arith.constant 0 : index
    %get3A_37 = vector.load %arg5[%get3A_35, %get3A_36] : memref<64x128xbf16, #tpu.memory_space<vmem>>, vector<64x128xbf16>
    %dot_general3A_38 = arith.constant dense<0.000000e+00> : vector<2000x128xf32>
    %dot_general3A_39 = tpu.matmul %convert_element_type3A_34, %get3A_37, %dot_general3A_38 {dimension_numbers = #tpu.dot_dimension_numbers<[1], [0], [0], [1], [0, 0, 1, 1], [], []>, transpose_lhs_hint = false} : vector<2000x64xbf16>, vector<64x128xbf16>, vector<2000x128xf32> -> vector<2000x128xf32>
    %convert_element_type3A_40 = arith.truncf %max3A_33 : vector<2000x64xf32> to vector<2000x64xbf16>
    %get3A_41 = arith.constant 0 : index
    %get3A_42 = arith.constant 0 : index
    %get3A_43 = vector.load %arg6[%get3A_41, %get3A_42] : memref<64x128xbf16, #tpu.memory_space<vmem>>, vector<64x128xbf16>
    %dot_general3A_44 = arith.constant dense<0.000000e+00> : vector<2000x128xf32>
    %dot_general3A_45 = tpu.matmul %convert_element_type3A_40, %get3A_43, %dot_general3A_44 {dimension_numbers = #tpu.dot_dimension_numbers<[1], [0], [0], [1], [0, 0, 1, 1], [], []>, transpose_lhs_hint = false} : vector<2000x64xbf16>, vector<64x128xbf16>, vector<2000x128xf32> -> vector<2000x128xf32>
    %add3A_46 = arith.addf %dot_general3A_39, %dot_general3A_45 : vector<2000x128xf32>
    %add3A_47 = arith.addf %add3A_46, %get3A_1 : vector<2000x128xf32>
    %get3A_48 = arith.constant 0 : index
    %get3A_49 = arith.constant 0 : index
    %get3A_50 = vector.load %arg7[%get3A_48, %get3A_49] : memref<1x128xf32, #tpu.memory_space<vmem>>, vector<1x128xf32>
    %add3A_51 = vector.broadcast %get3A_50 : vector<1x128xf32> to vector<2000x128xf32>
    %add3A_52 = arith.addf %add3A_47, %add3A_51 : vector<2000x128xf32>
    %swap3A = arith.constant 0 : index
    %swap3A_53 = arith.constant 0 : index
    %swap3A_54 = vector.load %arg8[%swap3A, %swap3A_53] : memref<2000x128xf32, #tpu.memory_space<vmem>>, vector<2000x128xf32>
    tpu.vector_store %arg8[%swap3A, %swap3A_53], %add3A_52 {strides = array<i32>} : memref<2000x128xf32, #tpu.memory_space<vmem>>, vector<2000x128xf32>,
    return
  }
  func.func @transform_0(%arg0: i32) -> (i32, i32) {
    %c0_i32 = arith.constant 0 : i32
    %c0_i32_0 = arith.constant 0 : i32
    return %arg0, %c0_i32 : i32, i32
  }
  func.func @transform_1(%arg0: i32) -> (i32, i32) {
    %c0_i32 = arith.constant 0 : i32
    %c0_i32_0 = arith.constant 0 : i32
    return %arg0, %c0_i32 : i32, i32
  }
  func.func @transform_2(%arg0: i32) -> (i32, i32) {
    %c0_i32 = arith.constant 0 : i32
    %c0_i32_0 = arith.constant 0 : i32
    return %arg0, %c0_i32 : i32, i32
  }
  func.func @transform_3(%arg0: i32) -> (i32, i32) {
    %c0_i32 = arith.constant 0 : i32
    %c0_i32_0 = arith.constant 0 : i32
    %c0_i32_1 = arith.constant 0 : i32
    return %c0_i32, %c0_i32_0 : i32, i32
  }
  func.func @transform_4(%arg0: i32) -> (i32, i32) {
    %c0_i32 = arith.constant 0 : i32
    %c0_i32_0 = arith.constant 0 : i32
    %c0_i32_1 = arith.constant 0 : i32
    return %c0_i32, %c0_i32_0 : i32, i32
  }
  func.func @transform_5(%arg0: i32) -> (i32, i32) {
    %c0_i32 = arith.constant 0 : i32
    %c0_i32_0 = arith.constant 0 : i32
    %c0_i32_1 = arith.constant 0 : i32
    return %c0_i32, %c0_i32_0 : i32, i32
  }
  func.func @transform_6(%arg0: i32) -> (i32, i32) {
    %c0_i32 = arith.constant 0 : i32
    %c0_i32_0 = arith.constant 0 : i32
    %c0_i32_1 = arith.constant 0 : i32
    return %c0_i32, %c0_i32_0 : i32, i32
  }
  func.func @transform_7(%arg0: i32) -> (i32, i32) {
    %c0_i32 = arith.constant 0 : i32
    %c0_i32_0 = arith.constant 0 : i32
    return %arg0, %c0_i32 : i32, i32
  }
}

module attributes {stable_mosaic.version = 14 : i64} {
  func.func @_node_body(%arg0: i32, %arg1: memref<1000x128xf32, #tpu.memory_space<vmem>>, %arg2: memref<1000x64xf32, #tpu.memory_space<vmem>>, %arg3: memref<1000x64xf32, #tpu.memory_space<vmem>>, %arg4: memref<128x128xf32, #tpu.memory_space<vmem>>, %arg5: memref<128x128xf32, #tpu.memory_space<vmem>>, %arg6: memref<1x128xf32, #tpu.memory_space<vmem>>, %arg7: memref<128x128xf32, #tpu.memory_space<vmem>>, %arg8: memref<1x128xf32, #tpu.memory_space<vmem>>, %arg9: memref<1000x128xf32, #tpu.memory_space<vmem>>) attributes {dimension_semantics = [#tpu.dimension_semantics<arbitrary>], iteration_bounds = array<i64: 10>, scalar_prefetch = 0 : i64, scratch_operands = 0 : i64, tpu.core_type = #tpu.core_type<tc>, window_params = [{transform_indices = @transform_0, window_bounds = array<i64: 1000, 128>}, {transform_indices = @transform_1, window_bounds = array<i64: 1000, 64>}, {transform_indices = @transform_2, window_bounds = array<i64: 1000, 64>}, {pipeline_mode = #tpu.pipeline_mode<synchronous>, transform_indices = @transform_3, window_bounds = array<i64: 128, 128>}, {pipeline_mode = #tpu.pipeline_mode<synchronous>, transform_indices = @transform_4, window_bounds = array<i64: 128, 128>}, {pipeline_mode = #tpu.pipeline_mode<synchronous>, transform_indices = @transform_5, window_bounds = array<i64: 1, 128>}, {pipeline_mode = #tpu.pipeline_mode<synchronous>, transform_indices = @transform_6, window_bounds = array<i64: 128, 128>}, {pipeline_mode = #tpu.pipeline_mode<synchronous>, transform_indices = @transform_7, window_bounds = array<i64: 1, 128>}, {transform_indices = @transform_8, window_bounds = array<i64: 1000, 128>}]} {
    %get3A = arith.constant 0 : index
    %get3A_0 = arith.constant 0 : index
    %get3A_1 = vector.load %arg2[%get3A, %get3A_0] : memref<1000x64xf32, #tpu.memory_space<vmem>>, vector<1000x64xf32>
    %get3A_2 = arith.constant 0 : index
    %get3A_3 = arith.constant 0 : index
    %get3A_4 = vector.load %arg3[%get3A_2, %get3A_3] : memref<1000x64xf32, #tpu.memory_space<vmem>>, vector<1000x64xf32>
    %concatenate3A = tpu.concatenate %get3A_1, %get3A_4 in 1 : vector<1000x64xf32>, vector<1000x64xf32> -> vector<1000x128xf32>
    %get3A_5 = arith.constant 0 : index
    %get3A_6 = arith.constant 0 : index
    %get3A_7 = vector.load %arg1[%get3A_5, %get3A_6] : memref<1000x128xf32, #tpu.memory_space<vmem>>, vector<1000x128xf32>
    %get3A_8 = arith.constant 0 : index
    %get3A_9 = arith.constant 0 : index
    %get3A_10 = vector.load %arg4[%get3A_8, %get3A_9] : memref<128x128xf32, #tpu.memory_space<vmem>>, vector<128x128xf32>
    %dot_general3A = arith.constant dense<0.000000e+00> : vector<1000x128xf32>
    %dot_general3A_11 = tpu.matmul %get3A_7, %get3A_10, %dot_general3A {dimension_numbers = #tpu.dot_dimension_numbers<[1], [0], [0], [1], [0, 0, 1, 1], [], []>, transpose_lhs_hint = false} : vector<1000x128xf32>, vector<128x128xf32>, vector<1000x128xf32> -> vector<1000x128xf32>
    %get3A_12 = arith.constant 0 : index
    %get3A_13 = arith.constant 0 : index
    %get3A_14 = vector.load %arg5[%get3A_12, %get3A_13] : memref<128x128xf32, #tpu.memory_space<vmem>>, vector<128x128xf32>
    %dot_general3A_15 = arith.constant dense<0.000000e+00> : vector<1000x128xf32>
    %dot_general3A_16 = tpu.matmul %concatenate3A, %get3A_14, %dot_general3A_15 {dimension_numbers = #tpu.dot_dimension_numbers<[1], [0], [0], [1], [0, 0, 1, 1], [], []>, transpose_lhs_hint = false} : vector<1000x128xf32>, vector<128x128xf32>, vector<1000x128xf32> -> vector<1000x128xf32>
    %add3A = arith.addf %dot_general3A_11, %dot_general3A_16 : vector<1000x128xf32>
    %get3A_17 = arith.constant 0 : index
    %get3A_18 = arith.constant 0 : index
    %get3A_19 = vector.load %arg6[%get3A_17, %get3A_18] : memref<1x128xf32, #tpu.memory_space<vmem>>, vector<1x128xf32>
    %add3A_20 = vector.broadcast %get3A_19 : vector<1x128xf32> to vector<1000x128xf32>
    %add3A_21 = arith.addf %add3A, %add3A_20 : vector<1000x128xf32>
    %max3A = arith.constant 0.000000e+00 : f32
    %max3A_22 = vector.broadcast %max3A : f32 to vector<1000x128xf32>
    %max3A_23 = arith.maximumf %add3A_21, %max3A_22 : vector<1000x128xf32>
    %get3A_24 = arith.constant 0 : index
    %get3A_25 = arith.constant 0 : index
    %get3A_26 = vector.load %arg7[%get3A_24, %get3A_25] : memref<128x128xf32, #tpu.memory_space<vmem>>, vector<128x128xf32>
    %dot_general3A_27 = arith.constant dense<0.000000e+00> : vector<1000x128xf32>
    %dot_general3A_28 = tpu.matmul %max3A_23, %get3A_26, %dot_general3A_27 {dimension_numbers = #tpu.dot_dimension_numbers<[1], [0], [0], [1], [0, 0, 1, 1], [], []>, transpose_lhs_hint = false} : vector<1000x128xf32>, vector<128x128xf32>, vector<1000x128xf32> -> vector<1000x128xf32>
    %get3A_29 = arith.constant 0 : index
    %get3A_30 = arith.constant 0 : index
    %get3A_31 = vector.load %arg8[%get3A_29, %get3A_30] : memref<1x128xf32, #tpu.memory_space<vmem>>, vector<1x128xf32>
    %add3A_32 = vector.broadcast %get3A_31 : vector<1x128xf32> to vector<1000x128xf32>
    %add3A_33 = arith.addf %dot_general3A_28, %add3A_32 : vector<1000x128xf32>
    %get3A_34 = arith.constant 0 : index
    %get3A_35 = arith.constant 0 : index
    %get3A_36 = vector.load %arg1[%get3A_34, %get3A_35] : memref<1000x128xf32, #tpu.memory_space<vmem>>, vector<1000x128xf32>
    %add3A_37 = arith.addf %add3A_33, %get3A_36 : vector<1000x128xf32>
    %swap3A = arith.constant 0 : index
    %swap3A_38 = arith.constant 0 : index
    %swap3A_39 = vector.load %arg9[%swap3A, %swap3A_38] : memref<1000x128xf32, #tpu.memory_space<vmem>>, vector<1000x128xf32>
    tpu.vector_store %arg9[%swap3A, %swap3A_38], %add3A_37 {strides = array<i32>} : memref<1000x128xf32, #tpu.memory_space<vmem>>, vector<1000x128xf32>,
    return
  }
  func.func @transform_0(%arg0: i32) -> (i32, i32) {
    %c0_i32 = arith.constant 0 : i32
    %c0_i32_0 = arith.constant 0 : i32
    return %arg0, %c0_i32 : i32, i32
  }
  func.func @transform_1(%arg0: i32) -> (i32, i32) {
    %c0_i32 = arith.constant 0 : i32
    %c0_i32_0 = arith.constant 0 : i32
    return %arg0, %c0_i32 : i32, i32
  }
  func.func @transform_2(%arg0: i32) -> (i32, i32) {
    %c0_i32 = arith.constant 0 : i32
    %c0_i32_0 = arith.constant 0 : i32
    return %arg0, %c0_i32 : i32, i32
  }
  func.func @transform_3(%arg0: i32) -> (i32, i32) {
    %c0_i32 = arith.constant 0 : i32
    %c0_i32_0 = arith.constant 0 : i32
    %c0_i32_1 = arith.constant 0 : i32
    return %c0_i32, %c0_i32_0 : i32, i32
  }
  func.func @transform_4(%arg0: i32) -> (i32, i32) {
    %c0_i32 = arith.constant 0 : i32
    %c0_i32_0 = arith.constant 0 : i32
    %c0_i32_1 = arith.constant 0 : i32
    return %c0_i32, %c0_i32_0 : i32, i32
  }
  func.func @transform_5(%arg0: i32) -> (i32, i32) {
    %c0_i32 = arith.constant 0 : i32
    %c0_i32_0 = arith.constant 0 : i32
    %c0_i32_1 = arith.constant 0 : i32
    return %c0_i32, %c0_i32_0 : i32, i32
  }
  func.func @transform_6(%arg0: i32) -> (i32, i32) {
    %c0_i32 = arith.constant 0 : i32
    %c0_i32_0 = arith.constant 0 : i32
    %c0_i32_1 = arith.constant 0 : i32
    return %c0_i32, %c0_i32_0 : i32, i32
  }
  func.func @transform_7(%arg0: i32) -> (i32, i32) {
    %c0_i32 = arith.constant 0 : i32
    %c0_i32_0 = arith.constant 0 : i32
    %c0_i32_1 = arith.constant 0 : i32
    return %c0_i32, %c0_i32_0 : i32, i32
  }
  func.func @transform_8(%arg0: i32) -> (i32, i32) {
    %c0_i32 = arith.constant 0 : i32
    %c0_i32_0 = arith.constant 0 : i32
    return %arg0, %c0_i32 : i32, i32
  }
}

</mosaic_0001>

<sc_bundles>
// kernel: kernel.6.cloned.1.call-start
scs
__scs_entry_jumppad:
0x0: {  	(pc) =	sbr.rel $0x88, $3  }
0x1: {  	(tag) =	ssettag $0x0;
	lr =	simm.s32 $0x1  }
0x2: {  	[smem:$0x3F96] =	sst lr;
	_ =	strace $0xD0000000  }
0x3: {  	_ = 	snop  }
0x4: {  	_ = 	snop  }
0x5: {  	_ = 	snop  }
0x6: {  	_ = 	snop  }
0x7: {  	_ = 	snop  }
__scs_overlays_trampoline_lowered:
0x8: {  	[smem:$0x3FA5] =	sst s0  }
0x9: {  	[smem:$0x3FA6] =	sst s1  }
0xa: {  	[smem:$0x3FA7] =	sst s2  }
0xb: {  	[smem:$0x3FA8] =	sst s3  }
0xc: {  	[smem:$0x3FA9] =	sst s4  }
0xd: {  	[smem:$0x3FAA] =	sst s5  }
0xe: {  	[smem:$0x3FAB] =	sst s6  }
0xf: {  	[smem:$0x3FAC] =	sst s7  }
0x10: {  	[smem:$0x3FAD] =	sst s8  }
0x11: {  	[smem:$0x3FAE] =	sst s9;
	s0 =	simm.s32 @!p0 $0x0  }
0x12: {  	s1 =	sld [smem:$0x3F94];
	s0 =	simm.s32 @p0 $0x1  }
0x13: {  	[smem:$0x3FAF] =	sst s0;
	s0 =	simm.s32 @!p1 $0x0  }
0x14: {  	s2 =	sld [smem:$0x3F93];
	s0 =	simm.s32 @p1 $0x1  }
0x15: {  	[smem:$0x3FB0] =	sst s0;
	s0 =	simm.s32 @!p2 $0x0  }
0x16: {  	s3 =	sld [smem:$0x3FDB];
	s0 =	simm.s32 @p2 $0x1  }
0x17: {  	s4 =	simm.s32 $0x1BF5;
	[smem:$0x3FB2] =	sst s0  }
0x18: {  	s0 =	sld [smem:$0x3F95];
	_ =	swait.ge [sflag:s4], $0x0  }
0x19: {  	s7 =	sld [smem:$0x3F96]  }
0x1a: {  	s8 =	sadd.s32 $0xFFFFE003, lr  }
0x1b: {  	s9 =	sadd.s32 $0xFFFFFEF7, lr;
	s5 =	simm.s32 $0xFFFFFFFF;
	p2 =	slt.u32 s8, $0xFFFFF086  }
0x1c: {  	p1 =	slt.u32 s9, $0xF7A;
	s5 =	simm.s32 @!p2 $0x0  }
0x1d: {  	s5 =	simm.s32 @p1 $0x1;
	p0 =	seq.s32 s7, s2  }
0x1e: {  	s7 =	smul.u32 @!p0 $0xF7A, s2;
	p2 =	seq.s32 @!p0 s5, $0x0  }
0x1f: {  	s9 =	smul.u32 $0xF7A, s1;
	s8 =	simm.s32 @!p0 $0x1BF5;
	p2 =	por !p2, p0  }
0x20: {  	[sflag:s8] =	ssyncset.s32 @!p0 $0xFFFFF086;
	s6 =	sadd.s32 @!p0 s3, s7;
	s7 =	simm.s32 @!p0 $0x108  }
0x21: {  	s3 =	sadd.s32 s3, s9;
	s6 =	sadd.s32 @!p0 $0x88, s6;
	s7 =	simm.s32 @p2 $0x1082  }
0x22: {  	[simem:s7], [sflag:s8] =	dma.local @!p0 [hbm:s6], $0xF7A  }
0x23: {  	s9 =	sor.u32 $0xD0000000, s2;
	s6 =	simm.s32 $0x108;
	_ =	swait.ge @!p0 [sflag:s8], $0x0  }
0x24: {  	s3 =	sadd.s32 $0x88, s3;
	s6 =	simm.s32 @!p1 $0x1082;
	[sflag:s4] =	ssyncset.s32 $0xFFFFF086  }
0x25: {  	[simem:s6], [sflag:s4] =	dma.local [hbm:s3], $0xF7A  }
0x26: {  	[smem:$0x3F96] =	sst s1;
	(tag) =	ssettag s2;
	_ =	strace s9  }
0x27: {  	s1 =	sld [smem:$0x3FA6]  }
0x28: {  	s2 =	sld [smem:$0x3FA7]  }
0x29: {  	s4 =	sld [smem:$0x3FA9]  }
0x2a: {  	p0 =	seq.s32 s5, $0x0;
	s5 =	sld [smem:$0x3FAA]  }
0x2b: {  	s6 =	sld [smem:$0x3FAB]  }
0x2c: {  	s7 =	sld [smem:$0x3FAC]  }
0x2d: {  	s3 =	simm.s32 $0x108;
	s8 =	sld [smem:$0x3FAD]  }
0x2e: {  	s3 =	simm.s32 @!p0 $0x1082;
	s9 =	sld [smem:$0x3FAE]  }
0x2f: {  	lr =	sadd.s32 s0, s3;
	s0 =	sld [smem:$0x3FA5]  }
0x30: {  	s3 =	sld [smem:$0x3FA8]  }
0x31: {  	[smem:$0x3FB1] =	sst s10  }
0x32: {  	s10 =	sld [smem:$0x3FAF];
	_ =	sdelay $0x3  }
0x33: {  	p0 =	seq.s32 s10, $0x1;
	s10 =	sld [smem:$0x3FB1];
	_ =	sdelay $0x3  }
0x34: {  	[smem:$0x3FB1] =	sst s10  }
0x35: {  	s10 =	sld [smem:$0x3FB0];
	_ =	sdelay $0x3  }
0x36: {  	p1 =	seq.s32 s10, $0x1;
	s10 =	sld [smem:$0x3FB1];
	_ =	sdelay $0x3  }
0x37: {  	[smem:$0x3FB1] =	sst s10  }
0x38: {  	s10 =	sld [smem:$0x3FB2]  }
0x39: {  	_ = 	snop;
	(pc) =	sbr.ind lr, $3  }
0x3a: {  	_ = 	snop  }
0x3b: {  	_ = 	snop  }
0x3c: {  	p2 =	seq.s32 s10, $0x1;
	s10 =	sld [smem:$0x3FB1]  }
0x3d: {  	_ =	shalt  }
0x3e: {  	_ =	shalt  }
0x3f: {  	_ =	shalt  }
0x40: {  	_ =	shalt  }
0x41: {  	_ =	shalt  }
0x42: {  	_ =	shalt  }
0x43: {  	_ =	shalt  }
0x44: {  	_ =	shalt  }
0x45: {  	_ =	shalt  }
0x46: {  	_ =	shalt  }
0x47: {  	_ =	shalt  }
0x48: {  	_ =	shalt  }
0x49: {  	_ =	shalt  }
0x4a: {  	_ =	shalt  }
0x4b: {  	_ =	shalt  }
0x4c: {  	_ =	shalt  }
0x4d: {  	_ =	shalt  }
0x4e: {  	_ =	shalt  }
0x4f: {  	_ =	shalt  }
0x50: {  	_ =	shalt  }
0x51: {  	_ =	shalt  }
0x52: {  	_ =	shalt  }
0x53: {  	_ =	shalt  }
0x54: {  	_ =	shalt  }
0x55: {  	_ =	shalt  }
0x56: {  	_ =	shalt  }
0x57: {  	_ =	shalt  }
0x58: {  	_ =	shalt  }
0x59: {  	_ =	shalt  }
0x5a: {  	_ =	shalt  }
0x5b: {  	_ =	shalt  }
0x5c: {  	_ =	shalt  }
0x5d: {  	_ =	shalt  }
0x5e: {  	_ =	shalt  }
0x5f: {  	_ =	shalt  }
0x60: {  	_ =	shalt  }
0x61: {  	_ =	shalt  }
0x62: {  	_ =	shalt  }
0x63: {  	_ =	shalt  }
0x64: {  	_ =	shalt  }
0x65: {  	_ =	shalt  }
0x66: {  	_ =	shalt  }
0x67: {  	_ =	shalt  }
0x68: {  	_ =	shalt  }
0x69: {  	_ =	shalt  }
0x6a: {  	_ =	shalt  }
0x6b: {  	_ =	shalt  }
0x6c: {  	_ =	shalt  }
0x6d: {  	_ =	shalt  }
0x6e: {  	_ =	shalt  }
0x6f: {  	_ =	shalt  }
0x70: {  	_ =	shalt  }
0x71: {  	_ =	shalt  }
0x72: {  	_ =	shalt  }
0x73: {  	_ =	shalt  }
0x74: {  	_ =	shalt  }
0x75: {  	_ =	shalt  }
0x76: {  	_ =	shalt  }
0x77: {  	_ =	shalt  }
0x78: {  	_ =	shalt  }
0x79: {  	_ =	shalt  }
0x7a: {  	_ =	shalt  }
0x7b: {  	_ =	shalt  }
0x7c: {  	_ =	shalt  }
0x7d: {  	_ =	shalt  }
0x7e: {  	_ =	shalt  }
0x7f: {  	_ =	shalt  }
0x80: {  	_ =	shalt  }
0x81: {  	_ =	shalt  }
0x82: {  	_ =	shalt  }
0x83: {  	_ =	shalt  }
0x84: {  	_ =	shalt  }
0x85: {  	_ =	shalt  }
0x86: {  	_ =	shalt  }
0x87: {  	_ =	shalt  }
.Lfunc_end0:
.L_simem_size_0:
called_computation_lowered:
.L_overlay_start_0:
0x88: {  	s2 =	sld [smem:$0x3FD9]  }
0x89: {  	s3 =	sld [smem:$0x3FFE];
	_ =	sdelay $0x1  }
0x8a: {  	s1 =	srdreg.scid  }
0x8b: {  	s0 =	sand.u32 $0x1, s1  }
0x8c: {  	s14 =	sshll.u32 s0, $0xA;
	s2 =	sadd.s32 s3, s2  }
0x8d: {  	s2 =	sadd.s32 s2, s14  }
0x8e: {  	[smem:$0x3FBD] =	sst s2  }
0x8f: {  	_ = 	snop  }
0x90: {  	s2 =	sld [smem:$0x3FD0];
	_ =	sdelay $0x2  }
0x91: {  	s4 =	simm.s32 $0xA;
	s5 =	simm.s32 $0x10;
	s15 =	sld [smem:$0x3FC8]  }
0x92: {  	[smem:s5], [sflag:s4] =	dma.local [hbm:s2], $0x1  }
0x93: {  	_ =	swait.eq [sflag:s4], $0x1  }
0x94: {  	[sflag:s4] =	ssyncset.done $0x0  }
0x95: {  	s16 =	sld [smem:$0x10];
	[sflag:s4] =	ssyncadd.s32 $0xFFFFFFFF  }
0x96: {  	s17 =	sld [smem:$0x11];
	(tm) =	ssettm $0x1  }
0x97: {  	s18 =	sld [smem:$0x3FFB];
	_ =	sdelay $0x3  }
0x98: {  	_ =	strace s18  }
0x99: {  	s5 =	sld [smem:$0x3FFC];
	_ =	sdelay $0x3  }
0x9a: {  	_ =	strace s5  }
0x9b: {  	s5 =	sld [smem:$0x3FFD];
	_ =	sdelay $0x3  }
0x9c: {  	_ =	strace s5  }
0x9d: {  	_ =	strace $0x8FFFFFFF  }
0x9e: {  	s19 =	sld [smem:$0x3FDB];
	_ =	sdelay $0x1  }
0x9f: {  	s6 =	simm.s32 $_scs_section_size  }
0xa0: {  	s7 =	simm.s32 $_size__tile_overlayer_lowered;
	s8 =	simm.s32 $_tile_overlayer_lowered  }
0xa1: {  	s22 =	simm.s32 $0x1BFF;
	s21 =	sshll.u32 s8, $0x1;
	s5 =	sadd.s32 s6, s19  }
0xa2: {  	s9 =	simm.s32 $0x0;
	s20 =	sshll.u32 s7, $0x1;
	s7 =	sadd.s32 s21, s5  }
0xa3: {  	[timem:s9], [sflag:s22] =	dma.local [hbm:s7], s20  }
0xa4: {  	_ =	swait.ge [sflag:s22], s20  }
0xa5: {  	s6 =	ssub.s32 $0x0, s20;
	[sflag:s22] =	ssyncset.done $0x0  }
0xa6: {  	[sflag:s22] =	ssyncadd.s32 s6;
	_ =	sdelay $0x1  }
0xa7: {  	s23 =	simm.s32 $0x1B8B  }
0xa8: {  	_ =	swait.ge [sflag:s23], $0x1  }
0xa9: {  	[sflag:s23] =	ssyncset.done $0x0  }
0xaa: {  	s25 =	simm.s32 $0x1B8E;
	s24 =	sld [smem:$0x3FFE];
	[sflag:s23] =	ssyncadd.s32 $0xFFFFFFFF  }
0xab: {  	s26 =	simm.s32 $execute0_lowered;
	[smem:$0x3FD2] =	sst s25  }
0xac: {  	s7 =	sshll.u32 s26, $0x1;
	_ =	strace $0x80000046;
	[dreg:$0x1] =	wrdreg $0xFFFFFFFF  }
0xad: {  	s28 =	simm.s32 $_size_execute0_lowered;
	s5 =	sadd.s32 s5, s7;
	[dreg:$0x0] =	wrdreg $0x0  }
0xae: {  	s7 =	sshll.u32 s28, $0x1;
	[dreg:$0x2] =	wrdreg s5  }
0xaf: {  	[dreg:$0x3] =	wrdreg s7  }
0xb0: {  	[dreg:$0x4] =	wrdreg $0xC0  }
0xb1: {  	_ =	task [dreg:s9], $0x5FFFF  }
0xb2: {  	[dreg:$0x1] =	wrdreg $0xFFFFFFFF  }
0xb3: {  	[dreg:$0x0] =	wrdreg $0x60  }
0xb4: {  	[dreg:$0x2] =	wrdreg s24  }
0xb5: {  	[dreg:$0x3] =	wrdreg s15  }
0xb6: {  	[dreg:$0x4] =	wrdreg s17  }
0xb7: {  	[dreg:$0x5] =	wrdreg s16  }
0xb8: {  	[dreg:$0x6] =	wrdreg $0x106000  }
0xb9: {  	[dreg:$0x7] =	wrdreg $0x9  }
0xba: {  	_ =	task.clear_ibuf [dreg:s9], $0x8FFFF;
	_ =	strace $0x90000046  }
0xbb: {  	s29 =	simm.s32 $0x9;
	_ =	strace $0x80000048  }
0xbc: {  	_ =	swait.ge [sflag:s29], $0x1  }
0xbd: {  	[sflag:s29] =	ssyncadd.s32 $0xFFFFFFFF  }
0xbe: {  	_ =	strace $0x90000048  }
0xbf: {  	_ =	sfence  }
0xc0: {  	s30 =	sld [smem:$0x0];
	_ =	sdelay $0x2  }
0xc1: {  	s31 =	sshll.u32 s1, $0xD;
	s1 =	sshrl.u32 s1, $0x2  }
0xc2: {  	s3 =	sand.u32 $0x4000, s31;
	s1 =	sadd.s32 s1, s30  }
0xc3: {  	s0 =	sor.u32 s3, s0;
	s1 =	sshll.u32 s1, $0x11  }
0xc4: {  	s0 =	sor.u32 s1, s0  }
0xc5: {  	s0 =	sadd.s32 $0x8F2B, s0  }
0xc6: {  	[sflag:s0] =	ssyncadd.remote.s32 $0x1  }
0xc7: {  	_ =	sfence.sel $0xFFFF  }
0xc8: {  	[dreg:$0x0] =	wrdreg $0xFFFFFFFF;
	(pc) =	sbr.abs _section_cstart, $3  }
0xc9: {  	[dreg:$0x1] =	wrdreg $0xFFFFFFFF  }
0xca: {  	_ =	task.clear_ibuf [dreg:s9], $0x2FFFF;
	_ =	strace $0x9FFFFFFF  }
0xcb: {  	(tm) =	ssettm $0x7FFFFFFF  }
tec
execute0_lowered:
.L_overlay_start_1:
0x0: {  	(tag) =	ssettag $0x1  }
0x1: {  	s4 =	rddreg [dreg:$0x0]  }
0x2: {  	s1 =	rddreg [dreg:$0x1]  }
0x3: {  	s2 =	rddreg [dreg:$0x2]  }
0x4: {  	s12 =	rddreg [dreg:$0x3]  }
0x5: {  	s3 =	rddreg [dreg:$0x4];
	s24 =	simm.s32 $0x0;
	s13 =	stileid.u32  }
0x6: {  	s0 =	srdreg.scid;
	s17 =	simm.s32 $0x4E;
	[smem:$0x7FF] =	sst s24  }
0x7: {  	s5 =	sadd.s32 $0x16000, s4;
	s6 =	sadd.s32 $0xC200, s4;
	s14 =	smul.u32 $0x9C00, s13  }
0x8: {  	s15 =	sand.u32 $0x1, s0;
	s20 =	sshll.u32 s13, $0x1;
	s7 =	sadd.s32 $0x2400, s4  }
0x9: {  	p0 =	slt.u32 s13, $0x2;
	s23 =	smul.u32 $0x9C, s13;
	s25 =	smin.u32 s13, $0x4  }
0xa: {  	p1 =	slt.u32 s13, $0x4;
	_ =	strace $0x80000047;
	s8 =	ssub.s32 $0x2, s15  }
0xb: {  	s9 =	sor.u32 s15, s20;
	s17 =	simm.s32 @!p0 $0x4D;
	s20 =	smul.u32 $0x9C400, s15  }
0xc: {  	s21 =	sshrl.u32 s14, $0x3;
	s10 =	sshrl.u32 s8, $0x1;
	s11 =	smul.u32 $0x4E, s9  }
0xd: {  	s22 =	smin.u32 s9, $0x4;
	s9 =	simm.s32 $0x4F;
	s18 =	smul.u32 $0x56, s17  }
0xe: {  	s16 =	sadd.s32 s21, s4;
	s0 =	ssub.s32 s8, s10;
	s9 =	simm.s32 @!p0 $0x4E  }
0xf: {  	s10 =	sadd.s32 s25, s23;
	s28 =	sadd.s32 s14, s20;
	s20 =	sshrl.u32 s20, $0x3  }
0x10: {  	s14 =	sadd.s32 s14, s3;
	s23 =	sshll.u32 s15, $0x6;
	s8 =	sadd.s32 s22, s11  }
0x11: {  	s11 =	simm.s32 $0x9D;
	s26 =	sshll.u32 s10, $0x4;
	s18 =	sshrl.u32 s18, $0x8  }
0x12: {  	s22 =	simm.s32 $0x4C;
	[dreg:$0xb] =	wrdreg s14;
	s29 =	sadd.s32 $0x3D400, s16  }
0x13: {  	s0 =	smax.u32 s0, $0x1;
	s19 =	sshll.u32 s8, $0x4;
	[dreg:$0xc] =	wrdreg s29  }
0x14: {  	s18 =	smul.u32 $0x3, s18;
	s22 =	simm.s32 @!p0 $0x4B;
	[dreg:$0x1c] =	wrdreg s0  }
0x15: {  	p0 =	sne.s32 s13, $0x0;
	s21 =	sadd.s32 s6, s19;
	[dreg:$0xa] =	wrdreg s22  }
0x16: {  	s13 =	sshll.u32 s13, $0x6;
	s19 =	sadd.s32 s7, s19;
	[dreg:$0x6] =	wrdreg s21  }
0x17: {  	[dreg:$0x7] =	wrdreg s19;
	s19 =	sadd.s32 s6, s26;
	s30 =	ssub.s32 s17, s18  }
0x18: {  	s21 =	sadd.s32 $0x50E00, s4;
	[dreg:$0x8] =	wrdreg s19;
	s19 =	sshrl.u32 s28, $0x3  }
0x19: {  	s31 =	sand.u32 $0xFF, s30;
	s19 =	sadd.s32 s12, s19;
	s12 =	sadd.s32 s12, s20  }
0x1a: {  	s20 =	sadd.s32 $0x29A00, s4;
	s4 =	sadd.s32 $0x50C00, s4;
	[dreg:$0x9] =	wrdreg s19  }
0x1b: {  	s16 =	sadd.s32 s17, s8;
	s25 =	sadd.s32 $0xD, s31;
	[dreg:$0xd] =	wrdreg s4  }
0x1c: {  	s18 =	sshll.u32 s16, $0xA;
	s26 =	sor.u32 $0x10, s31;
	[dreg:$0x10] =	wrdreg s25  }
0x1d: {  	s14 =	sshll.u32 s31, $0xD;
	s28 =	sadd.s32 $0x13, s31;
	[dreg:$0x11] =	wrdreg s26  }
0x1e: {  	s19 =	sor.u32 $0x1C1D, s13;
	s17 =	sadd.s32 $0x6600, s14;
	[dreg:$0x12] =	wrdreg s28  }
0x1f: {  	s4 =	sor.u32 $0x600, s14;
	s14 =	simm.s32 $0x9C;
	[dreg:$0xe] =	wrdreg s17  }
0x20: {  	s13 =	sadd.s32 $0x16, s31;
	s25 =	sadd.s32 $0x13800, s12;
	[dreg:$0xf] =	wrdreg s4  }
0x21: {  	s4 =	sand.u32 $0x1FFFFC00, s18;
	s14 =	simm.s32 @!p1 $0x9B;
	[dreg:$0x13] =	wrdreg s13  }
0x22: {  	[dreg:$0x1b] =	wrdreg s25;
	s29 =	sand.u32 $0x1, s14;
	s30 =	sadd.s32 s2, s4  }
0x23: {  	s4 =	sadd.s32 s21, s4;
	s14 =	sand.u32 $0x3, s14;
	[dreg:$0x14] =	wrdreg s30  }
0x24: {  	s11 =	simm.s32 @!p1 $0x9C;
	[dreg:$0x15] =	wrdreg s4;
	s15 =	sadd.s32 $0x9, s14  }
0x25: {  	s0 =	simm.s32 $0x1D;
	s17 =	sadd.s32 $0x19, s29;
	[dreg:$0x17] =	wrdreg s15  }
0x26: {  	s12 =	simm.s32 $0x80;
	s18 =	sadd.s32 $0x1B, s29;
	[dreg:$0x19] =	wrdreg s17  }
0x27: {  	s31 =	sshll.u32 s29, $0xD;
	s29 =	sadd.s32 $0x9C000, s3;
	[dreg:$0x1a] =	wrdreg s18  }
0x28: {  	s4 =	sshll.u32 s14, $0x7;
	s30 =	sadd.s32 $0x13, s22;
	[dreg:$0x1e] =	wrdreg s29  }
0x29: {  	s14 =	simm.s32 $0x1;
	s13 =	sor.u32 $0xC600, s31;
	[dreg:$0x1f] =	wrdreg s30  }
0x2a: {  	s4 =	sor.u32 $0x400, s4;
	s14 =	simm.s32 @!p1 $0x0;
	[dreg:$0x16] =	wrdreg s13  }
0x2b: {  	s31 =	sadd.s32 $0x16, s22;
	s17 =	simm.s32 $0x0;
	[dreg:$0x18] =	wrdreg s4  }
0x2c: {  	s26 =	sxor.u32 $0x1, s14;
	s28 =	sadd.s32 $0x1B, s14;
	[smem:$0x7FD] =	sst s31  }
0x2d: {  	s14 =	simm.s32 $0x40;
	[dreg:$0x1d] =	wrdreg s28;
	s25 =	sadd.s32 $0x1B, s26  }
.LBB2_1:
0x2e: {  	s4 =	rddreg [dreg:$0x6]  }
0x2f: {  	s22 =	rddreg [dreg:$0x7]  }
0x30: {  	s26 =	rddreg [dreg:$0x8]  }
0x31: {  	[tilespmem:s24], [sflag:$0x1] =	stream.linear.gather [hbm4b:s4+s24], $0x80, $0x38;
	[tilespmem:$0x1A240] =	vst v63  }
0x32: {  	s13 =	simm.s32 $0x200;
	s30 =	rddreg [dreg:$0xb]  }
0x33: {  	[tilespmem:s13], [sflag:$0x5] =	stream.linear.gather [hbm4b:s22+s24], $0x80, $0x38;
	[tilespmem:$0x1A240] =	vst v63  }
0x34: {  	s28 =	simm.s32 $0x400;
	s31 =	rddreg [dreg:$0xc];
	s18 =	sshrl.u32 s30, $0x3  }
0x35: {  	[tilespmem:s28], [sflag:$0x9] =	stream.linear.gather [hbm4b:s26+s24], $0x80, $0x38;
	[tilespmem:$0x1A240] =	vst v63  }
0x36: {  	[spmem:s18], [sflag:s19] =	dma.local [hbm:s31], $0x1380  }
0x37: {  	_ =	swait.ge [sflag:s0], $0x1380  }
0x38: {  	[sflag:s0] =	ssyncset.done $0x0;
	s4 =	rddreg [dreg:$0x1e]  }
0x39: {  	[sflag:s0] =	ssyncadd.s32 $0xFFFFEC80;
	s22 =	sshrl.u32 @!p0 s4, $0x3;
	s4 =	rddreg [dreg:$0xd]  }
0x3a: {  	[spmem:s22], [sflag:s19] =	dma.local @!p0 [hbm:s4], $0x80  }
0x3b: {  	s4 =	simm.s32 @!p0 $0x1D  }
.Ltmp0:
0x3c: {  	_ =	swait.ge @!p0 [sflag:s4], $0x80;
	(pc) =	sbr.rel .LBB2_2-.Ltmp0, $4  }
0x3d: {  	[sflag:s4] =	ssyncset.done @!p0 $0x0  }
0x3e: {  	[sflag:s4] =	ssyncadd.s32 @!p0 $0xFFFFFF80  }
0x3f: {  	[bflag:$0x0] =	sbarrier.arrive $0xFFFF  }
0x40: {  	s29 =	simm.s32 $0x0  }
.LBB2_4:
0x41: {  	p1 =	sge.u32 s16, s11  }
0x42: {  	s13 =	sadd.s32 @!p1 s10, s16  }
0x43: {  	s28 =	sadd.s32 s10, s29;
	s4 =	sand.u32 @!p1 $0x3, s16;
	s13 =	sshll.u32 @!p1 s13, $0x4  }
0x44: {  	s24 =	simm.s32 @!p1 $0x0;
	s15 =	sshll.u32 @!p1 s4, $0x7;
	s13 =	sand.u32 @!p1 $0x1FFFFFF0, s13  }
0x45: {  	s4 =	sadd.s32 @!p1 $0x9, s4;
	s15 =	sor.u32 @!p1 $0x400, s15;
	s13 =	sadd.s32 @!p1 s6, s13  }
0x46: {  	[tilespmem:s15], [sflag:s4] =	stream.linear.gather @!p1 [hbm4b:s13+s24], $0x80, $0x38;
	[tilespmem:$0x1A240] =	vst v63  }
0x47: {  	p1 =	slt.u32 s29, $0x2;
	s15 =	sshll.u32 s28, $0xE  }
0x48: {  	s4 =	sand.u32 @!p1 $0x1, s29;
	s15 =	sor.u32 s23, s15  }
0x49: {  	s13 =	sadd.s32 @!p1 $0x1B, s4;
	s4 =	smov.u32 @p1 s29;
	s15 =	sshrl.u32 s15, $0x3  }
0x4a: {  	_ =	swait.ge @!p1 [sflag:s13], $0x2000;
	s30 =	sshll.u32 s4, $0xD;
	s4 =	sadd.s32 $0x19, s4  }
0x4b: {  	s15 =	sadd.s32 s1, s15;
	[sflag:s13] =	ssyncset.done @!p1 $0x0;
	s31 =	sand.u32 $0x3FFFE000, s30  }
0x4c: {  	[sflag:s13] =	ssyncadd.s32 @!p1 $0xFFFFE000;
	s13 =	sadd.s32 $0xC600, s31;
	p1 =	seq.s32 s29, $0x0  }
0x4d: {  	[tilespmem:s13], [sflag:s4] =	stream.strided.gather [hbm4b:s15+s14], $0x2000, s12, s14, $0x38;
	[tilespmem:$0x1A240] =	vst v63  }
0x4e: {  	s4 =	sadd.s32 @!p1 $0xFFFFFFFF, s29  }
0x4f: {  	s13 =	sand.u32 @!p1 $0x1, s4  }
0x50: {  	s15 =	sadd.s32 @!p1 $0x19, s13  }
0x51: {  	_ =	swait.ge @!p1 [sflag:s15], $0x2000  }
0x52: {  	s4 =	sand.u32 @!p1 $0x3, s4;
	[sflag:s15] =	ssyncset.done @!p1 $0x0  }
0x53: {  	[sflag:s15] =	ssyncadd.s32 @!p1 $0xFFFFE000;
	s15 =	sadd.s32 @!p1 $0x9, s4  }
0x54: {  	s24 =	sshll.u32 @!p1 s13, $0xD;
	s13 =	sadd.s32 @!p1 $0x1B, s13;
	_ =	swait.ge @!p1 [sflag:s15], $0x80  }
0x55: {  	s24 =	sor.u32 @!p1 $0xC600, s24;
	s4 =	sshll.u32 @!p1 s4, $0x7;
	[sflag:s15] =	ssyncset.done @!p1 $0x0  }
0x56: {  	s4 =	sor.u32 @!p1 $0x400, s4;
	[sflag:s15] =	ssyncadd.s32 @!p1 $0xFFFFFF80;
	s15 =	simm.s32 @!p1 $0x80  }
0x57: {  	[spmem:s3] =	stream.indirect.scatter.add.f32 @!p1 [tilespmem:s24], [sflag:s13], $0x40, s4, s15, $0xb8;
	[tilespmem:$0x1A240] =	vst v63  }
0x58: {  	p1 =	sne.s32 s16, s11  }
.Ltmp1:
0x59: {  	_ = 	snop;
	(pc) =	sbr.rel @!p1 .LBB2_5-.Ltmp1, $2  }
0x5a: {  	_ =	sdelay $0x2  }
0x5b: {  	s29 =	smov.u32 s16  }
.LBB2_2:
0x5c: {  	p1 =	sge.u32 s29, s9  }
.Ltmp2:
0x5d: {  	_ = 	snop;
	(pc) =	sbr.rel @p1 .LBB2_4-.Ltmp2, $2  }
0x5e: {  	_ =	sdelay $0x2  }
0x5f: {  	s16 =	sadd.s32 $0x1, s29  }
0x60: {  	p2 =	sge.u32 s16, s9;
	p1 =	slt.u32 s29, $0x3  }
0x61: {  	s4 =	sand.u32 @!p2 $0x3, s16;
	s30 =	sadd.s32 @!p2 s8, s16;
	s28 =	sadd.s32 @!p1 $0xFFFFFFFD, s29  }
0x62: {  	s15 =	simm.s32 @!p2 $0x0;
	s30 =	sshll.u32 @!p2 s30, $0x4;
	s24 =	smulhi.u32 @!p1 $0xAAAAAAAB, s28  }
0x63: {  	s31 =	sshll.u32 @!p2 s4, $0x7;
	s26 =	sadd.s32 @!p2 $0x1, s4;
	s30 =	sand.u32 @!p2 $0x1FFFFFF0, s30  }
0x64: {  	s4 =	sadd.s32 @!p2 $0x5, s4;
	s13 =	sadd.s32 @!p2 s6, s30;
	s24 =	sshrl.u32 @!p1 s24, $0x1  }
0x65: {  	[tilespmem:s31], [sflag:s26] =	stream.linear.gather @!p2 [hbm4b:s13+s15], $0x80, $0x38;
	[tilespmem:$0x1A240] =	vst v63  }
0x66: {  	s13 =	sor.u32 @!p2 $0x200, s31;
	s26 =	sadd.s32 @!p2 s7, s30;
	s24 =	smul.u32 @!p1 $0x3, s24  }
0x67: {  	[tilespmem:s13], [sflag:s4] =	stream.linear.gather @!p2 [hbm4b:s26+s15], $0x80, $0x38;
	[tilespmem:$0x1A240] =	vst v63  }
0x68: {  	s4 =	ssub.s32 @!p1 s28, s24  }
0x69: {  	s13 =	sadd.s32 @!p1 $0x13, s4  }
0x6a: {  	_ =	swait.ge @!p1 [sflag:s13], $0x2000  }
0x6b: {  	[sflag:s13] =	ssyncset.done @!p1 $0x0  }
0x6c: {  	s4 =	sadd.s32 @!p1 $0x16, s4;
	[sflag:s13] =	ssyncadd.s32 @!p1 $0xFFFFE000  }
0x6d: {  	s28 =	smulhi.u32 $0xAAAAAAAB, s29;
	_ =	swait.ge @!p1 [sflag:s4], $0x2000  }
0x6e: {  	s24 =	sand.u32 $0x3, s29;
	[sflag:s4] =	ssyncset.done @!p1 $0x0  }
0x6f: {  	s26 =	sadd.s32 $0x1, s24;
	s15 =	sshrl.u32 s28, $0x1;
	[sflag:s4] =	ssyncadd.s32 @!p1 $0xFFFFE000  }
0x70: {  	s15 =	smul.u32 $0x3, s15;
	_ =	swait.ge [sflag:s26], $0x80  }
0x71: {  	s30 =	sadd.s32 $0x5, s24;
	[sflag:s26] =	ssyncset.done $0x0  }
0x72: {  	s13 =	sshll.u32 s24, $0x7;
	s15 =	ssub.s32 s29, s15;
	[sflag:s26] =	ssyncadd.s32 $0xFFFFFF80  }
0x73: {  	s31 =	sadd.s32 $0xD, s15;
	p1 =	seq.s32 s29, $0x0;
	_ =	swait.ge [sflag:s30], $0x80  }
0x74: {  	s4 =	sshll.u32 s15, $0xD;
	s24 =	sadd.s32 @!p1 $0xFFFFFFFF, s29;
	[sflag:s30] =	ssyncset.done $0x0  }
0x75: {  	s26 =	sor.u32 $0x600, s4;
	[sflag:s30] =	ssyncadd.s32 $0xFFFFFF80;
	s30 =	smulhi.u32 @!p1 $0xAAAAAAAB, s24  }
0x76: {  	[tilespmem:s26], [sflag:s31] =	stream.indirect.gather [hbm4b:s5+s12], $0x40, s13, s12, $0xb8;
	[tilespmem:$0x1A240] =	vst v63  }
0x77: {  	s15 =	sor.u32 $0x10, s15;
	s26 =	sshrl.u32 @!p1 s30, $0x1  }
0x78: {  	s4 =	sadd.s32 $0x6600, s4;
	s13 =	sor.u32 $0x200, s13;
	s26 =	smul.u32 @!p1 $0x3, s26  }
0x79: {  	[tilespmem:s4], [sflag:s15] =	stream.indirect.gather [hbm4b:s20+s12], $0x40, s13, s12, $0xb8;
	[tilespmem:$0x1A240] =	vst v63  }
0x7a: {  	s4 =	ssub.s32 @!p1 s24, s26  }
0x7b: {  	s13 =	sadd.s32 @!p1 $0xD, s4  }
0x7c: {  	s16 =	simm.s32 @p1 $0x1;
	_ =	swait.ge @!p1 [sflag:s13], $0x2000  }
0x7d: {  	s30 =	simm.s32 @!p1 $0x0;
	s15 =	sadd.s32 @!p1 s8, s24;
	[sflag:s13] =	ssyncset.done @!p1 $0x0  }
0x7e: {  	s15 =	sshll.u32 @!p1 s15, $0xA;
	[sflag:s13] =	ssyncadd.s32 @!p1 $0xFFFFE000;
	s13 =	sor.u32 @!p1 $0x10, s4  }
0x7f: {  	s15 =	sand.u32 @!p1 $0x1FFFFC00, s15;
	s24 =	sshll.u32 @!p1 s4, $0xD;
	_ =	swait.ge @!p1 [sflag:s13], $0x2000  }
.Ltmp3:
0x80: {  	s28 =	sadd.s32 @!p1 s2, s15;
	[sflag:s13] =	ssyncset.done @!p1 $0x0;
	(pc) =	sbr.rel .LBB2_4-.Ltmp3, $4  }
0x81: {  	s26 =	sor.u32 @!p1 $0x600, s24;
	[sflag:s13] =	ssyncadd.s32 @!p1 $0xFFFFE000;
	s13 =	sadd.s32 @!p1 $0x13, s4  }
0x82: {  	[hbm4b:s28+s30] =	stream.linear.scatter @!p1 [tilespmem:s26], [sflag:s13], $0x2000, $0x38;
	[tilespmem:$0x1A240] =	vst v63  }
0x83: {  	s15 =	sadd.s32 @!p1 s21, s15;
	s4 =	sadd.s32 @!p1 $0x16, s4;
	s13 =	sadd.s32 @!p1 $0x6600, s24  }
0x84: {  	[hbm4b:s15+s30] =	stream.linear.scatter @!p1 [tilespmem:s13], [sflag:s4], $0x2000, $0x38;
	[tilespmem:$0x1A240] =	vst v63  }
.LBB2_5:
0x85: {  	s4 =	rddreg [dreg:$0x10]  }
0x86: {  	_ =	swait.ge [sflag:s4], $0x2000  }
0x87: {  	[sflag:s4] =	ssyncset.done $0x0  }
0x88: {  	s26 =	rddreg [dreg:$0x11];
	[sflag:s4] =	ssyncadd.s32 $0xFFFFE000  }
0x89: {  	_ =	swait.ge [sflag:s26], $0x2000  }
0x8a: {  	s31 =	rddreg [dreg:$0xa]  }
0x8b: {  	s13 =	rddreg [dreg:$0xf]  }
0x8c: {  	s15 =	rddreg [dreg:$0x12]  }
0x8d: {  	s24 =	simm.s32 $0x0;
	[sflag:s26] =	ssyncset.done $0x0;
	s16 =	rddreg [dreg:$0x14]  }
0x8e: {  	[sflag:s26] =	ssyncadd.s32 $0xFFFFE000;
	s28 =	smulhi.u32 $0xAAAAAAAB, s31;
	s26 =	rddreg [dreg:$0x13]  }
0x8f: {  	[hbm4b:s16+s24] =	stream.linear.scatter [tilespmem:s13], [sflag:s15], $0x2000, $0x38;
	[tilespmem:$0x1A240] =	vst v63  }
0x90: {  	s16 =	rddreg [dreg:$0xe];
	s4 =	sshrl.u32 s28, $0x1  }
0x91: {  	s28 =	rddreg [dreg:$0x15];
	s4 =	smul.u32 $0xFFFFFFF4, s4  }
0x92: {  	[hbm4b:s28+s24] =	stream.linear.scatter [tilespmem:s16], [sflag:s26], $0x2000, $0x38;
	[tilespmem:$0x1A240] =	vst v63  }
0x93: {  	s30 =	rddreg [dreg:$0x1f];
	s4 =	sshra.s32 s4, $0x2  }
0x94: {  	s26 =	sadd.s32 s4, s30  }
0x95: {  	_ =	swait.ge [sflag:s26], $0x2000  }
0x96: {  	s28 =	sld [smem:$0x7FD];
	_ =	sdelay $0x1  }
0x97: {  	[sflag:s26] =	ssyncset.done $0x0  }
0x98: {  	[sflag:s26] =	ssyncadd.s32 $0xFFFFE000;
	s4 =	sadd.s32 s4, s28  }
0x99: {  	_ =	swait.ge [sflag:s4], $0x2000  }
0x9a: {  	s16 =	simm.s32 $0x2;
	s29 =	sadd.s32 $0x1, s28;
	[sflag:s4] =	ssyncset.done $0x0  }
.LBB2_6:
0x9b: {  	[sflag:s4] =	ssyncadd.s32 $0xFFFFE000;
	s30 =	sadd.s32 $0x1, s30;
	s31 =	sadd.s32 $0x1, s31  }
0x9c: {  	p1 =	sne.s32 s16, $0x1;
	s16 =	sadd.s32 $0xFFFFFFFF, s16;
	s4 =	smulhi.u32 $0xAAAAAAAB, s31  }
0x9d: {  	_ = 	snop  }
0x9e: {  	s4 =	sshrl.u32 s4, $0x1  }
0x9f: {  	s4 =	smul.u32 $0xFFFFFFF4, s4;
	_ =	sdelay $0x1  }
0xa0: {  	s4 =	sshra.s32 s4, $0x2  }
0xa1: {  	s13 =	sadd.s32 s4, s30  }
.Ltmp4:
0xa2: {  	_ =	swait.ge [sflag:s13], $0x2000;
	(pc) =	sbr.rel @p1 .LBB2_6-.Ltmp4, $4  }
0xa3: {  	[sflag:s13] =	ssyncset.done $0x0  }
0xa4: {  	s4 =	sadd.s32 s4, s29;
	[sflag:s13] =	ssyncadd.s32 $0xFFFFE000  }
0xa5: {  	_ =	swait.ge [sflag:s4], $0x2000  }
0xa6: {  	s29 =	sadd.s32 $0x1, s29;
	[sflag:s4] =	ssyncset.done $0x0  }
0xa7: {  	[sflag:s4] =	ssyncadd.s32 $0xFFFFE000;
	s16 =	rddreg [dreg:$0x19]  }
0xa8: {  	_ =	swait.ge [sflag:s16], $0x2000  }
0xa9: {  	[sflag:s16] =	ssyncset.done $0x0  }
0xaa: {  	s26 =	rddreg [dreg:$0x17];
	[sflag:s16] =	ssyncadd.s32 $0xFFFFE000  }
0xab: {  	_ =	swait.ge [sflag:s26], $0x80  }
0xac: {  	s28 =	rddreg [dreg:$0x16]  }
0xad: {  	s13 =	rddreg [dreg:$0x18]  }
0xae: {  	[sflag:s26] =	ssyncset.done $0x0;
	s15 =	rddreg [dreg:$0x1a]  }
0xaf: {  	s29 =	rddreg [dreg:$0x1d];
	[sflag:s26] =	ssyncadd.s32 $0xFFFFFF80  }
0xb0: {  	[spmem:s3] =	stream.indirect.scatter.add.f32 [tilespmem:s28], [sflag:s15], $0x40, s13, s12, $0xb8;
	[tilespmem:$0x1A240] =	vst v63  }
0xb1: {  	_ =	swait.ge [sflag:s29], $0x2000  }
0xb2: {  	[sflag:s29] =	ssyncset.done $0x0  }
0xb3: {  	[sflag:s29] =	ssyncadd.s32 $0xFFFFE000  }
0xb4: {  	_ =	swait.ge [sflag:s25], $0x2000  }
0xb5: {  	[sflag:s25] =	ssyncset.done $0x0  }
0xb6: {  	[sflag:s25] =	ssyncadd.s32 $0xFFFFE000  }
0xb7: {  	[bflag:$0x0] =	sbarrier.arrive $0xFFFF  }
0xb8: {  	s30 =	rddreg [dreg:$0x9]  }
0xb9: {  	[hbm:s30], [sflag:s19] =	dma.local [spmem:s18], $0x1380  }
0xba: {  	_ =	swait.ge [sflag:s0], $0x1380  }
0xbb: {  	[sflag:s0] =	ssyncset.done $0x0  }
0xbc: {  	s4 =	rddreg [dreg:$0x1b];
	[sflag:s0] =	ssyncadd.s32 $0xFFFFEC80  }
0xbd: {  	[hbm:s4], [sflag:s19] =	dma.local @!p0 [spmem:s22], $0x80  }
0xbe: {  	s4 =	simm.s32 @!p0 $0x1D  }
0xbf: {  	_ =	swait.ge @!p0 [sflag:s4], $0x80  }
0xc0: {  	s17 =	sadd.s32 $0x1, s17;
	s31 =	rddreg [dreg:$0x1c]  }
0xc1: {  	p1 =	sne.s32 s17, s31  }
.Ltmp5:
0xc2: {  	_ = 	snop;
	(pc) =	sbr.rel @p1 .LBB2_1-.Ltmp5, $3  }
0xc3: {  	_ =	sdelay $0x1  }
0xc4: {  	[sflag:s4] =	ssyncset.done @!p0 $0x0  }
0xc5: {  	[sflag:s4] =	ssyncadd.s32 @!p0 $0xFFFFFF80  }
0xc6: {  	_ =	sfence.sel $0x180000  }
0xc7: {  	[bflag:$0x0] =	sbarrier.arrive $0xFFFF  }
0xc8: {  	_ =	strace $0x90000047  }
0xc9: {  	[bflag:$0x2] =	sbarrier.arrive $0xFFFF  }
0xca: {  	s0 =	rddreg [dreg:$0x5]  }
0xcb: {  	s0 =	sadd.s32 @!p0 $0x100000, s0  }
0xcc: {  	[sflag:s0] =	ssyncadd.tile.s32 @!p0 $0x1;
	_ =	shalt  }
.Lfunc_end2:
_tile_overlayer_lowered:
.L_overlay_start_2:
0xcd: {  	(tag) =	ssettag $0x2  }
0xce: {  	s0 =	rddreg [dreg:$0x0];
	s2 =	stileid.u32  }
0xcf: {  	s1 =	rddreg [dreg:$0x1];
	p0 =	sne.s32 s2, $0x0  }
0xd0: {  	s3 =	rddreg [dreg:$0x2];
	[bflag:$0x3] =	sbarrier.arrive $0xFFFF;
	s2 =	simm.s32 @!p0 $0x1C1D  }
0xd1: {  	[timem:s3], [sflag:s2] =	dma.local @!p0 [hbm:s0], s1  }
0xd2: {  	s0 =	simm.s32 @!p0 $0x1D  }
0xd3: {  	_ =	swait.ge @!p0 [sflag:s0], s1  }
0xd4: {  	s1 =	ssub.s32 @!p0 $0x0, s1;
	[sflag:s0] =	ssyncset.done @!p0 $0x0  }
0xd5: {  	[sflag:s0] =	ssyncadd.s32 @!p0 s1  }
0xd6: {  	[bflag:$0x3] =	sbarrier.arrive $0xFFFF  }
0xd7: {  	_ =	shalt  }

</sc_bundles>
